<compile_context>
chip_gen: v7x
topology: tpu7x:2x2x1
jax: 0.10.2.dev20260603
libtpu: 0.0.44.dev20260713+nightly
codegen_flags: <defaults>
</compile_context>

<pallas_src>
import functools

import jax
import jax.numpy as jnp
from jax import lax
from jax.experimental import pallas as pl
from jax.experimental.pallas import tpu as pltpu
from jax.experimental.pallas import tpu_sc as plsc

N = 10000
E = 320000
H = 128
NG = 256
L = 4
V = 119
NP = 10240
BT = 1024
GRID = NP // BT
NC = 2
NS = 16
NW = NC * NS
CH = 128
NCH = 80
EPW = NCH * CH
E_PAD = NW * EPW
RPT = NP // NS
NBLK = 40

_f32 = jnp.float32



def _sc_deg_call(dst_r, ones_h, zeros_h):
    mesh = plsc.VectorSubcoreMesh(core_axis_name="c", subcore_axis_name="s")

    @functools.partial(
        pl.kernel,
        mesh=mesh,
        out_type=jax.ShapeDtypeStruct((NC, NP, H), _f32),
        scratch_types=[
            pltpu.VMEM((NCH, CH), jnp.int32),
            pltpu.VMEM((CH, H), _f32),
            pltpu.VMEM_SHARED((NP, H), _f32),
        ],
    )
    def k(dst_hbm, ones_hbm, zeros_hbm, out_hbm, dst_v, ones_v, acc_sh):
        cid = lax.axis_index("c")
        sid = lax.axis_index("s")
        wid = cid * NS + sid
        pltpu.sync_copy(zeros_hbm, acc_sh.at[pl.ds(sid * RPT, RPT)])
        pltpu.sync_copy(ones_hbm, ones_v)
        pltpu.sync_copy(dst_hbm.at[wid], dst_v)
        plsc.subcore_barrier()

        def body(j, carry):
            pltpu.sync_copy(ones_v, acc_sh.at[dst_v.at[j]], add=True)
            return carry

        lax.fori_loop(0, NCH, body, 0)
        plsc.subcore_barrier()
        pltpu.sync_copy(acc_sh.at[pl.ds(sid * RPT, RPT)],
                        out_hbm.at[cid, pl.ds(sid * RPT, RPT)])

    return k(dst_r, ones_h, zeros_h)


def _sc_scatter_call(ms, src_r, dst_r, zeros_h):
    mesh = plsc.VectorSubcoreMesh(core_axis_name="c", subcore_axis_name="s")

    @functools.partial(
        pl.kernel,
        mesh=mesh,
        out_type=jax.ShapeDtypeStruct((NC, NP, H), _f32),
        scratch_types=[
            pltpu.VMEM((NBLK, CH), jnp.int32),
            pltpu.VMEM((NBLK, CH), jnp.int32),
            pltpu.VMEM((CH, H), _f32),
            pltpu.VMEM((CH, H), _f32),
            pltpu.VMEM_SHARED((NP, H), _f32),
            pltpu.SemaphoreType.DMA,
            pltpu.SemaphoreType.DMA,
        ],
    )
    def k(ms_hbm, src_hbm, dst_hbm, zeros_hbm, out_hbm,
          src_v, dst_v, buf0, buf1, acc_sh, g0, g1):
        cid = lax.axis_index("c")
        sid = lax.axis_index("s")
        wid = cid * NS + sid
        pltpu.sync_copy(zeros_hbm, acc_sh.at[pl.ds(sid * RPT, RPT)])
        plsc.subcore_barrier()

        bufs = (buf0, buf1)
        sems = (g0, g1)
        for hb in range(NCH // NBLK):
            pltpu.sync_copy(src_hbm.at[wid, pl.ds(hb * NBLK, NBLK)], src_v)
            pltpu.sync_copy(dst_hbm.at[wid, pl.ds(hb * NBLK, NBLK)], dst_v)
            pltpu.async_copy(ms_hbm.at[src_v.at[0]], buf0, g0)

            def body(i, carry):
                for b in range(2):
                    j = 2 * i + b
                    pltpu.make_async_copy(
                        ms_hbm.at[src_v.at[j]], bufs[b], sems[b]).wait()

                    @pl.when(j + 1 < NBLK)
                    def _():
                        pltpu.async_copy(ms_hbm.at[src_v.at[j + 1]],
                                         bufs[1 - b], sems[1 - b])

                    pltpu.sync_copy(bufs[b], acc_sh.at[dst_v.at[j]],
                                    add=True)
                return carry

            lax.fori_loop(0, NBLK // 2, body, 0)

        plsc.subcore_barrier()
        pltpu.sync_copy(acc_sh.at[pl.ds(sid * RPT, RPT)],
                        out_hbm.at[cid, pl.ds(sid * RPT, RPT)])

    return k(ms, src_r, dst_r, zeros_h)



def _dot(a, b):
    return jnp.dot(a, b, preferred_element_type=_f32)


def _emb_body(x_ref, emb_ref, h_ref):
    xb = x_ref[0, 0, :]
    oh = (xb[:, None] == lax.broadcasted_iota(jnp.int32, (BT, H), 1)).astype(_f32)
    h_ref[...] = _dot(oh, emb_ref[...])


def _tc_emb(x_r, emb_p):
    return pl.pallas_call(
        _emb_body,
        grid=(GRID,),
        in_specs=[
            pl.BlockSpec((1, 1, BT), lambda n: (n, 0, 0)),
            pl.BlockSpec((H, H), lambda n: (0, 0)),
        ],
        out_specs=pl.BlockSpec((BT, H), lambda n: (n, 0)),
        out_shape=jax.ShapeDtypeStruct((NP, H), _f32),
    )(x_r, emb_p)


def _dis_ms_body(d0_ref, d1_ref, h_ref, w0_ref, dis_ref, ms_ref):
    deg = 1.0 + d0_ref[:, 0:1] + d1_ref[:, 0:1]
    dis = lax.rsqrt(jnp.maximum(deg, 1.0))
    disb = jnp.broadcast_to(dis, (BT, H))
    dis_ref[...] = disb
    ms_ref[...] = disb * _dot(h_ref[...], w0_ref[...])


def _tc_dis_ms(d0, d1, h, w0):
    blk = pl.BlockSpec((BT, H), lambda n: (n, 0))
    return pl.pallas_call(
        _dis_ms_body,
        grid=(GRID,),
        in_specs=[blk, blk, blk, pl.BlockSpec((H, H), lambda n: (0, 0))],
        out_specs=[blk, blk],
        out_shape=[
            jax.ShapeDtypeStruct((NP, H), _f32),
            jax.ShapeDtypeStruct((NP, H), _f32),
        ],
    )(d0, d1, h, w0)


def _layer_math(p0, p1, ms, h, dis, bc_r, g_r, b_r):
    t = p0 + p1 + ms
    agg = dis * t + bc_r
    hh = jax.nn.gelu(agg) + h
    mu = jnp.mean(hh, axis=1, keepdims=True)
    var = jnp.mean((hh - mu) ** 2, axis=1, keepdims=True)
    return (hh - mu) * lax.rsqrt(var + 1e-5) * g_r + b_r


def _layer_body(p0_ref, p1_ref, ms_ref, h_ref, dis_ref, w_ref,
                bc_ref, g_ref, b_ref, hn_ref, msn_ref):
    hn = _layer_math(p0_ref[...], p1_ref[...], ms_ref[...], h_ref[...],
                     dis_ref[...], bc_ref[...], g_ref[...], b_ref[...])
    hn_ref[...] = hn
    msn_ref[...] = dis_ref[...] * _dot(hn, w_ref[...])


def _tc_layer(p0, p1, ms, h, dis, w_next, bc_r, g_r, b_r):
    blk = pl.BlockSpec((BT, H), lambda n: (n, 0))
    row = pl.BlockSpec((1, H), lambda n: (0, 0))
    return pl.pallas_call(
        _layer_body,
        grid=(GRID,),
        in_specs=[blk, blk, blk, blk, blk,
                  pl.BlockSpec((H, H), lambda n: (0, 0)), row, row, row],
        out_specs=[blk, blk],
        out_shape=[
            jax.ShapeDtypeStruct((NP, H), _f32),
            jax.ShapeDtypeStruct((NP, H), _f32),
        ],
    )(p0, p1, ms, h, dis, w_next, bc_r, g_r, b_r)


def _final_body(p0_ref, p1_ref, ms_ref, h_ref, dis_ref, batch_ref,
                bc_ref, g_ref, b_ref, w1_ref, b1_ref, bng_ref, bnb_ref,
                w2_ref, b2_ref, out_ref, acc_pool, acc_cnt):
    n = pl.program_id(0)

    @pl.when(n == 0)
    def _():
        acc_pool[...] = jnp.zeros((NG, H), _f32)
        acc_cnt[...] = jnp.zeros((NG, H), _f32)

    hn = _layer_math(p0_ref[...], p1_ref[...], ms_ref[...], h_ref[...],
                     dis_ref[...], bc_ref[...], g_ref[...], b_ref[...])
    bb = batch_ref[0, 0, :]
    oh = (bb[None, :] == lax.broadcasted_iota(jnp.int32, (NG, BT), 0)).astype(_f32)
    acc_pool[...] = acc_pool[...] + _dot(oh, hn)
    cnt = jnp.sum(oh, axis=1, keepdims=True)
    acc_cnt[...] = acc_cnt[...] + jnp.broadcast_to(cnt, (NG, H))

    @pl.when(n == GRID - 1)
    def _():
        pooled = acc_pool[...] / jnp.maximum(acc_cnt[...], 1.0)
        z = _dot(pooled, w1_ref[...]) + b1_ref[...]
        z = z * bng_ref[...] * lax.rsqrt(jnp.float32(1.0 + 1e-5)) + bnb_ref[...]
        z = jax.nn.gelu(z)
        out_ref[...] = _dot(z, w2_ref[...]) + b2_ref[...]


def _tc_final(p0, p1, ms, h, dis, batch_r, bc_r, g_r, b_r,
              w1, b1_r, bng_r, bnb_r, w2, b2_r):
    blk = pl.BlockSpec((BT, H), lambda n: (n, 0))
    row = pl.BlockSpec((1, H), lambda n: (0, 0))
    mat = pl.BlockSpec((H, H), lambda n: (0, 0))
    return pl.pallas_call(
        _final_body,
        grid=(GRID,),
        in_specs=[blk, blk, blk, blk, blk,
                  pl.BlockSpec((1, 1, BT), lambda n: (n, 0, 0)),
                  row, row, row, mat, row, row, row, mat, row],
        out_specs=pl.BlockSpec((NG, H), lambda n: (0, 0)),
        out_shape=jax.ShapeDtypeStruct((NG, H), _f32),
        scratch_shapes=[
            pltpu.VMEM((NG, H), _f32),
            pltpu.VMEM((NG, H), _f32),
        ],
    )(p0, p1, ms, h, dis, batch_r, bc_r, g_r, b_r,
      w1, b1_r, bng_r, bnb_r, w2, b2_r)



def kernel(x, edge_index, edge_attr, batch, emb, Wc, bc, ln_g, ln_b,
           W1, b1, bn_g, bn_b, W2, b2):
    del edge_attr
    x = x.astype(jnp.int32)
    ei = edge_index.astype(jnp.int32)
    batch = batch.astype(jnp.int32)

    pad_e = E_PAD - E
    dummy_dst = N + (jnp.arange(pad_e, dtype=jnp.int32) % (NP - N))
    dummy_src = jnp.arange(pad_e, dtype=jnp.int32) % N
    src_r = jnp.concatenate([ei[0], dummy_src]).reshape(NW, NCH, CH)
    dst_r = jnp.concatenate([ei[1], dummy_dst]).reshape(NW, NCH, CH)

    x_r = jnp.pad(x, (0, NP - N), constant_values=V).reshape(GRID, 1, BT)
    batch_r = jnp.pad(batch, (0, NP - N),
                      constant_values=NG).reshape(GRID, 1, BT)
    emb_p = jnp.pad(emb, ((0, H - V), (0, 0)))

    ones_h = jnp.ones((CH, H), _f32)
    zeros_h = jnp.zeros((RPT, H), _f32)

    degp = _sc_deg_call(dst_r, ones_h, zeros_h)
    h = _tc_emb(x_r, emb_p)
    dis, ms = _tc_dis_ms(degp[0], degp[1], h, Wc[0])

    for l in range(L - 1):
        part = _sc_scatter_call(ms, src_r, dst_r, zeros_h)
        h, ms = _tc_layer(part[0], part[1], ms, h, dis, Wc[l + 1],
                          bc[l].reshape(1, H), ln_g[l].reshape(1, H),
                          ln_b[l].reshape(1, H))

    part = _sc_scatter_call(ms, src_r, dst_r, zeros_h)
    out = _tc_final(part[0], part[1], ms, h, dis, batch_r,
                    bc[L - 1].reshape(1, H), ln_g[L - 1].reshape(1, H),
                    ln_b[L - 1].reshape(1, H),
                    W1, b1.reshape(1, H), bn_g.reshape(1, H),
                    bn_b.reshape(1, H), W2, b2.reshape(1, H))
    return out

# --- scband reference (transcript-rebuilt; emitter-appended) ---
"""Pipeline reference for scband-gnnstacked-80977313399509 (READ-ONLY COPY).

The authoritative reference and input builder live on the scoring server;
editing this copy changes nothing except your own understanding.
"""

import jax, jax.numpy as jnp
import numpy as np

N = 10000
E = 320000
H = 128
D_E = 4
NG = 256
L = 4
V = 119


def setup_inputs(seed: int = 0) -> dict:
    key = jax.random.key(seed)
    ks = jax.random.split(key, 16)
    x = jax.random.randint(ks[0], (N,), 0, V)
    edge_index = jax.random.randint(ks[1], (2, E), 0, N)
    edge_attr = jax.random.normal(ks[2], (E, D_E), dtype=jnp.float32)
    batch = jnp.sort(jax.random.randint(ks[3], (N,), 0, NG))
    emb = jax.random.normal(ks[4], (V, H), dtype=jnp.float32) * 0.02
    Wc = jax.random.normal(ks[5], (L, H, H), dtype=jnp.float32) * (1.0 / np.sqrt(H))
    bc = jnp.zeros((L, H), jnp.float32)
    ln_g = jnp.ones((L, H), jnp.float32)
    ln_b = jnp.zeros((L, H), jnp.float32)
    W1 = jax.random.normal(ks[6], (H, H), dtype=jnp.float32) * (1.0 / np.sqrt(H))
    b1 = jnp.zeros((H,), jnp.float32)
    bn_g = jnp.ones((H,), jnp.float32)
    bn_b = jnp.zeros((H,), jnp.float32)
    W2 = jax.random.normal(ks[7], (H, H), dtype=jnp.float32) * (1.0 / np.sqrt(H))
    b2 = jnp.zeros((H,), jnp.float32)
    return {"x": x, "edge_index": edge_index, "edge_attr": edge_attr, "batch": batch,
            "emb": emb, "Wc": Wc, "bc": bc, "ln_g": ln_g, "ln_b": ln_b,
            "W1": W1, "b1": b1, "bn_g": bn_g, "bn_b": bn_b, "W2": W2, "b2": b2}


def _layer_norm(h, g, b):
    mu = h.mean(-1, keepdims=True)
    var = ((h - mu) ** 2).mean(-1, keepdims=True)
    return (h - mu) * jax.lax.rsqrt(var + 1e-5) * g + b


def reference(x, edge_index, edge_attr, batch, emb, Wc, bc, ln_g, ln_b, W1, b1, bn_g, bn_b, W2, b2):
    # add self loops (GCNConv default)
    loop = jnp.arange(N, dtype=edge_index.dtype)
    src = jnp.concatenate([edge_index[0], loop])
    dst = jnp.concatenate([edge_index[1], loop])
    deg = jax.ops.segment_sum(jnp.ones(src.shape[0], jnp.float32), dst, num_segments=N)
    dis = jax.lax.rsqrt(jnp.maximum(deg, 1.0))
    coef = (dis[src] * dis[dst])[:, None]
    # node encoder (atom embedding lookup)
    h = jnp.take(emb, x, axis=0)
    for l in range(L):
        res = h
        m = h @ Wc[l]
        msg = jnp.take(m, src, axis=0) * coef
        agg = jax.ops.segment_sum(msg, dst, num_segments=N) + bc[l]
        hh = jax.nn.gelu(agg)
        hh = hh + res  # residual (dropout p=0, eval mode)
        h = _layer_norm(hh, ln_g[l], ln_b[l])  # norm_pos='post'
    # global mean pool over graphs
    cnt = jax.ops.segment_sum(jnp.ones(N, jnp.float32), batch, num_segments=NG)
    s = jax.ops.segment_sum(h, batch, num_segments=NG)
    pooled = s / jnp.maximum(cnt, 1.0)[:, None]
    # post_proc MLP (BatchNorm in eval: running_mean=0, running_var=1)
    z = pooled @ W1 + b1
    z = z * bn_g * jax.lax.rsqrt(jnp.float32(1.0 + 1e-5)) + bn_b
    z = jax.nn.gelu(z)
    out = z @ W2 + b2
    return out

if __name__ == "__main__":
    import jax
    _d = setup_inputs()
    print(jax.jit(kernel)(*tuple(_d.values())))

</pallas_src>

<mosaic_0001>
#map = affine_map<(d0, d1) -> (0, 0, 0)>
#map1 = affine_map<(d0, d1) -> (0, 0)>
module attributes {stable_mosaic.version = 14 : i64} {
  func.func @k(%arg0: i32, %arg1: i32, %arg2: memref<32x80x128xi32, #tpu.memory_space<hbm>>, %arg3: memref<128x128xf32, #tpu.memory_space<hbm>>, %arg4: memref<640x128xf32, #tpu.memory_space<hbm>>, %arg5: memref<2x10240x128xf32, #tpu.memory_space<hbm>>, %arg6: memref<80x128xi32, #tpu.memory_space<vmem>>, %arg7: memref<128x128xf32, #tpu.memory_space<vmem>>, %arg8: memref<10240x128xf32, #tpu.memory_space<vmem_shared>>) attributes {dimension_semantics = [#tpu.dimension_semantics<core_parallel>, #tpu.dimension_semantics<subcore_parallel>], iteration_bounds = array<i64: 2, 16>, scalar_prefetch = 0 : i64, scratch_operands = 3 : i64, tpu.core_type = #tpu.core_type<sc_vector_subcore>, window_params = [{transform_indices = #map}, {transform_indices = #map1}, {transform_indices = #map1}, {transform_indices = #map}]} {
    %mul3A = arith.constant 16 : i32
    %mul3A_0 = arith.muli %arg0, %mul3A : i32
    %add3A = arith.addi %mul3A_0, %arg1 : i32
    %mul3A_1 = arith.constant 640 : i32
    %mul3A_2 = arith.muli %arg1, %mul3A_1 : i32
    "tpu.region"() ({
      %run_scoped3A = tpu.sem_alloc : memref<!tpu.dma_semaphore, #tpu.memory_space<semaphore_mem>>
      %dma_start3A = arith.constant 0 : i32
      %dma_start3A_13 = tpu.memref_slice %arg8[%mul3A_2, %dma_start3A] : memref<10240x128xf32, #tpu.memory_space<vmem_shared>> -> memref<640x128xf32, #tpu.memory_space<vmem_shared>>
      tpu.enqueue_dma source(%arg4 : memref<640x128xf32, #tpu.memory_space<hbm>>) target(%dma_start3A_13 : memref<640x128xf32, #tpu.memory_space<vmem_shared>>) target_semaphore(%run_scoped3A : memref<!tpu.dma_semaphore, #tpu.memory_space<semaphore_mem>>)
      %dma_wait3A = arith.constant 0 : i32
      %dma_wait3A_14 = tpu.memref_slice %arg8[%mul3A_2, %dma_wait3A] : memref<10240x128xf32, #tpu.memory_space<vmem_shared>> -> memref<640x128xf32, #tpu.memory_space<vmem_shared>>
      tpu.wait_dma2 semaphore(%run_scoped3A : memref<!tpu.dma_semaphore, #tpu.memory_space<semaphore_mem>>) src(%arg4 : memref<640x128xf32, #tpu.memory_space<hbm>>) dst(%dma_wait3A_14 : memref<640x128xf32, #tpu.memory_space<vmem_shared>>)
      tpu.yield
    }) : () -> ()
    "tpu.region"() ({
      %run_scoped3A = tpu.sem_alloc : memref<!tpu.dma_semaphore, #tpu.memory_space<semaphore_mem>>
      tpu.enqueue_dma source(%arg3 : memref<128x128xf32, #tpu.memory_space<hbm>>) target(%arg7 : memref<128x128xf32, #tpu.memory_space<vmem>>) target_semaphore(%run_scoped3A : memref<!tpu.dma_semaphore, #tpu.memory_space<semaphore_mem>>)
      tpu.wait_dma2 semaphore(%run_scoped3A : memref<!tpu.dma_semaphore, #tpu.memory_space<semaphore_mem>>) src(%arg3 : memref<128x128xf32, #tpu.memory_space<hbm>>) dst(%arg7 : memref<128x128xf32, #tpu.memory_space<vmem>>)
      tpu.yield
    }) : () -> ()
    "tpu.region"() ({
      %run_scoped3A = tpu.sem_alloc : memref<!tpu.dma_semaphore, #tpu.memory_space<semaphore_mem>>
      %dma_start3A = arith.constant 0 : i32
      %dma_start3A_13 = arith.constant 0 : i32
      %dma_start3A_14 = tpu.memref_slice %arg2[%add3A, %dma_start3A, %dma_start3A_13] : memref<32x80x128xi32, #tpu.memory_space<hbm>> -> memref<1x80x128xi32, #tpu.memory_space<hbm>>
      %dma_start3A_15 = tpu.memref_squeeze %dma_start3A_14 : memref<1x80x128xi32, #tpu.memory_space<hbm>> -> memref<80x128xi32, #tpu.memory_space<hbm>>
      %dma_start3A_16 = arith.constant 0 : i32
      %dma_start3A_17 = arith.constant 0 : i32
      %dma_start3A_18 = tpu.memref_slice %arg2[%add3A, %dma_start3A_16, %dma_start3A_17] : memref<32x80x128xi32, #tpu.memory_space<hbm>> -> memref<1x80x128xi32, #tpu.memory_space<hbm>>
      %dma_start3A_19 = tpu.memref_squeeze %dma_start3A_18 : memref<1x80x128xi32, #tpu.memory_space<hbm>> -> memref<80x128xi32, #tpu.memory_space<hbm>>
      tpu.enqueue_dma source(%dma_start3A_19 : memref<80x128xi32, #tpu.memory_space<hbm>>) target(%arg6 : memref<80x128xi32, #tpu.memory_space<vmem>>) target_semaphore(%run_scoped3A : memref<!tpu.dma_semaphore, #tpu.memory_space<semaphore_mem>>)
      %dma_wait3A = arith.constant 0 : i32
      %dma_wait3A_20 = arith.constant 0 : i32
      %dma_wait3A_21 = tpu.memref_slice %arg2[%add3A, %dma_wait3A, %dma_wait3A_20] : memref<32x80x128xi32, #tpu.memory_space<hbm>> -> memref<1x80x128xi32, #tpu.memory_space<hbm>>
      %dma_wait3A_22 = tpu.memref_squeeze %dma_wait3A_21 : memref<1x80x128xi32, #tpu.memory_space<hbm>> -> memref<80x128xi32, #tpu.memory_space<hbm>>
      %dma_wait3A_23 = arith.constant 0 : i32
      %dma_wait3A_24 = arith.constant 0 : i32
      %dma_wait3A_25 = tpu.memref_slice %arg2[%add3A, %dma_wait3A_23, %dma_wait3A_24] : memref<32x80x128xi32, #tpu.memory_space<hbm>> -> memref<1x80x128xi32, #tpu.memory_space<hbm>>
      %dma_wait3A_26 = tpu.memref_squeeze %dma_wait3A_25 : memref<1x80x128xi32, #tpu.memory_space<hbm>> -> memref<80x128xi32, #tpu.memory_space<hbm>>
      tpu.wait_dma2 semaphore(%run_scoped3A : memref<!tpu.dma_semaphore, #tpu.memory_space<semaphore_mem>>) src(%dma_wait3A_26 : memref<80x128xi32, #tpu.memory_space<hbm>>) dst(%arg6 : memref<80x128xi32, #tpu.memory_space<vmem>>)
      tpu.yield
    }) : () -> ()
    %barrier3A = arith.constant 0 : index
    tpu.barrier barrier_id(%barrier3A)
    %scan3A = arith.constant 0 : i32
    %scan3A_3 = arith.constant 0 : i32
    %scan3A_4 = arith.constant 80 : i32
    %scan3A_5 = arith.addi %scan3A_3, %scan3A_4 : i32
    %scan3A_6 = arith.constant 1 : i32
    scf.for %scan3A_13 = %scan3A_3 to %scan3A_5 step %scan3A_6  : i32 {
      "tpu.region"() ({
        %run_scoped3A = tpu.sem_alloc : memref<!tpu.dma_semaphore, #tpu.memory_space<semaphore_mem>>
        %dma_start3A = arith.constant 0 : i32
        %dma_start3A_14 = tpu.memref_slice %arg6[%scan3A_13, %dma_start3A] : memref<80x128xi32, #tpu.memory_space<vmem>> -> memref<1x128xi32, #tpu.memory_space<vmem>>
        %dma_start3A_15 = tpu.memref_squeeze %dma_start3A_14 : memref<1x128xi32, #tpu.memory_space<vmem>> -> memref<128xi32, #tpu.memory_space<vmem>>
        %dma_start3A_16 = arith.constant 0 : i32
        %dma_start3A_17 = arith.constant 0 : i32
        %dma_start3A_18 = tpu.memref_slice %arg8[%dma_start3A_16, %dma_start3A_17] : memref<10240x128xf32, #tpu.memory_space<vmem_shared>> -> memref<10240x128xf32, #tpu.memory_space<vmem_shared>>
        tpu.enqueue_indirect_dma source(%arg7 : memref<128x128xf32, #tpu.memory_space<vmem>>) target(%dma_start3A_18 : memref<10240x128xf32, #tpu.memory_space<vmem_shared>>) offsets(%dma_start3A_15 : memref<128xi32, #tpu.memory_space<vmem>>) semaphore(%run_scoped3A : memref<!tpu.dma_semaphore, #tpu.memory_space<semaphore_mem>>) {add = true}
        %dma_wait3A = arith.constant 0 : i32
        %dma_wait3A_19 = tpu.memref_slice %arg6[%scan3A_13, %dma_wait3A] : memref<80x128xi32, #tpu.memory_space<vmem>> -> memref<1x128xi32, #tpu.memory_space<vmem>>
        %dma_wait3A_20 = tpu.memref_squeeze %dma_wait3A_19 : memref<1x128xi32, #tpu.memory_space<vmem>> -> memref<128xi32, #tpu.memory_space<vmem>>
        %dma_wait3A_21 = arith.constant 0 : i32
        %dma_wait3A_22 = arith.constant 0 : i32
        %dma_wait3A_23 = tpu.memref_slice %arg8[%dma_wait3A_21, %dma_wait3A_22] : memref<10240x128xf32, #tpu.memory_space<vmem_shared>> -> memref<10240x128xf32, #tpu.memory_space<vmem_shared>>
        tpu.wait_indirect_dma semaphore(%run_scoped3A : memref<!tpu.dma_semaphore, #tpu.memory_space<semaphore_mem>>) src(%arg7 : memref<128x128xf32, #tpu.memory_space<vmem>>) dst(%dma_wait3A_23 : memref<10240x128xf32, #tpu.memory_space<vmem_shared>>)
        tpu.yield
      }) : () -> ()
    }
    %scan3A_7 = arith.constant 80 : i32
    %barrier3A_8 = arith.constant 0 : index
    tpu.barrier barrier_id(%barrier3A_8)
    %mul3A_9 = arith.constant 640 : i32
    %mul3A_10 = arith.muli %arg1, %mul3A_9 : i32
    %mul3A_11 = arith.constant 640 : i32
    %mul3A_12 = arith.muli %arg1, %mul3A_11 : i32
    "tpu.region"() ({
      %run_scoped3A = tpu.sem_alloc : memref<!tpu.dma_semaphore, #tpu.memory_space<semaphore_mem>>
      %dma_start3A = arith.constant 0 : i32
      %dma_start3A_13 = tpu.memref_slice %arg5[%arg0, %mul3A_12, %dma_start3A] : memref<2x10240x128xf32, #tpu.memory_space<hbm>> -> memref<1x640x128xf32, #tpu.memory_space<hbm>>
      %dma_start3A_14 = tpu.memref_squeeze %dma_start3A_13 : memref<1x640x128xf32, #tpu.memory_space<hbm>> -> memref<640x128xf32, #tpu.memory_space<hbm>>
      %dma_start3A_15 = arith.constant 0 : i32
      %dma_start3A_16 = tpu.memref_slice %arg8[%mul3A_10, %dma_start3A_15] : memref<10240x128xf32, #tpu.memory_space<vmem_shared>> -> memref<640x128xf32, #tpu.memory_space<vmem_shared>>
      tpu.enqueue_dma source(%dma_start3A_16 : memref<640x128xf32, #tpu.memory_space<vmem_shared>>) target(%dma_start3A_14 : memref<640x128xf32, #tpu.memory_space<hbm>>) target_semaphore(%run_scoped3A : memref<!tpu.dma_semaphore, #tpu.memory_space<semaphore_mem>>)
      %dma_wait3A = arith.constant 0 : i32
      %dma_wait3A_17 = tpu.memref_slice %arg5[%arg0, %mul3A_12, %dma_wait3A] : memref<2x10240x128xf32, #tpu.memory_space<hbm>> -> memref<1x640x128xf32, #tpu.memory_space<hbm>>
      %dma_wait3A_18 = tpu.memref_squeeze %dma_wait3A_17 : memref<1x640x128xf32, #tpu.memory_space<hbm>> -> memref<640x128xf32, #tpu.memory_space<hbm>>
      %dma_wait3A_19 = arith.constant 0 : i32
      %dma_wait3A_20 = tpu.memref_slice %arg8[%mul3A_10, %dma_wait3A_19] : memref<10240x128xf32, #tpu.memory_space<vmem_shared>> -> memref<640x128xf32, #tpu.memory_space<vmem_shared>>
      tpu.wait_dma2 semaphore(%run_scoped3A : memref<!tpu.dma_semaphore, #tpu.memory_space<semaphore_mem>>) src(%dma_wait3A_20 : memref<640x128xf32, #tpu.memory_space<vmem_shared>>) dst(%dma_wait3A_18 : memref<640x128xf32, #tpu.memory_space<hbm>>)
      tpu.yield
    }) : () -> ()
    return
  }
}

#map = affine_map<(d0, d1) -> (0, 0)>
#map1 = affine_map<(d0, d1) -> (0, 0, 0)>
module attributes {stable_mosaic.version = 14 : i64} {
  func.func @k(%arg0: i32, %arg1: i32, %arg2: memref<10240x128xf32, #tpu.memory_space<hbm>>, %arg3: memref<32x80x128xi32, #tpu.memory_space<hbm>>, %arg4: memref<32x80x128xi32, #tpu.memory_space<hbm>>, %arg5: memref<640x128xf32, #tpu.memory_space<hbm>>, %arg6: memref<2x10240x128xf32, #tpu.memory_space<hbm>>, %arg7: memref<40x128xi32, #tpu.memory_space<vmem>>, %arg8: memref<40x128xi32, #tpu.memory_space<vmem>>, %arg9: memref<128x128xf32, #tpu.memory_space<vmem>>, %arg10: memref<128x128xf32, #tpu.memory_space<vmem>>, %arg11: memref<10240x128xf32, #tpu.memory_space<vmem_shared>>, %arg12: memref<!tpu.dma_semaphore, #tpu.memory_space<semaphore_mem>>, %arg13: memref<!tpu.dma_semaphore, #tpu.memory_space<semaphore_mem>>) attributes {dimension_semantics = [#tpu.dimension_semantics<core_parallel>, #tpu.dimension_semantics<subcore_parallel>], iteration_bounds = array<i64: 2, 16>, scalar_prefetch = 0 : i64, scratch_operands = 7 : i64, tpu.core_type = #tpu.core_type<sc_vector_subcore>, window_params = [{transform_indices = #map}, {transform_indices = #map1}, {transform_indices = #map1}, {transform_indices = #map}, {transform_indices = #map1}]} {
    %mul3A = arith.constant 16 : i32
    %mul3A_0 = arith.muli %arg0, %mul3A : i32
    %add3A = arith.addi %mul3A_0, %arg1 : i32
    %mul3A_1 = arith.constant 640 : i32
    %mul3A_2 = arith.muli %arg1, %mul3A_1 : i32
    "tpu.region"() ({
      %run_scoped3A = tpu.sem_alloc : memref<!tpu.dma_semaphore, #tpu.memory_space<semaphore_mem>>
      %dma_start3A_32 = arith.constant 0 : i32
      %dma_start3A_33 = tpu.memref_slice %arg11[%mul3A_2, %dma_start3A_32] : memref<10240x128xf32, #tpu.memory_space<vmem_shared>> -> memref<640x128xf32, #tpu.memory_space<vmem_shared>>
      tpu.enqueue_dma source(%arg5 : memref<640x128xf32, #tpu.memory_space<hbm>>) target(%dma_start3A_33 : memref<640x128xf32, #tpu.memory_space<vmem_shared>>) target_semaphore(%run_scoped3A : memref<!tpu.dma_semaphore, #tpu.memory_space<semaphore_mem>>)
      %dma_wait3A = arith.constant 0 : i32
      %dma_wait3A_34 = tpu.memref_slice %arg11[%mul3A_2, %dma_wait3A] : memref<10240x128xf32, #tpu.memory_space<vmem_shared>> -> memref<640x128xf32, #tpu.memory_space<vmem_shared>>
      tpu.wait_dma2 semaphore(%run_scoped3A : memref<!tpu.dma_semaphore, #tpu.memory_space<semaphore_mem>>) src(%arg5 : memref<640x128xf32, #tpu.memory_space<hbm>>) dst(%dma_wait3A_34 : memref<640x128xf32, #tpu.memory_space<vmem_shared>>)
      tpu.yield
    }) : () -> ()
    %barrier3A = arith.constant 0 : index
    tpu.barrier barrier_id(%barrier3A)
    "tpu.region"() ({
      %run_scoped3A = tpu.sem_alloc : memref<!tpu.dma_semaphore, #tpu.memory_space<semaphore_mem>>
      %dma_start3A_32 = arith.constant 0 : i32
      %dma_start3A_33 = arith.constant 0 : i32
      %dma_start3A_34 = tpu.memref_slice %arg3[%add3A, %dma_start3A_32, %dma_start3A_33] : memref<32x80x128xi32, #tpu.memory_space<hbm>> -> memref<1x40x128xi32, #tpu.memory_space<hbm>>
      %dma_start3A_35 = tpu.memref_squeeze %dma_start3A_34 : memref<1x40x128xi32, #tpu.memory_space<hbm>> -> memref<40x128xi32, #tpu.memory_space<hbm>>
      %dma_start3A_36 = arith.constant 0 : i32
      %dma_start3A_37 = arith.constant 0 : i32
      %dma_start3A_38 = tpu.memref_slice %arg3[%add3A, %dma_start3A_36, %dma_start3A_37] : memref<32x80x128xi32, #tpu.memory_space<hbm>> -> memref<1x40x128xi32, #tpu.memory_space<hbm>>
      %dma_start3A_39 = tpu.memref_squeeze %dma_start3A_38 : memref<1x40x128xi32, #tpu.memory_space<hbm>> -> memref<40x128xi32, #tpu.memory_space<hbm>>
      tpu.enqueue_dma source(%dma_start3A_39 : memref<40x128xi32, #tpu.memory_space<hbm>>) target(%arg7 : memref<40x128xi32, #tpu.memory_space<vmem>>) target_semaphore(%run_scoped3A : memref<!tpu.dma_semaphore, #tpu.memory_space<semaphore_mem>>)
      %dma_wait3A = arith.constant 0 : i32
      %dma_wait3A_40 = arith.constant 0 : i32
      %dma_wait3A_41 = tpu.memref_slice %arg3[%add3A, %dma_wait3A, %dma_wait3A_40] : memref<32x80x128xi32, #tpu.memory_space<hbm>> -> memref<1x40x128xi32, #tpu.memory_space<hbm>>
      %dma_wait3A_42 = tpu.memref_squeeze %dma_wait3A_41 : memref<1x40x128xi32, #tpu.memory_space<hbm>> -> memref<40x128xi32, #tpu.memory_space<hbm>>
      %dma_wait3A_43 = arith.constant 0 : i32
      %dma_wait3A_44 = arith.constant 0 : i32
      %dma_wait3A_45 = tpu.memref_slice %arg3[%add3A, %dma_wait3A_43, %dma_wait3A_44] : memref<32x80x128xi32, #tpu.memory_space<hbm>> -> memref<1x40x128xi32, #tpu.memory_space<hbm>>
      %dma_wait3A_46 = tpu.memref_squeeze %dma_wait3A_45 : memref<1x40x128xi32, #tpu.memory_space<hbm>> -> memref<40x128xi32, #tpu.memory_space<hbm>>
      tpu.wait_dma2 semaphore(%run_scoped3A : memref<!tpu.dma_semaphore, #tpu.memory_space<semaphore_mem>>) src(%dma_wait3A_46 : memref<40x128xi32, #tpu.memory_space<hbm>>) dst(%arg7 : memref<40x128xi32, #tpu.memory_space<vmem>>)
      tpu.yield
    }) : () -> ()
    "tpu.region"() ({
      %run_scoped3A = tpu.sem_alloc : memref<!tpu.dma_semaphore, #tpu.memory_space<semaphore_mem>>
      %dma_start3A_32 = arith.constant 0 : i32
      %dma_start3A_33 = arith.constant 0 : i32
      %dma_start3A_34 = tpu.memref_slice %arg4[%add3A, %dma_start3A_32, %dma_start3A_33] : memref<32x80x128xi32, #tpu.memory_space<hbm>> -> memref<1x40x128xi32, #tpu.memory_space<hbm>>
      %dma_start3A_35 = tpu.memref_squeeze %dma_start3A_34 : memref<1x40x128xi32, #tpu.memory_space<hbm>> -> memref<40x128xi32, #tpu.memory_space<hbm>>
      %dma_start3A_36 = arith.constant 0 : i32
      %dma_start3A_37 = arith.constant 0 : i32
      %dma_start3A_38 = tpu.memref_slice %arg4[%add3A, %dma_start3A_36, %dma_start3A_37] : memref<32x80x128xi32, #tpu.memory_space<hbm>> -> memref<1x40x128xi32, #tpu.memory_space<hbm>>
      %dma_start3A_39 = tpu.memref_squeeze %dma_start3A_38 : memref<1x40x128xi32, #tpu.memory_space<hbm>> -> memref<40x128xi32, #tpu.memory_space<hbm>>
      tpu.enqueue_dma source(%dma_start3A_39 : memref<40x128xi32, #tpu.memory_space<hbm>>) target(%arg8 : memref<40x128xi32, #tpu.memory_space<vmem>>) target_semaphore(%run_scoped3A : memref<!tpu.dma_semaphore, #tpu.memory_space<semaphore_mem>>)
      %dma_wait3A = arith.constant 0 : i32
      %dma_wait3A_40 = arith.constant 0 : i32
      %dma_wait3A_41 = tpu.memref_slice %arg4[%add3A, %dma_wait3A, %dma_wait3A_40] : memref<32x80x128xi32, #tpu.memory_space<hbm>> -> memref<1x40x128xi32, #tpu.memory_space<hbm>>
      %dma_wait3A_42 = tpu.memref_squeeze %dma_wait3A_41 : memref<1x40x128xi32, #tpu.memory_space<hbm>> -> memref<40x128xi32, #tpu.memory_space<hbm>>
      %dma_wait3A_43 = arith.constant 0 : i32
      %dma_wait3A_44 = arith.constant 0 : i32
      %dma_wait3A_45 = tpu.memref_slice %arg4[%add3A, %dma_wait3A_43, %dma_wait3A_44] : memref<32x80x128xi32, #tpu.memory_space<hbm>> -> memref<1x40x128xi32, #tpu.memory_space<hbm>>
      %dma_wait3A_46 = tpu.memref_squeeze %dma_wait3A_45 : memref<1x40x128xi32, #tpu.memory_space<hbm>> -> memref<40x128xi32, #tpu.memory_space<hbm>>
      tpu.wait_dma2 semaphore(%run_scoped3A : memref<!tpu.dma_semaphore, #tpu.memory_space<semaphore_mem>>) src(%dma_wait3A_46 : memref<40x128xi32, #tpu.memory_space<hbm>>) dst(%arg8 : memref<40x128xi32, #tpu.memory_space<vmem>>)
      tpu.yield
    }) : () -> ()
    %dma_start3A = arith.constant 0 : i32
    %dma_start3A_3 = arith.constant 0 : i32
    %dma_start3A_4 = tpu.memref_slice %arg7[%dma_start3A, %dma_start3A_3] : memref<40x128xi32, #tpu.memory_space<vmem>> -> memref<1x128xi32, #tpu.memory_space<vmem>>
    %dma_start3A_5 = tpu.memref_squeeze %dma_start3A_4 : memref<1x128xi32, #tpu.memory_space<vmem>> -> memref<128xi32, #tpu.memory_space<vmem>>
    %dma_start3A_6 = arith.constant 0 : i32
    %dma_start3A_7 = arith.constant 0 : i32
    %dma_start3A_8 = tpu.memref_slice %arg2[%dma_start3A_6, %dma_start3A_7] : memref<10240x128xf32, #tpu.memory_space<hbm>> -> memref<10240x128xf32, #tpu.memory_space<hbm>>
    tpu.enqueue_indirect_dma source(%dma_start3A_8 : memref<10240x128xf32, #tpu.memory_space<hbm>>) target(%arg9 : memref<128x128xf32, #tpu.memory_space<vmem>>) offsets(%dma_start3A_5 : memref<128xi32, #tpu.memory_space<vmem>>) semaphore(%arg12 : memref<!tpu.dma_semaphore, #tpu.memory_space<semaphore_mem>>)
    %scan3A = arith.constant 0 : i32
    %scan3A_9 = arith.constant 0 : i32
    %scan3A_10 = arith.constant 20 : i32
    %scan3A_11 = arith.addi %scan3A_9, %scan3A_10 : i32
    %scan3A_12 = arith.constant 1 : i32
    scf.for %scan3A_32 = %scan3A_9 to %scan3A_11 step %scan3A_12  : i32 {
      %mul3A_33 = arith.constant 2 : i32
      %mul3A_34 = arith.muli %mul3A_33, %scan3A_32 : i32
      %add3A_35 = arith.constant 0 : i32
      %add3A_36 = arith.addi %mul3A_34, %add3A_35 : i32
      %dma_wait3A = arith.constant 0 : i32
      %dma_wait3A_37 = tpu.memref_slice %arg7[%add3A_36, %dma_wait3A] : memref<40x128xi32, #tpu.memory_space<vmem>> -> memref<1x128xi32, #tpu.memory_space<vmem>>
      %dma_wait3A_38 = tpu.memref_squeeze %dma_wait3A_37 : memref<1x128xi32, #tpu.memory_space<vmem>> -> memref<128xi32, #tpu.memory_space<vmem>>
      %dma_wait3A_39 = arith.constant 0 : i32
      %dma_wait3A_40 = arith.constant 0 : i32
      %dma_wait3A_41 = tpu.memref_slice %arg2[%dma_wait3A_39, %dma_wait3A_40] : memref<10240x128xf32, #tpu.memory_space<hbm>> -> memref<10240x128xf32, #tpu.memory_space<hbm>>
      tpu.wait_indirect_dma semaphore(%arg12 : memref<!tpu.dma_semaphore, #tpu.memory_space<semaphore_mem>>) src(%dma_wait3A_41 : memref<10240x128xf32, #tpu.memory_space<hbm>>) dst(%arg9 : memref<128x128xf32, #tpu.memory_space<vmem>>)
      %add3A_42 = arith.constant 1 : i32
      %add3A_43 = arith.addi %add3A_36, %add3A_42 : i32
      %lt3A = arith.constant 40 : i32
      %lt3A_44 = arith.cmpi slt, %add3A_43, %lt3A : i32
      %convert_element_type3A = arith.extui %lt3A_44 : i1 to i32
      %cond3A = arith.constant 0 : i32
      %cond3A_45 = arith.cmpi ne, %convert_element_type3A, %cond3A : i32
      scf.if %cond3A_45 {
        %add3A_63 = arith.constant 1 : i32
        %add3A_64 = arith.addi %add3A_36, %add3A_63 : i32
        %dma_start3A_65 = arith.constant 0 : i32
        %dma_start3A_66 = tpu.memref_slice %arg7[%add3A_64, %dma_start3A_65] : memref<40x128xi32, #tpu.memory_space<vmem>> -> memref<1x128xi32, #tpu.memory_space<vmem>>
        %dma_start3A_67 = tpu.memref_squeeze %dma_start3A_66 : memref<1x128xi32, #tpu.memory_space<vmem>> -> memref<128xi32, #tpu.memory_space<vmem>>
        %dma_start3A_68 = arith.constant 0 : i32
        %dma_start3A_69 = arith.constant 0 : i32
        %dma_start3A_70 = tpu.memref_slice %arg2[%dma_start3A_68, %dma_start3A_69] : memref<10240x128xf32, #tpu.memory_space<hbm>> -> memref<10240x128xf32, #tpu.memory_space<hbm>>
        tpu.enqueue_indirect_dma source(%dma_start3A_70 : memref<10240x128xf32, #tpu.memory_space<hbm>>) target(%arg10 : memref<128x128xf32, #tpu.memory_space<vmem>>) offsets(%dma_start3A_67 : memref<128xi32, #tpu.memory_space<vmem>>) semaphore(%arg13 : memref<!tpu.dma_semaphore, #tpu.memory_space<semaphore_mem>>)
      } else {
      }
      "tpu.region"() ({
        %run_scoped3A = tpu.sem_alloc : memref<!tpu.dma_semaphore, #tpu.memory_space<semaphore_mem>>
        %dma_start3A_63 = arith.constant 0 : i32
        %dma_start3A_64 = tpu.memref_slice %arg8[%add3A_36, %dma_start3A_63] : memref<40x128xi32, #tpu.memory_space<vmem>> -> memref<1x128xi32, #tpu.memory_space<vmem>>
        %dma_start3A_65 = tpu.memref_squeeze %dma_start3A_64 : memref<1x128xi32, #tpu.memory_space<vmem>> -> memref<128xi32, #tpu.memory_space<vmem>>
        %dma_start3A_66 = arith.constant 0 : i32
        %dma_start3A_67 = arith.constant 0 : i32
        %dma_start3A_68 = tpu.memref_slice %arg11[%dma_start3A_66, %dma_start3A_67] : memref<10240x128xf32, #tpu.memory_space<vmem_shared>> -> memref<10240x128xf32, #tpu.memory_space<vmem_shared>>
        tpu.enqueue_indirect_dma source(%arg9 : memref<128x128xf32, #tpu.memory_space<vmem>>) target(%dma_start3A_68 : memref<10240x128xf32, #tpu.memory_space<vmem_shared>>) offsets(%dma_start3A_65 : memref<128xi32, #tpu.memory_space<vmem>>) semaphore(%run_scoped3A : memref<!tpu.dma_semaphore, #tpu.memory_space<semaphore_mem>>) {add = true}
        %dma_wait3A_69 = arith.constant 0 : i32
        %dma_wait3A_70 = tpu.memref_slice %arg8[%add3A_36, %dma_wait3A_69] : memref<40x128xi32, #tpu.memory_space<vmem>> -> memref<1x128xi32, #tpu.memory_space<vmem>>
        %dma_wait3A_71 = tpu.memref_squeeze %dma_wait3A_70 : memref<1x128xi32, #tpu.memory_space<vmem>> -> memref<128xi32, #tpu.memory_space<vmem>>
        %dma_wait3A_72 = arith.constant 0 : i32
        %dma_wait3A_73 = arith.constant 0 : i32
        %dma_wait3A_74 = tpu.memref_slice %arg11[%dma_wait3A_72, %dma_wait3A_73] : memref<10240x128xf32, #tpu.memory_space<vmem_shared>> -> memref<10240x128xf32, #tpu.memory_space<vmem_shared>>
        tpu.wait_indirect_dma semaphore(%run_scoped3A : memref<!tpu.dma_semaphore, #tpu.memory_space<semaphore_mem>>) src(%arg9 : memref<128x128xf32, #tpu.memory_space<vmem>>) dst(%dma_wait3A_74 : memref<10240x128xf32, #tpu.memory_space<vmem_shared>>)
        tpu.yield
      }) : () -> ()
      %mul3A_46 = arith.constant 2 : i32
      %mul3A_47 = arith.muli %mul3A_46, %scan3A_32 : i32
      %add3A_48 = arith.constant 1 : i32
      %add3A_49 = arith.addi %mul3A_47, %add3A_48 : i32
      %dma_wait3A_50 = arith.constant 0 : i32
      %dma_wait3A_51 = tpu.memref_slice %arg7[%add3A_49, %dma_wait3A_50] : memref<40x128xi32, #tpu.memory_space<vmem>> -> memref<1x128xi32, #tpu.memory_space<vmem>>
      %dma_wait3A_52 = tpu.memref_squeeze %dma_wait3A_51 : memref<1x128xi32, #tpu.memory_space<vmem>> -> memref<128xi32, #tpu.memory_space<vmem>>
      %dma_wait3A_53 = arith.constant 0 : i32
      %dma_wait3A_54 = arith.constant 0 : i32
      %dma_wait3A_55 = tpu.memref_slice %arg2[%dma_wait3A_53, %dma_wait3A_54] : memref<10240x128xf32, #tpu.memory_space<hbm>> -> memref<10240x128xf32, #tpu.memory_space<hbm>>
      tpu.wait_indirect_dma semaphore(%arg13 : memref<!tpu.dma_semaphore, #tpu.memory_space<semaphore_mem>>) src(%dma_wait3A_55 : memref<10240x128xf32, #tpu.memory_space<hbm>>) dst(%arg10 : memref<128x128xf32, #tpu.memory_space<vmem>>)
      %add3A_56 = arith.constant 1 : i32
      %add3A_57 = arith.addi %add3A_49, %add3A_56 : i32
      %lt3A_58 = arith.constant 40 : i32
      %lt3A_59 = arith.cmpi slt, %add3A_57, %lt3A_58 : i32
      %convert_element_type3A_60 = arith.extui %lt3A_59 : i1 to i32
      %cond3A_61 = arith.constant 0 : i32
      %cond3A_62 = arith.cmpi ne, %convert_element_type3A_60, %cond3A_61 : i32
      scf.if %cond3A_62 {
        %add3A_63 = arith.constant 1 : i32
        %add3A_64 = arith.addi %add3A_49, %add3A_63 : i32
        %dma_start3A_65 = arith.constant 0 : i32
        %dma_start3A_66 = tpu.memref_slice %arg7[%add3A_64, %dma_start3A_65] : memref<40x128xi32, #tpu.memory_space<vmem>> -> memref<1x128xi32, #tpu.memory_space<vmem>>
        %dma_start3A_67 = tpu.memref_squeeze %dma_start3A_66 : memref<1x128xi32, #tpu.memory_space<vmem>> -> memref<128xi32, #tpu.memory_space<vmem>>
        %dma_start3A_68 = arith.constant 0 : i32
        %dma_start3A_69 = arith.constant 0 : i32
        %dma_start3A_70 = tpu.memref_slice %arg2[%dma_start3A_68, %dma_start3A_69] : memref<10240x128xf32, #tpu.memory_space<hbm>> -> memref<10240x128xf32, #tpu.memory_space<hbm>>
        tpu.enqueue_indirect_dma source(%dma_start3A_70 : memref<10240x128xf32, #tpu.memory_space<hbm>>) target(%arg9 : memref<128x128xf32, #tpu.memory_space<vmem>>) offsets(%dma_start3A_67 : memref<128xi32, #tpu.memory_space<vmem>>) semaphore(%arg12 : memref<!tpu.dma_semaphore, #tpu.memory_space<semaphore_mem>>)
      } else {
      }
      "tpu.region"() ({
        %run_scoped3A = tpu.sem_alloc : memref<!tpu.dma_semaphore, #tpu.memory_space<semaphore_mem>>
        %dma_start3A_63 = arith.constant 0 : i32
        %dma_start3A_64 = tpu.memref_slice %arg8[%add3A_49, %dma_start3A_63] : memref<40x128xi32, #tpu.memory_space<vmem>> -> memref<1x128xi32, #tpu.memory_space<vmem>>
        %dma_start3A_65 = tpu.memref_squeeze %dma_start3A_64 : memref<1x128xi32, #tpu.memory_space<vmem>> -> memref<128xi32, #tpu.memory_space<vmem>>
        %dma_start3A_66 = arith.constant 0 : i32
        %dma_start3A_67 = arith.constant 0 : i32
        %dma_start3A_68 = tpu.memref_slice %arg11[%dma_start3A_66, %dma_start3A_67] : memref<10240x128xf32, #tpu.memory_space<vmem_shared>> -> memref<10240x128xf32, #tpu.memory_space<vmem_shared>>
        tpu.enqueue_indirect_dma source(%arg10 : memref<128x128xf32, #tpu.memory_space<vmem>>) target(%dma_start3A_68 : memref<10240x128xf32, #tpu.memory_space<vmem_shared>>) offsets(%dma_start3A_65 : memref<128xi32, #tpu.memory_space<vmem>>) semaphore(%run_scoped3A : memref<!tpu.dma_semaphore, #tpu.memory_space<semaphore_mem>>) {add = true}
        %dma_wait3A_69 = arith.constant 0 : i32
        %dma_wait3A_70 = tpu.memref_slice %arg8[%add3A_49, %dma_wait3A_69] : memref<40x128xi32, #tpu.memory_space<vmem>> -> memref<1x128xi32, #tpu.memory_space<vmem>>
        %dma_wait3A_71 = tpu.memref_squeeze %dma_wait3A_70 : memref<1x128xi32, #tpu.memory_space<vmem>> -> memref<128xi32, #tpu.memory_space<vmem>>
        %dma_wait3A_72 = arith.constant 0 : i32
        %dma_wait3A_73 = arith.constant 0 : i32
        %dma_wait3A_74 = tpu.memref_slice %arg11[%dma_wait3A_72, %dma_wait3A_73] : memref<10240x128xf32, #tpu.memory_space<vmem_shared>> -> memref<10240x128xf32, #tpu.memory_space<vmem_shared>>
        tpu.wait_indirect_dma semaphore(%run_scoped3A : memref<!tpu.dma_semaphore, #tpu.memory_space<semaphore_mem>>) src(%arg10 : memref<128x128xf32, #tpu.memory_space<vmem>>) dst(%dma_wait3A_74 : memref<10240x128xf32, #tpu.memory_space<vmem_shared>>)
        tpu.yield
      }) : () -> ()
    }
    %scan3A_13 = arith.constant 20 : i32
    "tpu.region"() ({
      %run_scoped3A = tpu.sem_alloc : memref<!tpu.dma_semaphore, #tpu.memory_space<semaphore_mem>>
      %dma_start3A_32 = arith.constant 40 : i32
      %dma_start3A_33 = arith.constant 0 : i32
      %dma_start3A_34 = tpu.memref_slice %arg3[%add3A, %dma_start3A_32, %dma_start3A_33] : memref<32x80x128xi32, #tpu.memory_space<hbm>> -> memref<1x40x128xi32, #tpu.memory_space<hbm>>
      %dma_start3A_35 = tpu.memref_squeeze %dma_start3A_34 : memref<1x40x128xi32, #tpu.memory_space<hbm>> -> memref<40x128xi32, #tpu.memory_space<hbm>>
      %dma_start3A_36 = arith.constant 40 : i32
      %dma_start3A_37 = arith.constant 0 : i32
      %dma_start3A_38 = tpu.memref_slice %arg3[%add3A, %dma_start3A_36, %dma_start3A_37] : memref<32x80x128xi32, #tpu.memory_space<hbm>> -> memref<1x40x128xi32, #tpu.memory_space<hbm>>
      %dma_start3A_39 = tpu.memref_squeeze %dma_start3A_38 : memref<1x40x128xi32, #tpu.memory_space<hbm>> -> memref<40x128xi32, #tpu.memory_space<hbm>>
      tpu.enqueue_dma source(%dma_start3A_39 : memref<40x128xi32, #tpu.memory_space<hbm>>) target(%arg7 : memref<40x128xi32, #tpu.memory_space<vmem>>) target_semaphore(%run_scoped3A : memref<!tpu.dma_semaphore, #tpu.memory_space<semaphore_mem>>)
      %dma_wait3A = arith.constant 40 : i32
      %dma_wait3A_40 = arith.constant 0 : i32
      %dma_wait3A_41 = tpu.memref_slice %arg3[%add3A, %dma_wait3A, %dma_wait3A_40] : memref<32x80x128xi32, #tpu.memory_space<hbm>> -> memref<1x40x128xi32, #tpu.memory_space<hbm>>
      %dma_wait3A_42 = tpu.memref_squeeze %dma_wait3A_41 : memref<1x40x128xi32, #tpu.memory_space<hbm>> -> memref<40x128xi32, #tpu.memory_space<hbm>>
      %dma_wait3A_43 = arith.constant 40 : i32
      %dma_wait3A_44 = arith.constant 0 : i32
      %dma_wait3A_45 = tpu.memref_slice %arg3[%add3A, %dma_wait3A_43, %dma_wait3A_44] : memref<32x80x128xi32, #tpu.memory_space<hbm>> -> memref<1x40x128xi32, #tpu.memory_space<hbm>>
      %dma_wait3A_46 = tpu.memref_squeeze %dma_wait3A_45 : memref<1x40x128xi32, #tpu.memory_space<hbm>> -> memref<40x128xi32, #tpu.memory_space<hbm>>
      tpu.wait_dma2 semaphore(%run_scoped3A : memref<!tpu.dma_semaphore, #tpu.memory_space<semaphore_mem>>) src(%dma_wait3A_46 : memref<40x128xi32, #tpu.memory_space<hbm>>) dst(%arg7 : memref<40x128xi32, #tpu.memory_space<vmem>>)
      tpu.yield
    }) : () -> ()
    "tpu.region"() ({
      %run_scoped3A = tpu.sem_alloc : memref<!tpu.dma_semaphore, #tpu.memory_space<semaphore_mem>>
      %dma_start3A_32 = arith.constant 40 : i32
      %dma_start3A_33 = arith.constant 0 : i32
      %dma_start3A_34 = tpu.memref_slice %arg4[%add3A, %dma_start3A_32, %dma_start3A_33] : memref<32x80x128xi32, #tpu.memory_space<hbm>> -> memref<1x40x128xi32, #tpu.memory_space<hbm>>
      %dma_start3A_35 = tpu.memref_squeeze %dma_start3A_34 : memref<1x40x128xi32, #tpu.memory_space<hbm>> -> memref<40x128xi32, #tpu.memory_space<hbm>>
      %dma_start3A_36 = arith.constant 40 : i32
      %dma_start3A_37 = arith.constant 0 : i32
      %dma_start3A_38 = tpu.memref_slice %arg4[%add3A, %dma_start3A_36, %dma_start3A_37] : memref<32x80x128xi32, #tpu.memory_space<hbm>> -> memref<1x40x128xi32, #tpu.memory_space<hbm>>
      %dma_start3A_39 = tpu.memref_squeeze %dma_start3A_38 : memref<1x40x128xi32, #tpu.memory_space<hbm>> -> memref<40x128xi32, #tpu.memory_space<hbm>>
      tpu.enqueue_dma source(%dma_start3A_39 : memref<40x128xi32, #tpu.memory_space<hbm>>) target(%arg8 : memref<40x128xi32, #tpu.memory_space<vmem>>) target_semaphore(%run_scoped3A : memref<!tpu.dma_semaphore, #tpu.memory_space<semaphore_mem>>)
      %dma_wait3A = arith.constant 40 : i32
      %dma_wait3A_40 = arith.constant 0 : i32
      %dma_wait3A_41 = tpu.memref_slice %arg4[%add3A, %dma_wait3A, %dma_wait3A_40] : memref<32x80x128xi32, #tpu.memory_space<hbm>> -> memref<1x40x128xi32, #tpu.memory_space<hbm>>
      %dma_wait3A_42 = tpu.memref_squeeze %dma_wait3A_41 : memref<1x40x128xi32, #tpu.memory_space<hbm>> -> memref<40x128xi32, #tpu.memory_space<hbm>>
      %dma_wait3A_43 = arith.constant 40 : i32
      %dma_wait3A_44 = arith.constant 0 : i32
      %dma_wait3A_45 = tpu.memref_slice %arg4[%add3A, %dma_wait3A_43, %dma_wait3A_44] : memref<32x80x128xi32, #tpu.memory_space<hbm>> -> memref<1x40x128xi32, #tpu.memory_space<hbm>>
      %dma_wait3A_46 = tpu.memref_squeeze %dma_wait3A_45 : memref<1x40x128xi32, #tpu.memory_space<hbm>> -> memref<40x128xi32, #tpu.memory_space<hbm>>
      tpu.wait_dma2 semaphore(%run_scoped3A : memref<!tpu.dma_semaphore, #tpu.memory_space<semaphore_mem>>) src(%dma_wait3A_46 : memref<40x128xi32, #tpu.memory_space<hbm>>) dst(%arg8 : memref<40x128xi32, #tpu.memory_space<vmem>>)
      tpu.yield
    }) : () -> ()
    %dma_start3A_14 = arith.constant 0 : i32
    %dma_start3A_15 = arith.constant 0 : i32
    %dma_start3A_16 = tpu.memref_slice %arg7[%dma_start3A_14, %dma_start3A_15] : memref<40x128xi32, #tpu.memory_space<vmem>> -> memref<1x128xi32, #tpu.memory_space<vmem>>
    %dma_start3A_17 = tpu.memref_squeeze %dma_start3A_16 : memref<1x128xi32, #tpu.memory_space<vmem>> -> memref<128xi32, #tpu.memory_space<vmem>>
    %dma_start3A_18 = arith.constant 0 : i32
    %dma_start3A_19 = arith.constant 0 : i32
    %dma_start3A_20 = tpu.memref_slice %arg2[%dma_start3A_18, %dma_start3A_19] : memref<10240x128xf32, #tpu.memory_space<hbm>> -> memref<10240x128xf32, #tpu.memory_space<hbm>>
    tpu.enqueue_indirect_dma source(%dma_start3A_20 : memref<10240x128xf32, #tpu.memory_space<hbm>>) target(%arg9 : memref<128x128xf32, #tpu.memory_space<vmem>>) offsets(%dma_start3A_17 : memref<128xi32, #tpu.memory_space<vmem>>) semaphore(%arg12 : memref<!tpu.dma_semaphore, #tpu.memory_space<semaphore_mem>>)
    %scan3A_21 = arith.constant 0 : i32
    %scan3A_22 = arith.constant 0 : i32
    %scan3A_23 = arith.constant 20 : i32
    %scan3A_24 = arith.addi %scan3A_22, %scan3A_23 : i32
    %scan3A_25 = arith.constant 1 : i32
    scf.for %scan3A_32 = %scan3A_22 to %scan3A_24 step %scan3A_25  : i32 {
      %mul3A_33 = arith.constant 2 : i32
      %mul3A_34 = arith.muli %mul3A_33, %scan3A_32 : i32
      %add3A_35 = arith.constant 0 : i32
      %add3A_36 = arith.addi %mul3A_34, %add3A_35 : i32
      %dma_wait3A = arith.constant 0 : i32
      %dma_wait3A_37 = tpu.memref_slice %arg7[%add3A_36, %dma_wait3A] : memref<40x128xi32, #tpu.memory_space<vmem>> -> memref<1x128xi32, #tpu.memory_space<vmem>>
      %dma_wait3A_38 = tpu.memref_squeeze %dma_wait3A_37 : memref<1x128xi32, #tpu.memory_space<vmem>> -> memref<128xi32, #tpu.memory_space<vmem>>
      %dma_wait3A_39 = arith.constant 0 : i32
      %dma_wait3A_40 = arith.constant 0 : i32
      %dma_wait3A_41 = tpu.memref_slice %arg2[%dma_wait3A_39, %dma_wait3A_40] : memref<10240x128xf32, #tpu.memory_space<hbm>> -> memref<10240x128xf32, #tpu.memory_space<hbm>>
      tpu.wait_indirect_dma semaphore(%arg12 : memref<!tpu.dma_semaphore, #tpu.memory_space<semaphore_mem>>) src(%dma_wait3A_41 : memref<10240x128xf32, #tpu.memory_space<hbm>>) dst(%arg9 : memref<128x128xf32, #tpu.memory_space<vmem>>)
      %add3A_42 = arith.constant 1 : i32
      %add3A_43 = arith.addi %add3A_36, %add3A_42 : i32
      %lt3A = arith.constant 40 : i32
      %lt3A_44 = arith.cmpi slt, %add3A_43, %lt3A : i32
      %convert_element_type3A = arith.extui %lt3A_44 : i1 to i32
      %cond3A = arith.constant 0 : i32
      %cond3A_45 = arith.cmpi ne, %convert_element_type3A, %cond3A : i32
      scf.if %cond3A_45 {
        %add3A_63 = arith.constant 1 : i32
        %add3A_64 = arith.addi %add3A_36, %add3A_63 : i32
        %dma_start3A_65 = arith.constant 0 : i32
        %dma_start3A_66 = tpu.memref_slice %arg7[%add3A_64, %dma_start3A_65] : memref<40x128xi32, #tpu.memory_space<vmem>> -> memref<1x128xi32, #tpu.memory_space<vmem>>
        %dma_start3A_67 = tpu.memref_squeeze %dma_start3A_66 : memref<1x128xi32, #tpu.memory_space<vmem>> -> memref<128xi32, #tpu.memory_space<vmem>>
        %dma_start3A_68 = arith.constant 0 : i32
        %dma_start3A_69 = arith.constant 0 : i32
        %dma_start3A_70 = tpu.memref_slice %arg2[%dma_start3A_68, %dma_start3A_69] : memref<10240x128xf32, #tpu.memory_space<hbm>> -> memref<10240x128xf32, #tpu.memory_space<hbm>>
        tpu.enqueue_indirect_dma source(%dma_start3A_70 : memref<10240x128xf32, #tpu.memory_space<hbm>>) target(%arg10 : memref<128x128xf32, #tpu.memory_space<vmem>>) offsets(%dma_start3A_67 : memref<128xi32, #tpu.memory_space<vmem>>) semaphore(%arg13 : memref<!tpu.dma_semaphore, #tpu.memory_space<semaphore_mem>>)
      } else {
      }
      "tpu.region"() ({
        %run_scoped3A = tpu.sem_alloc : memref<!tpu.dma_semaphore, #tpu.memory_space<semaphore_mem>>
        %dma_start3A_63 = arith.constant 0 : i32
        %dma_start3A_64 = tpu.memref_slice %arg8[%add3A_36, %dma_start3A_63] : memref<40x128xi32, #tpu.memory_space<vmem>> -> memref<1x128xi32, #tpu.memory_space<vmem>>
        %dma_start3A_65 = tpu.memref_squeeze %dma_start3A_64 : memref<1x128xi32, #tpu.memory_space<vmem>> -> memref<128xi32, #tpu.memory_space<vmem>>
        %dma_start3A_66 = arith.constant 0 : i32
        %dma_start3A_67 = arith.constant 0 : i32
        %dma_start3A_68 = tpu.memref_slice %arg11[%dma_start3A_66, %dma_start3A_67] : memref<10240x128xf32, #tpu.memory_space<vmem_shared>> -> memref<10240x128xf32, #tpu.memory_space<vmem_shared>>
        tpu.enqueue_indirect_dma source(%arg9 : memref<128x128xf32, #tpu.memory_space<vmem>>) target(%dma_start3A_68 : memref<10240x128xf32, #tpu.memory_space<vmem_shared>>) offsets(%dma_start3A_65 : memref<128xi32, #tpu.memory_space<vmem>>) semaphore(%run_scoped3A : memref<!tpu.dma_semaphore, #tpu.memory_space<semaphore_mem>>) {add = true}
        %dma_wait3A_69 = arith.constant 0 : i32
        %dma_wait3A_70 = tpu.memref_slice %arg8[%add3A_36, %dma_wait3A_69] : memref<40x128xi32, #tpu.memory_space<vmem>> -> memref<1x128xi32, #tpu.memory_space<vmem>>
        %dma_wait3A_71 = tpu.memref_squeeze %dma_wait3A_70 : memref<1x128xi32, #tpu.memory_space<vmem>> -> memref<128xi32, #tpu.memory_space<vmem>>
        %dma_wait3A_72 = arith.constant 0 : i32
        %dma_wait3A_73 = arith.constant 0 : i32
        %dma_wait3A_74 = tpu.memref_slice %arg11[%dma_wait3A_72, %dma_wait3A_73] : memref<10240x128xf32, #tpu.memory_space<vmem_shared>> -> memref<10240x128xf32, #tpu.memory_space<vmem_shared>>
        tpu.wait_indirect_dma semaphore(%run_scoped3A : memref<!tpu.dma_semaphore, #tpu.memory_space<semaphore_mem>>) src(%arg9 : memref<128x128xf32, #tpu.memory_space<vmem>>) dst(%dma_wait3A_74 : memref<10240x128xf32, #tpu.memory_space<vmem_shared>>)
        tpu.yield
      }) : () -> ()
      %mul3A_46 = arith.constant 2 : i32
      %mul3A_47 = arith.muli %mul3A_46, %scan3A_32 : i32
      %add3A_48 = arith.constant 1 : i32
      %add3A_49 = arith.addi %mul3A_47, %add3A_48 : i32
      %dma_wait3A_50 = arith.constant 0 : i32
      %dma_wait3A_51 = tpu.memref_slice %arg7[%add3A_49, %dma_wait3A_50] : memref<40x128xi32, #tpu.memory_space<vmem>> -> memref<1x128xi32, #tpu.memory_space<vmem>>
      %dma_wait3A_52 = tpu.memref_squeeze %dma_wait3A_51 : memref<1x128xi32, #tpu.memory_space<vmem>> -> memref<128xi32, #tpu.memory_space<vmem>>
      %dma_wait3A_53 = arith.constant 0 : i32
      %dma_wait3A_54 = arith.constant 0 : i32
      %dma_wait3A_55 = tpu.memref_slice %arg2[%dma_wait3A_53, %dma_wait3A_54] : memref<10240x128xf32, #tpu.memory_space<hbm>> -> memref<10240x128xf32, #tpu.memory_space<hbm>>
      tpu.wait_indirect_dma semaphore(%arg13 : memref<!tpu.dma_semaphore, #tpu.memory_space<semaphore_mem>>) src(%dma_wait3A_55 : memref<10240x128xf32, #tpu.memory_space<hbm>>) dst(%arg10 : memref<128x128xf32, #tpu.memory_space<vmem>>)
      %add3A_56 = arith.constant 1 : i32
      %add3A_57 = arith.addi %add3A_49, %add3A_56 : i32
      %lt3A_58 = arith.constant 40 : i32
      %lt3A_59 = arith.cmpi slt, %add3A_57, %lt3A_58 : i32
      %convert_element_type3A_60 = arith.extui %lt3A_59 : i1 to i32
      %cond3A_61 = arith.constant 0 : i32
      %cond3A_62 = arith.cmpi ne, %convert_element_type3A_60, %cond3A_61 : i32
      scf.if %cond3A_62 {
        %add3A_63 = arith.constant 1 : i32
        %add3A_64 = arith.addi %add3A_49, %add3A_63 : i32
        %dma_start3A_65 = arith.constant 0 : i32
        %dma_start3A_66 = tpu.memref_slice %arg7[%add3A_64, %dma_start3A_65] : memref<40x128xi32, #tpu.memory_space<vmem>> -> memref<1x128xi32, #tpu.memory_space<vmem>>
        %dma_start3A_67 = tpu.memref_squeeze %dma_start3A_66 : memref<1x128xi32, #tpu.memory_space<vmem>> -> memref<128xi32, #tpu.memory_space<vmem>>
        %dma_start3A_68 = arith.constant 0 : i32
        %dma_start3A_69 = arith.constant 0 : i32
        %dma_start3A_70 = tpu.memref_slice %arg2[%dma_start3A_68, %dma_start3A_69] : memref<10240x128xf32, #tpu.memory_space<hbm>> -> memref<10240x128xf32, #tpu.memory_space<hbm>>
        tpu.enqueue_indirect_dma source(%dma_start3A_70 : memref<10240x128xf32, #tpu.memory_space<hbm>>) target(%arg9 : memref<128x128xf32, #tpu.memory_space<vmem>>) offsets(%dma_start3A_67 : memref<128xi32, #tpu.memory_space<vmem>>) semaphore(%arg12 : memref<!tpu.dma_semaphore, #tpu.memory_space<semaphore_mem>>)
      } else {
      }
      "tpu.region"() ({
        %run_scoped3A = tpu.sem_alloc : memref<!tpu.dma_semaphore, #tpu.memory_space<semaphore_mem>>
        %dma_start3A_63 = arith.constant 0 : i32
        %dma_start3A_64 = tpu.memref_slice %arg8[%add3A_49, %dma_start3A_63] : memref<40x128xi32, #tpu.memory_space<vmem>> -> memref<1x128xi32, #tpu.memory_space<vmem>>
        %dma_start3A_65 = tpu.memref_squeeze %dma_start3A_64 : memref<1x128xi32, #tpu.memory_space<vmem>> -> memref<128xi32, #tpu.memory_space<vmem>>
        %dma_start3A_66 = arith.constant 0 : i32
        %dma_start3A_67 = arith.constant 0 : i32
        %dma_start3A_68 = tpu.memref_slice %arg11[%dma_start3A_66, %dma_start3A_67] : memref<10240x128xf32, #tpu.memory_space<vmem_shared>> -> memref<10240x128xf32, #tpu.memory_space<vmem_shared>>
        tpu.enqueue_indirect_dma source(%arg10 : memref<128x128xf32, #tpu.memory_space<vmem>>) target(%dma_start3A_68 : memref<10240x128xf32, #tpu.memory_space<vmem_shared>>) offsets(%dma_start3A_65 : memref<128xi32, #tpu.memory_space<vmem>>) semaphore(%run_scoped3A : memref<!tpu.dma_semaphore, #tpu.memory_space<semaphore_mem>>) {add = true}
        %dma_wait3A_69 = arith.constant 0 : i32
        %dma_wait3A_70 = tpu.memref_slice %arg8[%add3A_49, %dma_wait3A_69] : memref<40x128xi32, #tpu.memory_space<vmem>> -> memref<1x128xi32, #tpu.memory_space<vmem>>
        %dma_wait3A_71 = tpu.memref_squeeze %dma_wait3A_70 : memref<1x128xi32, #tpu.memory_space<vmem>> -> memref<128xi32, #tpu.memory_space<vmem>>
        %dma_wait3A_72 = arith.constant 0 : i32
        %dma_wait3A_73 = arith.constant 0 : i32
        %dma_wait3A_74 = tpu.memref_slice %arg11[%dma_wait3A_72, %dma_wait3A_73] : memref<10240x128xf32, #tpu.memory_space<vmem_shared>> -> memref<10240x128xf32, #tpu.memory_space<vmem_shared>>
        tpu.wait_indirect_dma semaphore(%run_scoped3A : memref<!tpu.dma_semaphore, #tpu.memory_space<semaphore_mem>>) src(%arg10 : memref<128x128xf32, #tpu.memory_space<vmem>>) dst(%dma_wait3A_74 : memref<10240x128xf32, #tpu.memory_space<vmem_shared>>)
        tpu.yield
      }) : () -> ()
    }
    %scan3A_26 = arith.constant 20 : i32
    %barrier3A_27 = arith.constant 0 : index
    tpu.barrier barrier_id(%barrier3A_27)
    %mul3A_28 = arith.constant 640 : i32
    %mul3A_29 = arith.muli %arg1, %mul3A_28 : i32
    %mul3A_30 = arith.constant 640 : i32
    %mul3A_31 = arith.muli %arg1, %mul3A_30 : i32
    "tpu.region"() ({
      %run_scoped3A = tpu.sem_alloc : memref<!tpu.dma_semaphore, #tpu.memory_space<semaphore_mem>>
      %dma_start3A_32 = arith.constant 0 : i32
      %dma_start3A_33 = tpu.memref_slice %arg6[%arg0, %mul3A_31, %dma_start3A_32] : memref<2x10240x128xf32, #tpu.memory_space<hbm>> -> memref<1x640x128xf32, #tpu.memory_space<hbm>>
      %dma_start3A_34 = tpu.memref_squeeze %dma_start3A_33 : memref<1x640x128xf32, #tpu.memory_space<hbm>> -> memref<640x128xf32, #tpu.memory_space<hbm>>
      %dma_start3A_35 = arith.constant 0 : i32
      %dma_start3A_36 = tpu.memref_slice %arg11[%mul3A_29, %dma_start3A_35] : memref<10240x128xf32, #tpu.memory_space<vmem_shared>> -> memref<640x128xf32, #tpu.memory_space<vmem_shared>>
      tpu.enqueue_dma source(%dma_start3A_36 : memref<640x128xf32, #tpu.memory_space<vmem_shared>>) target(%dma_start3A_34 : memref<640x128xf32, #tpu.memory_space<hbm>>) target_semaphore(%run_scoped3A : memref<!tpu.dma_semaphore, #tpu.memory_space<semaphore_mem>>)
      %dma_wait3A = arith.constant 0 : i32
      %dma_wait3A_37 = tpu.memref_slice %arg6[%arg0, %mul3A_31, %dma_wait3A] : memref<2x10240x128xf32, #tpu.memory_space<hbm>> -> memref<1x640x128xf32, #tpu.memory_space<hbm>>
      %dma_wait3A_38 = tpu.memref_squeeze %dma_wait3A_37 : memref<1x640x128xf32, #tpu.memory_space<hbm>> -> memref<640x128xf32, #tpu.memory_space<hbm>>
      %dma_wait3A_39 = arith.constant 0 : i32
      %dma_wait3A_40 = tpu.memref_slice %arg11[%mul3A_29, %dma_wait3A_39] : memref<10240x128xf32, #tpu.memory_space<vmem_shared>> -> memref<640x128xf32, #tpu.memory_space<vmem_shared>>
      tpu.wait_dma2 semaphore(%run_scoped3A : memref<!tpu.dma_semaphore, #tpu.memory_space<semaphore_mem>>) src(%dma_wait3A_40 : memref<640x128xf32, #tpu.memory_space<vmem_shared>>) dst(%dma_wait3A_38 : memref<640x128xf32, #tpu.memory_space<hbm>>)
      tpu.yield
    }) : () -> ()
    return
  }
}

#map = affine_map<(d0, d1) -> (0, 0)>
#map1 = affine_map<(d0, d1) -> (0, 0, 0)>
module attributes {stable_mosaic.version = 14 : i64} {
  func.func @k(%arg0: i32, %arg1: i32, %arg2: memref<10240x128xf32, #tpu.memory_space<hbm>>, %arg3: memref<32x80x128xi32, #tpu.memory_space<hbm>>, %arg4: memref<32x80x128xi32, #tpu.memory_space<hbm>>, %arg5: memref<640x128xf32, #tpu.memory_space<hbm>>, %arg6: memref<2x10240x128xf32, #tpu.memory_space<hbm>>, %arg7: memref<40x128xi32, #tpu.memory_space<vmem>>, %arg8: memref<40x128xi32, #tpu.memory_space<vmem>>, %arg9: memref<128x128xf32, #tpu.memory_space<vmem>>, %arg10: memref<128x128xf32, #tpu.memory_space<vmem>>, %arg11: memref<10240x128xf32, #tpu.memory_space<vmem_shared>>, %arg12: memref<!tpu.dma_semaphore, #tpu.memory_space<semaphore_mem>>, %arg13: memref<!tpu.dma_semaphore, #tpu.memory_space<semaphore_mem>>) attributes {dimension_semantics = [#tpu.dimension_semantics<core_parallel>, #tpu.dimension_semantics<subcore_parallel>], iteration_bounds = array<i64: 2, 16>, scalar_prefetch = 0 : i64, scratch_operands = 7 : i64, tpu.core_type = #tpu.core_type<sc_vector_subcore>, window_params = [{transform_indices = #map}, {transform_indices = #map1}, {transform_indices = #map1}, {transform_indices = #map}, {transform_indices = #map1}]} {
    %mul3A = arith.constant 16 : i32
    %mul3A_0 = arith.muli %arg0, %mul3A : i32
    %add3A = arith.addi %mul3A_0, %arg1 : i32
    %mul3A_1 = arith.constant 640 : i32
    %mul3A_2 = arith.muli %arg1, %mul3A_1 : i32
    "tpu.region"() ({
      %run_scoped3A = tpu.sem_alloc : memref<!tpu.dma_semaphore, #tpu.memory_space<semaphore_mem>>
      %dma_start3A_32 = arith.constant 0 : i32
      %dma_start3A_33 = tpu.memref_slice %arg11[%mul3A_2, %dma_start3A_32] : memref<10240x128xf32, #tpu.memory_space<vmem_shared>> -> memref<640x128xf32, #tpu.memory_space<vmem_shared>>
      tpu.enqueue_dma source(%arg5 : memref<640x128xf32, #tpu.memory_space<hbm>>) target(%dma_start3A_33 : memref<640x128xf32, #tpu.memory_space<vmem_shared>>) target_semaphore(%run_scoped3A : memref<!tpu.dma_semaphore, #tpu.memory_space<semaphore_mem>>)
      %dma_wait3A = arith.constant 0 : i32
      %dma_wait3A_34 = tpu.memref_slice %arg11[%mul3A_2, %dma_wait3A] : memref<10240x128xf32, #tpu.memory_space<vmem_shared>> -> memref<640x128xf32, #tpu.memory_space<vmem_shared>>
      tpu.wait_dma2 semaphore(%run_scoped3A : memref<!tpu.dma_semaphore, #tpu.memory_space<semaphore_mem>>) src(%arg5 : memref<640x128xf32, #tpu.memory_space<hbm>>) dst(%dma_wait3A_34 : memref<640x128xf32, #tpu.memory_space<vmem_shared>>)
      tpu.yield
    }) : () -> ()
    %barrier3A = arith.constant 0 : index
    tpu.barrier barrier_id(%barrier3A)
    "tpu.region"() ({
      %run_scoped3A = tpu.sem_alloc : memref<!tpu.dma_semaphore, #tpu.memory_space<semaphore_mem>>
      %dma_start3A_32 = arith.constant 0 : i32
      %dma_start3A_33 = arith.constant 0 : i32
      %dma_start3A_34 = tpu.memref_slice %arg3[%add3A, %dma_start3A_32, %dma_start3A_33] : memref<32x80x128xi32, #tpu.memory_space<hbm>> -> memref<1x40x128xi32, #tpu.memory_space<hbm>>
      %dma_start3A_35 = tpu.memref_squeeze %dma_start3A_34 : memref<1x40x128xi32, #tpu.memory_space<hbm>> -> memref<40x128xi32, #tpu.memory_space<hbm>>
      %dma_start3A_36 = arith.constant 0 : i32
      %dma_start3A_37 = arith.constant 0 : i32
      %dma_start3A_38 = tpu.memref_slice %arg3[%add3A, %dma_start3A_36, %dma_start3A_37] : memref<32x80x128xi32, #tpu.memory_space<hbm>> -> memref<1x40x128xi32, #tpu.memory_space<hbm>>
      %dma_start3A_39 = tpu.memref_squeeze %dma_start3A_38 : memref<1x40x128xi32, #tpu.memory_space<hbm>> -> memref<40x128xi32, #tpu.memory_space<hbm>>
      tpu.enqueue_dma source(%dma_start3A_39 : memref<40x128xi32, #tpu.memory_space<hbm>>) target(%arg7 : memref<40x128xi32, #tpu.memory_space<vmem>>) target_semaphore(%run_scoped3A : memref<!tpu.dma_semaphore, #tpu.memory_space<semaphore_mem>>)
      %dma_wait3A = arith.constant 0 : i32
      %dma_wait3A_40 = arith.constant 0 : i32
      %dma_wait3A_41 = tpu.memref_slice %arg3[%add3A, %dma_wait3A, %dma_wait3A_40] : memref<32x80x128xi32, #tpu.memory_space<hbm>> -> memref<1x40x128xi32, #tpu.memory_space<hbm>>
      %dma_wait3A_42 = tpu.memref_squeeze %dma_wait3A_41 : memref<1x40x128xi32, #tpu.memory_space<hbm>> -> memref<40x128xi32, #tpu.memory_space<hbm>>
      %dma_wait3A_43 = arith.constant 0 : i32
      %dma_wait3A_44 = arith.constant 0 : i32
      %dma_wait3A_45 = tpu.memref_slice %arg3[%add3A, %dma_wait3A_43, %dma_wait3A_44] : memref<32x80x128xi32, #tpu.memory_space<hbm>> -> memref<1x40x128xi32, #tpu.memory_space<hbm>>
      %dma_wait3A_46 = tpu.memref_squeeze %dma_wait3A_45 : memref<1x40x128xi32, #tpu.memory_space<hbm>> -> memref<40x128xi32, #tpu.memory_space<hbm>>
      tpu.wait_dma2 semaphore(%run_scoped3A : memref<!tpu.dma_semaphore, #tpu.memory_space<semaphore_mem>>) src(%dma_wait3A_46 : memref<40x128xi32, #tpu.memory_space<hbm>>) dst(%arg7 : memref<40x128xi32, #tpu.memory_space<vmem>>)
      tpu.yield
    }) : () -> ()
    "tpu.region"() ({
      %run_scoped3A = tpu.sem_alloc : memref<!tpu.dma_semaphore, #tpu.memory_space<semaphore_mem>>
      %dma_start3A_32 = arith.constant 0 : i32
      %dma_start3A_33 = arith.constant 0 : i32
      %dma_start3A_34 = tpu.memref_slice %arg4[%add3A, %dma_start3A_32, %dma_start3A_33] : memref<32x80x128xi32, #tpu.memory_space<hbm>> -> memref<1x40x128xi32, #tpu.memory_space<hbm>>
      %dma_start3A_35 = tpu.memref_squeeze %dma_start3A_34 : memref<1x40x128xi32, #tpu.memory_space<hbm>> -> memref<40x128xi32, #tpu.memory_space<hbm>>
      %dma_start3A_36 = arith.constant 0 : i32
      %dma_start3A_37 = arith.constant 0 : i32
      %dma_start3A_38 = tpu.memref_slice %arg4[%add3A, %dma_start3A_36, %dma_start3A_37] : memref<32x80x128xi32, #tpu.memory_space<hbm>> -> memref<1x40x128xi32, #tpu.memory_space<hbm>>
      %dma_start3A_39 = tpu.memref_squeeze %dma_start3A_38 : memref<1x40x128xi32, #tpu.memory_space<hbm>> -> memref<40x128xi32, #tpu.memory_space<hbm>>
      tpu.enqueue_dma source(%dma_start3A_39 : memref<40x128xi32, #tpu.memory_space<hbm>>) target(%arg8 : memref<40x128xi32, #tpu.memory_space<vmem>>) target_semaphore(%run_scoped3A : memref<!tpu.dma_semaphore, #tpu.memory_space<semaphore_mem>>)
      %dma_wait3A = arith.constant 0 : i32
      %dma_wait3A_40 = arith.constant 0 : i32
      %dma_wait3A_41 = tpu.memref_slice %arg4[%add3A, %dma_wait3A, %dma_wait3A_40] : memref<32x80x128xi32, #tpu.memory_space<hbm>> -> memref<1x40x128xi32, #tpu.memory_space<hbm>>
      %dma_wait3A_42 = tpu.memref_squeeze %dma_wait3A_41 : memref<1x40x128xi32, #tpu.memory_space<hbm>> -> memref<40x128xi32, #tpu.memory_space<hbm>>
      %dma_wait3A_43 = arith.constant 0 : i32
      %dma_wait3A_44 = arith.constant 0 : i32
      %dma_wait3A_45 = tpu.memref_slice %arg4[%add3A, %dma_wait3A_43, %dma_wait3A_44] : memref<32x80x128xi32, #tpu.memory_space<hbm>> -> memref<1x40x128xi32, #tpu.memory_space<hbm>>
      %dma_wait3A_46 = tpu.memref_squeeze %dma_wait3A_45 : memref<1x40x128xi32, #tpu.memory_space<hbm>> -> memref<40x128xi32, #tpu.memory_space<hbm>>
      tpu.wait_dma2 semaphore(%run_scoped3A : memref<!tpu.dma_semaphore, #tpu.memory_space<semaphore_mem>>) src(%dma_wait3A_46 : memref<40x128xi32, #tpu.memory_space<hbm>>) dst(%arg8 : memref<40x128xi32, #tpu.memory_space<vmem>>)
      tpu.yield
    }) : () -> ()
    %dma_start3A = arith.constant 0 : i32
    %dma_start3A_3 = arith.constant 0 : i32
    %dma_start3A_4 = tpu.memref_slice %arg7[%dma_start3A, %dma_start3A_3] : memref<40x128xi32, #tpu.memory_space<vmem>> -> memref<1x128xi32, #tpu.memory_space<vmem>>
    %dma_start3A_5 = tpu.memref_squeeze %dma_start3A_4 : memref<1x128xi32, #tpu.memory_space<vmem>> -> memref<128xi32, #tpu.memory_space<vmem>>
    %dma_start3A_6 = arith.constant 0 : i32
    %dma_start3A_7 = arith.constant 0 : i32
    %dma_start3A_8 = tpu.memref_slice %arg2[%dma_start3A_6, %dma_start3A_7] : memref<10240x128xf32, #tpu.memory_space<hbm>> -> memref<10240x128xf32, #tpu.memory_space<hbm>>
    tpu.enqueue_indirect_dma source(%dma_start3A_8 : memref<10240x128xf32, #tpu.memory_space<hbm>>) target(%arg9 : memref<128x128xf32, #tpu.memory_space<vmem>>) offsets(%dma_start3A_5 : memref<128xi32, #tpu.memory_space<vmem>>) semaphore(%arg12 : memref<!tpu.dma_semaphore, #tpu.memory_space<semaphore_mem>>)
    %scan3A = arith.constant 0 : i32
    %scan3A_9 = arith.constant 0 : i32
    %scan3A_10 = arith.constant 20 : i32
    %scan3A_11 = arith.addi %scan3A_9, %scan3A_10 : i32
    %scan3A_12 = arith.constant 1 : i32
    scf.for %scan3A_32 = %scan3A_9 to %scan3A_11 step %scan3A_12  : i32 {
      %mul3A_33 = arith.constant 2 : i32
      %mul3A_34 = arith.muli %mul3A_33, %scan3A_32 : i32
      %add3A_35 = arith.constant 0 : i32
      %add3A_36 = arith.addi %mul3A_34, %add3A_35 : i32
      %dma_wait3A = arith.constant 0 : i32
      %dma_wait3A_37 = tpu.memref_slice %arg7[%add3A_36, %dma_wait3A] : memref<40x128xi32, #tpu.memory_space<vmem>> -> memref<1x128xi32, #tpu.memory_space<vmem>>
      %dma_wait3A_38 = tpu.memref_squeeze %dma_wait3A_37 : memref<1x128xi32, #tpu.memory_space<vmem>> -> memref<128xi32, #tpu.memory_space<vmem>>
      %dma_wait3A_39 = arith.constant 0 : i32
      %dma_wait3A_40 = arith.constant 0 : i32
      %dma_wait3A_41 = tpu.memref_slice %arg2[%dma_wait3A_39, %dma_wait3A_40] : memref<10240x128xf32, #tpu.memory_space<hbm>> -> memref<10240x128xf32, #tpu.memory_space<hbm>>
      tpu.wait_indirect_dma semaphore(%arg12 : memref<!tpu.dma_semaphore, #tpu.memory_space<semaphore_mem>>) src(%dma_wait3A_41 : memref<10240x128xf32, #tpu.memory_space<hbm>>) dst(%arg9 : memref<128x128xf32, #tpu.memory_space<vmem>>)
      %add3A_42 = arith.constant 1 : i32
      %add3A_43 = arith.addi %add3A_36, %add3A_42 : i32
      %lt3A = arith.constant 40 : i32
      %lt3A_44 = arith.cmpi slt, %add3A_43, %lt3A : i32
      %convert_element_type3A = arith.extui %lt3A_44 : i1 to i32
      %cond3A = arith.constant 0 : i32
      %cond3A_45 = arith.cmpi ne, %convert_element_type3A, %cond3A : i32
      scf.if %cond3A_45 {
        %add3A_63 = arith.constant 1 : i32
        %add3A_64 = arith.addi %add3A_36, %add3A_63 : i32
        %dma_start3A_65 = arith.constant 0 : i32
        %dma_start3A_66 = tpu.memref_slice %arg7[%add3A_64, %dma_start3A_65] : memref<40x128xi32, #tpu.memory_space<vmem>> -> memref<1x128xi32, #tpu.memory_space<vmem>>
        %dma_start3A_67 = tpu.memref_squeeze %dma_start3A_66 : memref<1x128xi32, #tpu.memory_space<vmem>> -> memref<128xi32, #tpu.memory_space<vmem>>
        %dma_start3A_68 = arith.constant 0 : i32
        %dma_start3A_69 = arith.constant 0 : i32
        %dma_start3A_70 = tpu.memref_slice %arg2[%dma_start3A_68, %dma_start3A_69] : memref<10240x128xf32, #tpu.memory_space<hbm>> -> memref<10240x128xf32, #tpu.memory_space<hbm>>
        tpu.enqueue_indirect_dma source(%dma_start3A_70 : memref<10240x128xf32, #tpu.memory_space<hbm>>) target(%arg10 : memref<128x128xf32, #tpu.memory_space<vmem>>) offsets(%dma_start3A_67 : memref<128xi32, #tpu.memory_space<vmem>>) semaphore(%arg13 : memref<!tpu.dma_semaphore, #tpu.memory_space<semaphore_mem>>)
      } else {
      }
      "tpu.region"() ({
        %run_scoped3A = tpu.sem_alloc : memref<!tpu.dma_semaphore, #tpu.memory_space<semaphore_mem>>
        %dma_start3A_63 = arith.constant 0 : i32
        %dma_start3A_64 = tpu.memref_slice %arg8[%add3A_36, %dma_start3A_63] : memref<40x128xi32, #tpu.memory_space<vmem>> -> memref<1x128xi32, #tpu.memory_space<vmem>>
        %dma_start3A_65 = tpu.memref_squeeze %dma_start3A_64 : memref<1x128xi32, #tpu.memory_space<vmem>> -> memref<128xi32, #tpu.memory_space<vmem>>
        %dma_start3A_66 = arith.constant 0 : i32
        %dma_start3A_67 = arith.constant 0 : i32
        %dma_start3A_68 = tpu.memref_slice %arg11[%dma_start3A_66, %dma_start3A_67] : memref<10240x128xf32, #tpu.memory_space<vmem_shared>> -> memref<10240x128xf32, #tpu.memory_space<vmem_shared>>
        tpu.enqueue_indirect_dma source(%arg9 : memref<128x128xf32, #tpu.memory_space<vmem>>) target(%dma_start3A_68 : memref<10240x128xf32, #tpu.memory_space<vmem_shared>>) offsets(%dma_start3A_65 : memref<128xi32, #tpu.memory_space<vmem>>) semaphore(%run_scoped3A : memref<!tpu.dma_semaphore, #tpu.memory_space<semaphore_mem>>) {add = true}
        %dma_wait3A_69 = arith.constant 0 : i32
        %dma_wait3A_70 = tpu.memref_slice %arg8[%add3A_36, %dma_wait3A_69] : memref<40x128xi32, #tpu.memory_space<vmem>> -> memref<1x128xi32, #tpu.memory_space<vmem>>
        %dma_wait3A_71 = tpu.memref_squeeze %dma_wait3A_70 : memref<1x128xi32, #tpu.memory_space<vmem>> -> memref<128xi32, #tpu.memory_space<vmem>>
        %dma_wait3A_72 = arith.constant 0 : i32
        %dma_wait3A_73 = arith.constant 0 : i32
        %dma_wait3A_74 = tpu.memref_slice %arg11[%dma_wait3A_72, %dma_wait3A_73] : memref<10240x128xf32, #tpu.memory_space<vmem_shared>> -> memref<10240x128xf32, #tpu.memory_space<vmem_shared>>
        tpu.wait_indirect_dma semaphore(%run_scoped3A : memref<!tpu.dma_semaphore, #tpu.memory_space<semaphore_mem>>) src(%arg9 : memref<128x128xf32, #tpu.memory_space<vmem>>) dst(%dma_wait3A_74 : memref<10240x128xf32, #tpu.memory_space<vmem_shared>>)
        tpu.yield
      }) : () -> ()
      %mul3A_46 = arith.constant 2 : i32
      %mul3A_47 = arith.muli %mul3A_46, %scan3A_32 : i32
      %add3A_48 = arith.constant 1 : i32
      %add3A_49 = arith.addi %mul3A_47, %add3A_48 : i32
      %dma_wait3A_50 = arith.constant 0 : i32
      %dma_wait3A_51 = tpu.memref_slice %arg7[%add3A_49, %dma_wait3A_50] : memref<40x128xi32, #tpu.memory_space<vmem>> -> memref<1x128xi32, #tpu.memory_space<vmem>>
      %dma_wait3A_52 = tpu.memref_squeeze %dma_wait3A_51 : memref<1x128xi32, #tpu.memory_space<vmem>> -> memref<128xi32, #tpu.memory_space<vmem>>
      %dma_wait3A_53 = arith.constant 0 : i32
      %dma_wait3A_54 = arith.constant 0 : i32
      %dma_wait3A_55 = tpu.memref_slice %arg2[%dma_wait3A_53, %dma_wait3A_54] : memref<10240x128xf32, #tpu.memory_space<hbm>> -> memref<10240x128xf32, #tpu.memory_space<hbm>>
      tpu.wait_indirect_dma semaphore(%arg13 : memref<!tpu.dma_semaphore, #tpu.memory_space<semaphore_mem>>) src(%dma_wait3A_55 : memref<10240x128xf32, #tpu.memory_space<hbm>>) dst(%arg10 : memref<128x128xf32, #tpu.memory_space<vmem>>)
      %add3A_56 = arith.constant 1 : i32
      %add3A_57 = arith.addi %add3A_49, %add3A_56 : i32
      %lt3A_58 = arith.constant 40 : i32
      %lt3A_59 = arith.cmpi slt, %add3A_57, %lt3A_58 : i32
      %convert_element_type3A_60 = arith.extui %lt3A_59 : i1 to i32
      %cond3A_61 = arith.constant 0 : i32
      %cond3A_62 = arith.cmpi ne, %convert_element_type3A_60, %cond3A_61 : i32
      scf.if %cond3A_62 {
        %add3A_63 = arith.constant 1 : i32
        %add3A_64 = arith.addi %add3A_49, %add3A_63 : i32
        %dma_start3A_65 = arith.constant 0 : i32
        %dma_start3A_66 = tpu.memref_slice %arg7[%add3A_64, %dma_start3A_65] : memref<40x128xi32, #tpu.memory_space<vmem>> -> memref<1x128xi32, #tpu.memory_space<vmem>>
        %dma_start3A_67 = tpu.memref_squeeze %dma_start3A_66 : memref<1x128xi32, #tpu.memory_space<vmem>> -> memref<128xi32, #tpu.memory_space<vmem>>
        %dma_start3A_68 = arith.constant 0 : i32
        %dma_start3A_69 = arith.constant 0 : i32
        %dma_start3A_70 = tpu.memref_slice %arg2[%dma_start3A_68, %dma_start3A_69] : memref<10240x128xf32, #tpu.memory_space<hbm>> -> memref<10240x128xf32, #tpu.memory_space<hbm>>
        tpu.enqueue_indirect_dma source(%dma_start3A_70 : memref<10240x128xf32, #tpu.memory_space<hbm>>) target(%arg9 : memref<128x128xf32, #tpu.memory_space<vmem>>) offsets(%dma_start3A_67 : memref<128xi32, #tpu.memory_space<vmem>>) semaphore(%arg12 : memref<!tpu.dma_semaphore, #tpu.memory_space<semaphore_mem>>)
      } else {
      }
      "tpu.region"() ({
        %run_scoped3A = tpu.sem_alloc : memref<!tpu.dma_semaphore, #tpu.memory_space<semaphore_mem>>
        %dma_start3A_63 = arith.constant 0 : i32
        %dma_start3A_64 = tpu.memref_slice %arg8[%add3A_49, %dma_start3A_63] : memref<40x128xi32, #tpu.memory_space<vmem>> -> memref<1x128xi32, #tpu.memory_space<vmem>>
        %dma_start3A_65 = tpu.memref_squeeze %dma_start3A_64 : memref<1x128xi32, #tpu.memory_space<vmem>> -> memref<128xi32, #tpu.memory_space<vmem>>
        %dma_start3A_66 = arith.constant 0 : i32
        %dma_start3A_67 = arith.constant 0 : i32
        %dma_start3A_68 = tpu.memref_slice %arg11[%dma_start3A_66, %dma_start3A_67] : memref<10240x128xf32, #tpu.memory_space<vmem_shared>> -> memref<10240x128xf32, #tpu.memory_space<vmem_shared>>
        tpu.enqueue_indirect_dma source(%arg10 : memref<128x128xf32, #tpu.memory_space<vmem>>) target(%dma_start3A_68 : memref<10240x128xf32, #tpu.memory_space<vmem_shared>>) offsets(%dma_start3A_65 : memref<128xi32, #tpu.memory_space<vmem>>) semaphore(%run_scoped3A : memref<!tpu.dma_semaphore, #tpu.memory_space<semaphore_mem>>) {add = true}
        %dma_wait3A_69 = arith.constant 0 : i32
        %dma_wait3A_70 = tpu.memref_slice %arg8[%add3A_49, %dma_wait3A_69] : memref<40x128xi32, #tpu.memory_space<vmem>> -> memref<1x128xi32, #tpu.memory_space<vmem>>
        %dma_wait3A_71 = tpu.memref_squeeze %dma_wait3A_70 : memref<1x128xi32, #tpu.memory_space<vmem>> -> memref<128xi32, #tpu.memory_space<vmem>>
        %dma_wait3A_72 = arith.constant 0 : i32
        %dma_wait3A_73 = arith.constant 0 : i32
        %dma_wait3A_74 = tpu.memref_slice %arg11[%dma_wait3A_72, %dma_wait3A_73] : memref<10240x128xf32, #tpu.memory_space<vmem_shared>> -> memref<10240x128xf32, #tpu.memory_space<vmem_shared>>
        tpu.wait_indirect_dma semaphore(%run_scoped3A : memref<!tpu.dma_semaphore, #tpu.memory_space<semaphore_mem>>) src(%arg10 : memref<128x128xf32, #tpu.memory_space<vmem>>) dst(%dma_wait3A_74 : memref<10240x128xf32, #tpu.memory_space<vmem_shared>>)
        tpu.yield
      }) : () -> ()
    }
    %scan3A_13 = arith.constant 20 : i32
    "tpu.region"() ({
      %run_scoped3A = tpu.sem_alloc : memref<!tpu.dma_semaphore, #tpu.memory_space<semaphore_mem>>
      %dma_start3A_32 = arith.constant 40 : i32
      %dma_start3A_33 = arith.constant 0 : i32
      %dma_start3A_34 = tpu.memref_slice %arg3[%add3A, %dma_start3A_32, %dma_start3A_33] : memref<32x80x128xi32, #tpu.memory_space<hbm>> -> memref<1x40x128xi32, #tpu.memory_space<hbm>>
      %dma_start3A_35 = tpu.memref_squeeze %dma_start3A_34 : memref<1x40x128xi32, #tpu.memory_space<hbm>> -> memref<40x128xi32, #tpu.memory_space<hbm>>
      %dma_start3A_36 = arith.constant 40 : i32
      %dma_start3A_37 = arith.constant 0 : i32
      %dma_start3A_38 = tpu.memref_slice %arg3[%add3A, %dma_start3A_36, %dma_start3A_37] : memref<32x80x128xi32, #tpu.memory_space<hbm>> -> memref<1x40x128xi32, #tpu.memory_space<hbm>>
      %dma_start3A_39 = tpu.memref_squeeze %dma_start3A_38 : memref<1x40x128xi32, #tpu.memory_space<hbm>> -> memref<40x128xi32, #tpu.memory_space<hbm>>
      tpu.enqueue_dma source(%dma_start3A_39 : memref<40x128xi32, #tpu.memory_space<hbm>>) target(%arg7 : memref<40x128xi32, #tpu.memory_space<vmem>>) target_semaphore(%run_scoped3A : memref<!tpu.dma_semaphore, #tpu.memory_space<semaphore_mem>>)
      %dma_wait3A = arith.constant 40 : i32
      %dma_wait3A_40 = arith.constant 0 : i32
      %dma_wait3A_41 = tpu.memref_slice %arg3[%add3A, %dma_wait3A, %dma_wait3A_40] : memref<32x80x128xi32, #tpu.memory_space<hbm>> -> memref<1x40x128xi32, #tpu.memory_space<hbm>>
      %dma_wait3A_42 = tpu.memref_squeeze %dma_wait3A_41 : memref<1x40x128xi32, #tpu.memory_space<hbm>> -> memref<40x128xi32, #tpu.memory_space<hbm>>
      %dma_wait3A_43 = arith.constant 40 : i32
      %dma_wait3A_44 = arith.constant 0 : i32
      %dma_wait3A_45 = tpu.memref_slice %arg3[%add3A, %dma_wait3A_43, %dma_wait3A_44] : memref<32x80x128xi32, #tpu.memory_space<hbm>> -> memref<1x40x128xi32, #tpu.memory_space<hbm>>
      %dma_wait3A_46 = tpu.memref_squeeze %dma_wait3A_45 : memref<1x40x128xi32, #tpu.memory_space<hbm>> -> memref<40x128xi32, #tpu.memory_space<hbm>>
      tpu.wait_dma2 semaphore(%run_scoped3A : memref<!tpu.dma_semaphore, #tpu.memory_space<semaphore_mem>>) src(%dma_wait3A_46 : memref<40x128xi32, #tpu.memory_space<hbm>>) dst(%arg7 : memref<40x128xi32, #tpu.memory_space<vmem>>)
      tpu.yield
    }) : () -> ()
    "tpu.region"() ({
      %run_scoped3A = tpu.sem_alloc : memref<!tpu.dma_semaphore, #tpu.memory_space<semaphore_mem>>
      %dma_start3A_32 = arith.constant 40 : i32
      %dma_start3A_33 = arith.constant 0 : i32
      %dma_start3A_34 = tpu.memref_slice %arg4[%add3A, %dma_start3A_32, %dma_start3A_33] : memref<32x80x128xi32, #tpu.memory_space<hbm>> -> memref<1x40x128xi32, #tpu.memory_space<hbm>>
      %dma_start3A_35 = tpu.memref_squeeze %dma_start3A_34 : memref<1x40x128xi32, #tpu.memory_space<hbm>> -> memref<40x128xi32, #tpu.memory_space<hbm>>
      %dma_start3A_36 = arith.constant 40 : i32
      %dma_start3A_37 = arith.constant 0 : i32
      %dma_start3A_38 = tpu.memref_slice %arg4[%add3A, %dma_start3A_36, %dma_start3A_37] : memref<32x80x128xi32, #tpu.memory_space<hbm>> -> memref<1x40x128xi32, #tpu.memory_space<hbm>>
      %dma_start3A_39 = tpu.memref_squeeze %dma_start3A_38 : memref<1x40x128xi32, #tpu.memory_space<hbm>> -> memref<40x128xi32, #tpu.memory_space<hbm>>
      tpu.enqueue_dma source(%dma_start3A_39 : memref<40x128xi32, #tpu.memory_space<hbm>>) target(%arg8 : memref<40x128xi32, #tpu.memory_space<vmem>>) target_semaphore(%run_scoped3A : memref<!tpu.dma_semaphore, #tpu.memory_space<semaphore_mem>>)
      %dma_wait3A = arith.constant 40 : i32
      %dma_wait3A_40 = arith.constant 0 : i32
      %dma_wait3A_41 = tpu.memref_slice %arg4[%add3A, %dma_wait3A, %dma_wait3A_40] : memref<32x80x128xi32, #tpu.memory_space<hbm>> -> memref<1x40x128xi32, #tpu.memory_space<hbm>>
      %dma_wait3A_42 = tpu.memref_squeeze %dma_wait3A_41 : memref<1x40x128xi32, #tpu.memory_space<hbm>> -> memref<40x128xi32, #tpu.memory_space<hbm>>
      %dma_wait3A_43 = arith.constant 40 : i32
      %dma_wait3A_44 = arith.constant 0 : i32
      %dma_wait3A_45 = tpu.memref_slice %arg4[%add3A, %dma_wait3A_43, %dma_wait3A_44] : memref<32x80x128xi32, #tpu.memory_space<hbm>> -> memref<1x40x128xi32, #tpu.memory_space<hbm>>
      %dma_wait3A_46 = tpu.memref_squeeze %dma_wait3A_45 : memref<1x40x128xi32, #tpu.memory_space<hbm>> -> memref<40x128xi32, #tpu.memory_space<hbm>>
      tpu.wait_dma2 semaphore(%run_scoped3A : memref<!tpu.dma_semaphore, #tpu.memory_space<semaphore_mem>>) src(%dma_wait3A_46 : memref<40x128xi32, #tpu.memory_space<hbm>>) dst(%arg8 : memref<40x128xi32, #tpu.memory_space<vmem>>)
      tpu.yield
    }) : () -> ()
    %dma_start3A_14 = arith.constant 0 : i32
    %dma_start3A_15 = arith.constant 0 : i32
    %dma_start3A_16 = tpu.memref_slice %arg7[%dma_start3A_14, %dma_start3A_15] : memref<40x128xi32, #tpu.memory_space<vmem>> -> memref<1x128xi32, #tpu.memory_space<vmem>>
    %dma_start3A_17 = tpu.memref_squeeze %dma_start3A_16 : memref<1x128xi32, #tpu.memory_space<vmem>> -> memref<128xi32, #tpu.memory_space<vmem>>
    %dma_start3A_18 = arith.constant 0 : i32
    %dma_start3A_19 = arith.constant 0 : i32
    %dma_start3A_20 = tpu.memref_slice %arg2[%dma_start3A_18, %dma_start3A_19] : memref<10240x128xf32, #tpu.memory_space<hbm>> -> memref<10240x128xf32, #tpu.memory_space<hbm>>
    tpu.enqueue_indirect_dma source(%dma_start3A_20 : memref<10240x128xf32, #tpu.memory_space<hbm>>) target(%arg9 : memref<128x128xf32, #tpu.memory_space<vmem>>) offsets(%dma_start3A_17 : memref<128xi32, #tpu.memory_space<vmem>>) semaphore(%arg12 : memref<!tpu.dma_semaphore, #tpu.memory_space<semaphore_mem>>)
    %scan3A_21 = arith.constant 0 : i32
    %scan3A_22 = arith.constant 0 : i32
    %scan3A_23 = arith.constant 20 : i32
    %scan3A_24 = arith.addi %scan3A_22, %scan3A_23 : i32
    %scan3A_25 = arith.constant 1 : i32
    scf.for %scan3A_32 = %scan3A_22 to %scan3A_24 step %scan3A_25  : i32 {
      %mul3A_33 = arith.constant 2 : i32
      %mul3A_34 = arith.muli %mul3A_33, %scan3A_32 : i32
      %add3A_35 = arith.constant 0 : i32
      %add3A_36 = arith.addi %mul3A_34, %add3A_35 : i32
      %dma_wait3A = arith.constant 0 : i32
      %dma_wait3A_37 = tpu.memref_slice %arg7[%add3A_36, %dma_wait3A] : memref<40x128xi32, #tpu.memory_space<vmem>> -> memref<1x128xi32, #tpu.memory_space<vmem>>
      %dma_wait3A_38 = tpu.memref_squeeze %dma_wait3A_37 : memref<1x128xi32, #tpu.memory_space<vmem>> -> memref<128xi32, #tpu.memory_space<vmem>>
      %dma_wait3A_39 = arith.constant 0 : i32
      %dma_wait3A_40 = arith.constant 0 : i32
      %dma_wait3A_41 = tpu.memref_slice %arg2[%dma_wait3A_39, %dma_wait3A_40] : memref<10240x128xf32, #tpu.memory_space<hbm>> -> memref<10240x128xf32, #tpu.memory_space<hbm>>
      tpu.wait_indirect_dma semaphore(%arg12 : memref<!tpu.dma_semaphore, #tpu.memory_space<semaphore_mem>>) src(%dma_wait3A_41 : memref<10240x128xf32, #tpu.memory_space<hbm>>) dst(%arg9 : memref<128x128xf32, #tpu.memory_space<vmem>>)
      %add3A_42 = arith.constant 1 : i32
      %add3A_43 = arith.addi %add3A_36, %add3A_42 : i32
      %lt3A = arith.constant 40 : i32
      %lt3A_44 = arith.cmpi slt, %add3A_43, %lt3A : i32
      %convert_element_type3A = arith.extui %lt3A_44 : i1 to i32
      %cond3A = arith.constant 0 : i32
      %cond3A_45 = arith.cmpi ne, %convert_element_type3A, %cond3A : i32
      scf.if %cond3A_45 {
        %add3A_63 = arith.constant 1 : i32
        %add3A_64 = arith.addi %add3A_36, %add3A_63 : i32
        %dma_start3A_65 = arith.constant 0 : i32
        %dma_start3A_66 = tpu.memref_slice %arg7[%add3A_64, %dma_start3A_65] : memref<40x128xi32, #tpu.memory_space<vmem>> -> memref<1x128xi32, #tpu.memory_space<vmem>>
        %dma_start3A_67 = tpu.memref_squeeze %dma_start3A_66 : memref<1x128xi32, #tpu.memory_space<vmem>> -> memref<128xi32, #tpu.memory_space<vmem>>
        %dma_start3A_68 = arith.constant 0 : i32
        %dma_start3A_69 = arith.constant 0 : i32
        %dma_start3A_70 = tpu.memref_slice %arg2[%dma_start3A_68, %dma_start3A_69] : memref<10240x128xf32, #tpu.memory_space<hbm>> -> memref<10240x128xf32, #tpu.memory_space<hbm>>
        tpu.enqueue_indirect_dma source(%dma_start3A_70 : memref<10240x128xf32, #tpu.memory_space<hbm>>) target(%arg10 : memref<128x128xf32, #tpu.memory_space<vmem>>) offsets(%dma_start3A_67 : memref<128xi32, #tpu.memory_space<vmem>>) semaphore(%arg13 : memref<!tpu.dma_semaphore, #tpu.memory_space<semaphore_mem>>)
      } else {
      }
      "tpu.region"() ({
        %run_scoped3A = tpu.sem_alloc : memref<!tpu.dma_semaphore, #tpu.memory_space<semaphore_mem>>
        %dma_start3A_63 = arith.constant 0 : i32
        %dma_start3A_64 = tpu.memref_slice %arg8[%add3A_36, %dma_start3A_63] : memref<40x128xi32, #tpu.memory_space<vmem>> -> memref<1x128xi32, #tpu.memory_space<vmem>>
        %dma_start3A_65 = tpu.memref_squeeze %dma_start3A_64 : memref<1x128xi32, #tpu.memory_space<vmem>> -> memref<128xi32, #tpu.memory_space<vmem>>
        %dma_start3A_66 = arith.constant 0 : i32
        %dma_start3A_67 = arith.constant 0 : i32
        %dma_start3A_68 = tpu.memref_slice %arg11[%dma_start3A_66, %dma_start3A_67] : memref<10240x128xf32, #tpu.memory_space<vmem_shared>> -> memref<10240x128xf32, #tpu.memory_space<vmem_shared>>
        tpu.enqueue_indirect_dma source(%arg9 : memref<128x128xf32, #tpu.memory_space<vmem>>) target(%dma_start3A_68 : memref<10240x128xf32, #tpu.memory_space<vmem_shared>>) offsets(%dma_start3A_65 : memref<128xi32, #tpu.memory_space<vmem>>) semaphore(%run_scoped3A : memref<!tpu.dma_semaphore, #tpu.memory_space<semaphore_mem>>) {add = true}
        %dma_wait3A_69 = arith.constant 0 : i32
        %dma_wait3A_70 = tpu.memref_slice %arg8[%add3A_36, %dma_wait3A_69] : memref<40x128xi32, #tpu.memory_space<vmem>> -> memref<1x128xi32, #tpu.memory_space<vmem>>
        %dma_wait3A_71 = tpu.memref_squeeze %dma_wait3A_70 : memref<1x128xi32, #tpu.memory_space<vmem>> -> memref<128xi32, #tpu.memory_space<vmem>>
        %dma_wait3A_72 = arith.constant 0 : i32
        %dma_wait3A_73 = arith.constant 0 : i32
        %dma_wait3A_74 = tpu.memref_slice %arg11[%dma_wait3A_72, %dma_wait3A_73] : memref<10240x128xf32, #tpu.memory_space<vmem_shared>> -> memref<10240x128xf32, #tpu.memory_space<vmem_shared>>
        tpu.wait_indirect_dma semaphore(%run_scoped3A : memref<!tpu.dma_semaphore, #tpu.memory_space<semaphore_mem>>) src(%arg9 : memref<128x128xf32, #tpu.memory_space<vmem>>) dst(%dma_wait3A_74 : memref<10240x128xf32, #tpu.memory_space<vmem_shared>>)
        tpu.yield
      }) : () -> ()
      %mul3A_46 = arith.constant 2 : i32
      %mul3A_47 = arith.muli %mul3A_46, %scan3A_32 : i32
      %add3A_48 = arith.constant 1 : i32
      %add3A_49 = arith.addi %mul3A_47, %add3A_48 : i32
      %dma_wait3A_50 = arith.constant 0 : i32
      %dma_wait3A_51 = tpu.memref_slice %arg7[%add3A_49, %dma_wait3A_50] : memref<40x128xi32, #tpu.memory_space<vmem>> -> memref<1x128xi32, #tpu.memory_space<vmem>>
      %dma_wait3A_52 = tpu.memref_squeeze %dma_wait3A_51 : memref<1x128xi32, #tpu.memory_space<vmem>> -> memref<128xi32, #tpu.memory_space<vmem>>
      %dma_wait3A_53 = arith.constant 0 : i32
      %dma_wait3A_54 = arith.constant 0 : i32
      %dma_wait3A_55 = tpu.memref_slice %arg2[%dma_wait3A_53, %dma_wait3A_54] : memref<10240x128xf32, #tpu.memory_space<hbm>> -> memref<10240x128xf32, #tpu.memory_space<hbm>>
      tpu.wait_indirect_dma semaphore(%arg13 : memref<!tpu.dma_semaphore, #tpu.memory_space<semaphore_mem>>) src(%dma_wait3A_55 : memref<10240x128xf32, #tpu.memory_space<hbm>>) dst(%arg10 : memref<128x128xf32, #tpu.memory_space<vmem>>)
      %add3A_56 = arith.constant 1 : i32
      %add3A_57 = arith.addi %add3A_49, %add3A_56 : i32
      %lt3A_58 = arith.constant 40 : i32
      %lt3A_59 = arith.cmpi slt, %add3A_57, %lt3A_58 : i32
      %convert_element_type3A_60 = arith.extui %lt3A_59 : i1 to i32
      %cond3A_61 = arith.constant 0 : i32
      %cond3A_62 = arith.cmpi ne, %convert_element_type3A_60, %cond3A_61 : i32
      scf.if %cond3A_62 {
        %add3A_63 = arith.constant 1 : i32
        %add3A_64 = arith.addi %add3A_49, %add3A_63 : i32
        %dma_start3A_65 = arith.constant 0 : i32
        %dma_start3A_66 = tpu.memref_slice %arg7[%add3A_64, %dma_start3A_65] : memref<40x128xi32, #tpu.memory_space<vmem>> -> memref<1x128xi32, #tpu.memory_space<vmem>>
        %dma_start3A_67 = tpu.memref_squeeze %dma_start3A_66 : memref<1x128xi32, #tpu.memory_space<vmem>> -> memref<128xi32, #tpu.memory_space<vmem>>
        %dma_start3A_68 = arith.constant 0 : i32
        %dma_start3A_69 = arith.constant 0 : i32
        %dma_start3A_70 = tpu.memref_slice %arg2[%dma_start3A_68, %dma_start3A_69] : memref<10240x128xf32, #tpu.memory_space<hbm>> -> memref<10240x128xf32, #tpu.memory_space<hbm>>
        tpu.enqueue_indirect_dma source(%dma_start3A_70 : memref<10240x128xf32, #tpu.memory_space<hbm>>) target(%arg9 : memref<128x128xf32, #tpu.memory_space<vmem>>) offsets(%dma_start3A_67 : memref<128xi32, #tpu.memory_space<vmem>>) semaphore(%arg12 : memref<!tpu.dma_semaphore, #tpu.memory_space<semaphore_mem>>)
      } else {
      }
      "tpu.region"() ({
        %run_scoped3A = tpu.sem_alloc : memref<!tpu.dma_semaphore, #tpu.memory_space<semaphore_mem>>
        %dma_start3A_63 = arith.constant 0 : i32
        %dma_start3A_64 = tpu.memref_slice %arg8[%add3A_49, %dma_start3A_63] : memref<40x128xi32, #tpu.memory_space<vmem>> -> memref<1x128xi32, #tpu.memory_space<vmem>>
        %dma_start3A_65 = tpu.memref_squeeze %dma_start3A_64 : memref<1x128xi32, #tpu.memory_space<vmem>> -> memref<128xi32, #tpu.memory_space<vmem>>
        %dma_start3A_66 = arith.constant 0 : i32
        %dma_start3A_67 = arith.constant 0 : i32
        %dma_start3A_68 = tpu.memref_slice %arg11[%dma_start3A_66, %dma_start3A_67] : memref<10240x128xf32, #tpu.memory_space<vmem_shared>> -> memref<10240x128xf32, #tpu.memory_space<vmem_shared>>
        tpu.enqueue_indirect_dma source(%arg10 : memref<128x128xf32, #tpu.memory_space<vmem>>) target(%dma_start3A_68 : memref<10240x128xf32, #tpu.memory_space<vmem_shared>>) offsets(%dma_start3A_65 : memref<128xi32, #tpu.memory_space<vmem>>) semaphore(%run_scoped3A : memref<!tpu.dma_semaphore, #tpu.memory_space<semaphore_mem>>) {add = true}
        %dma_wait3A_69 = arith.constant 0 : i32
        %dma_wait3A_70 = tpu.memref_slice %arg8[%add3A_49, %dma_wait3A_69] : memref<40x128xi32, #tpu.memory_space<vmem>> -> memref<1x128xi32, #tpu.memory_space<vmem>>
        %dma_wait3A_71 = tpu.memref_squeeze %dma_wait3A_70 : memref<1x128xi32, #tpu.memory_space<vmem>> -> memref<128xi32, #tpu.memory_space<vmem>>
        %dma_wait3A_72 = arith.constant 0 : i32
        %dma_wait3A_73 = arith.constant 0 : i32
        %dma_wait3A_74 = tpu.memref_slice %arg11[%dma_wait3A_72, %dma_wait3A_73] : memref<10240x128xf32, #tpu.memory_space<vmem_shared>> -> memref<10240x128xf32, #tpu.memory_space<vmem_shared>>
        tpu.wait_indirect_dma semaphore(%run_scoped3A : memref<!tpu.dma_semaphore, #tpu.memory_space<semaphore_mem>>) src(%arg10 : memref<128x128xf32, #tpu.memory_space<vmem>>) dst(%dma_wait3A_74 : memref<10240x128xf32, #tpu.memory_space<vmem_shared>>)
        tpu.yield
      }) : () -> ()
    }
    %scan3A_26 = arith.constant 20 : i32
    %barrier3A_27 = arith.constant 0 : index
    tpu.barrier barrier_id(%barrier3A_27)
    %mul3A_28 = arith.constant 640 : i32
    %mul3A_29 = arith.muli %arg1, %mul3A_28 : i32
    %mul3A_30 = arith.constant 640 : i32
    %mul3A_31 = arith.muli %arg1, %mul3A_30 : i32
    "tpu.region"() ({
      %run_scoped3A = tpu.sem_alloc : memref<!tpu.dma_semaphore, #tpu.memory_space<semaphore_mem>>
      %dma_start3A_32 = arith.constant 0 : i32
      %dma_start3A_33 = tpu.memref_slice %arg6[%arg0, %mul3A_31, %dma_start3A_32] : memref<2x10240x128xf32, #tpu.memory_space<hbm>> -> memref<1x640x128xf32, #tpu.memory_space<hbm>>
      %dma_start3A_34 = tpu.memref_squeeze %dma_start3A_33 : memref<1x640x128xf32, #tpu.memory_space<hbm>> -> memref<640x128xf32, #tpu.memory_space<hbm>>
      %dma_start3A_35 = arith.constant 0 : i32
      %dma_start3A_36 = tpu.memref_slice %arg11[%mul3A_29, %dma_start3A_35] : memref<10240x128xf32, #tpu.memory_space<vmem_shared>> -> memref<640x128xf32, #tpu.memory_space<vmem_shared>>
      tpu.enqueue_dma source(%dma_start3A_36 : memref<640x128xf32, #tpu.memory_space<vmem_shared>>) target(%dma_start3A_34 : memref<640x128xf32, #tpu.memory_space<hbm>>) target_semaphore(%run_scoped3A : memref<!tpu.dma_semaphore, #tpu.memory_space<semaphore_mem>>)
      %dma_wait3A = arith.constant 0 : i32
      %dma_wait3A_37 = tpu.memref_slice %arg6[%arg0, %mul3A_31, %dma_wait3A] : memref<2x10240x128xf32, #tpu.memory_space<hbm>> -> memref<1x640x128xf32, #tpu.memory_space<hbm>>
      %dma_wait3A_38 = tpu.memref_squeeze %dma_wait3A_37 : memref<1x640x128xf32, #tpu.memory_space<hbm>> -> memref<640x128xf32, #tpu.memory_space<hbm>>
      %dma_wait3A_39 = arith.constant 0 : i32
      %dma_wait3A_40 = tpu.memref_slice %arg11[%mul3A_29, %dma_wait3A_39] : memref<10240x128xf32, #tpu.memory_space<vmem_shared>> -> memref<640x128xf32, #tpu.memory_space<vmem_shared>>
      tpu.wait_dma2 semaphore(%run_scoped3A : memref<!tpu.dma_semaphore, #tpu.memory_space<semaphore_mem>>) src(%dma_wait3A_40 : memref<640x128xf32, #tpu.memory_space<vmem_shared>>) dst(%dma_wait3A_38 : memref<640x128xf32, #tpu.memory_space<hbm>>)
      tpu.yield
    }) : () -> ()
    return
  }
}

#map = affine_map<(d0, d1) -> (0, 0)>
#map1 = affine_map<(d0, d1) -> (0, 0, 0)>
module attributes {stable_mosaic.version = 14 : i64} {
  func.func @k(%arg0: i32, %arg1: i32, %arg2: memref<10240x128xf32, #tpu.memory_space<hbm>>, %arg3: memref<32x80x128xi32, #tpu.memory_space<hbm>>, %arg4: memref<32x80x128xi32, #tpu.memory_space<hbm>>, %arg5: memref<640x128xf32, #tpu.memory_space<hbm>>, %arg6: memref<2x10240x128xf32, #tpu.memory_space<hbm>>, %arg7: memref<40x128xi32, #tpu.memory_space<vmem>>, %arg8: memref<40x128xi32, #tpu.memory_space<vmem>>, %arg9: memref<128x128xf32, #tpu.memory_space<vmem>>, %arg10: memref<128x128xf32, #tpu.memory_space<vmem>>, %arg11: memref<10240x128xf32, #tpu.memory_space<vmem_shared>>, %arg12: memref<!tpu.dma_semaphore, #tpu.memory_space<semaphore_mem>>, %arg13: memref<!tpu.dma_semaphore, #tpu.memory_space<semaphore_mem>>) attributes {dimension_semantics = [#tpu.dimension_semantics<core_parallel>, #tpu.dimension_semantics<subcore_parallel>], iteration_bounds = array<i64: 2, 16>, scalar_prefetch = 0 : i64, scratch_operands = 7 : i64, tpu.core_type = #tpu.core_type<sc_vector_subcore>, window_params = [{transform_indices = #map}, {transform_indices = #map1}, {transform_indices = #map1}, {transform_indices = #map}, {transform_indices = #map1}]} {
    %mul3A = arith.constant 16 : i32
    %mul3A_0 = arith.muli %arg0, %mul3A : i32
    %add3A = arith.addi %mul3A_0, %arg1 : i32
    %mul3A_1 = arith.constant 640 : i32
    %mul3A_2 = arith.muli %arg1, %mul3A_1 : i32
    "tpu.region"() ({
      %run_scoped3A = tpu.sem_alloc : memref<!tpu.dma_semaphore, #tpu.memory_space<semaphore_mem>>
      %dma_start3A_32 = arith.constant 0 : i32
      %dma_start3A_33 = tpu.memref_slice %arg11[%mul3A_2, %dma_start3A_32] : memref<10240x128xf32, #tpu.memory_space<vmem_shared>> -> memref<640x128xf32, #tpu.memory_space<vmem_shared>>
      tpu.enqueue_dma source(%arg5 : memref<640x128xf32, #tpu.memory_space<hbm>>) target(%dma_start3A_33 : memref<640x128xf32, #tpu.memory_space<vmem_shared>>) target_semaphore(%run_scoped3A : memref<!tpu.dma_semaphore, #tpu.memory_space<semaphore_mem>>)
      %dma_wait3A = arith.constant 0 : i32
      %dma_wait3A_34 = tpu.memref_slice %arg11[%mul3A_2, %dma_wait3A] : memref<10240x128xf32, #tpu.memory_space<vmem_shared>> -> memref<640x128xf32, #tpu.memory_space<vmem_shared>>
      tpu.wait_dma2 semaphore(%run_scoped3A : memref<!tpu.dma_semaphore, #tpu.memory_space<semaphore_mem>>) src(%arg5 : memref<640x128xf32, #tpu.memory_space<hbm>>) dst(%dma_wait3A_34 : memref<640x128xf32, #tpu.memory_space<vmem_shared>>)
      tpu.yield
    }) : () -> ()
    %barrier3A = arith.constant 0 : index
    tpu.barrier barrier_id(%barrier3A)
    "tpu.region"() ({
      %run_scoped3A = tpu.sem_alloc : memref<!tpu.dma_semaphore, #tpu.memory_space<semaphore_mem>>
      %dma_start3A_32 = arith.constant 0 : i32
      %dma_start3A_33 = arith.constant 0 : i32
      %dma_start3A_34 = tpu.memref_slice %arg3[%add3A, %dma_start3A_32, %dma_start3A_33] : memref<32x80x128xi32, #tpu.memory_space<hbm>> -> memref<1x40x128xi32, #tpu.memory_space<hbm>>
      %dma_start3A_35 = tpu.memref_squeeze %dma_start3A_34 : memref<1x40x128xi32, #tpu.memory_space<hbm>> -> memref<40x128xi32, #tpu.memory_space<hbm>>
      %dma_start3A_36 = arith.constant 0 : i32
      %dma_start3A_37 = arith.constant 0 : i32
      %dma_start3A_38 = tpu.memref_slice %arg3[%add3A, %dma_start3A_36, %dma_start3A_37] : memref<32x80x128xi32, #tpu.memory_space<hbm>> -> memref<1x40x128xi32, #tpu.memory_space<hbm>>
      %dma_start3A_39 = tpu.memref_squeeze %dma_start3A_38 : memref<1x40x128xi32, #tpu.memory_space<hbm>> -> memref<40x128xi32, #tpu.memory_space<hbm>>
      tpu.enqueue_dma source(%dma_start3A_39 : memref<40x128xi32, #tpu.memory_space<hbm>>) target(%arg7 : memref<40x128xi32, #tpu.memory_space<vmem>>) target_semaphore(%run_scoped3A : memref<!tpu.dma_semaphore, #tpu.memory_space<semaphore_mem>>)
      %dma_wait3A = arith.constant 0 : i32
      %dma_wait3A_40 = arith.constant 0 : i32
      %dma_wait3A_41 = tpu.memref_slice %arg3[%add3A, %dma_wait3A, %dma_wait3A_40] : memref<32x80x128xi32, #tpu.memory_space<hbm>> -> memref<1x40x128xi32, #tpu.memory_space<hbm>>
      %dma_wait3A_42 = tpu.memref_squeeze %dma_wait3A_41 : memref<1x40x128xi32, #tpu.memory_space<hbm>> -> memref<40x128xi32, #tpu.memory_space<hbm>>
      %dma_wait3A_43 = arith.constant 0 : i32
      %dma_wait3A_44 = arith.constant 0 : i32
      %dma_wait3A_45 = tpu.memref_slice %arg3[%add3A, %dma_wait3A_43, %dma_wait3A_44] : memref<32x80x128xi32, #tpu.memory_space<hbm>> -> memref<1x40x128xi32, #tpu.memory_space<hbm>>
      %dma_wait3A_46 = tpu.memref_squeeze %dma_wait3A_45 : memref<1x40x128xi32, #tpu.memory_space<hbm>> -> memref<40x128xi32, #tpu.memory_space<hbm>>
      tpu.wait_dma2 semaphore(%run_scoped3A : memref<!tpu.dma_semaphore, #tpu.memory_space<semaphore_mem>>) src(%dma_wait3A_46 : memref<40x128xi32, #tpu.memory_space<hbm>>) dst(%arg7 : memref<40x128xi32, #tpu.memory_space<vmem>>)
      tpu.yield
    }) : () -> ()
    "tpu.region"() ({
      %run_scoped3A = tpu.sem_alloc : memref<!tpu.dma_semaphore, #tpu.memory_space<semaphore_mem>>
      %dma_start3A_32 = arith.constant 0 : i32
      %dma_start3A_33 = arith.constant 0 : i32
      %dma_start3A_34 = tpu.memref_slice %arg4[%add3A, %dma_start3A_32, %dma_start3A_33] : memref<32x80x128xi32, #tpu.memory_space<hbm>> -> memref<1x40x128xi32, #tpu.memory_space<hbm>>
      %dma_start3A_35 = tpu.memref_squeeze %dma_start3A_34 : memref<1x40x128xi32, #tpu.memory_space<hbm>> -> memref<40x128xi32, #tpu.memory_space<hbm>>
      %dma_start3A_36 = arith.constant 0 : i32
      %dma_start3A_37 = arith.constant 0 : i32
      %dma_start3A_38 = tpu.memref_slice %arg4[%add3A, %dma_start3A_36, %dma_start3A_37] : memref<32x80x128xi32, #tpu.memory_space<hbm>> -> memref<1x40x128xi32, #tpu.memory_space<hbm>>
      %dma_start3A_39 = tpu.memref_squeeze %dma_start3A_38 : memref<1x40x128xi32, #tpu.memory_space<hbm>> -> memref<40x128xi32, #tpu.memory_space<hbm>>
      tpu.enqueue_dma source(%dma_start3A_39 : memref<40x128xi32, #tpu.memory_space<hbm>>) target(%arg8 : memref<40x128xi32, #tpu.memory_space<vmem>>) target_semaphore(%run_scoped3A : memref<!tpu.dma_semaphore, #tpu.memory_space<semaphore_mem>>)
      %dma_wait3A = arith.constant 0 : i32
      %dma_wait3A_40 = arith.constant 0 : i32
      %dma_wait3A_41 = tpu.memref_slice %arg4[%add3A, %dma_wait3A, %dma_wait3A_40] : memref<32x80x128xi32, #tpu.memory_space<hbm>> -> memref<1x40x128xi32, #tpu.memory_space<hbm>>
      %dma_wait3A_42 = tpu.memref_squeeze %dma_wait3A_41 : memref<1x40x128xi32, #tpu.memory_space<hbm>> -> memref<40x128xi32, #tpu.memory_space<hbm>>
      %dma_wait3A_43 = arith.constant 0 : i32
      %dma_wait3A_44 = arith.constant 0 : i32
      %dma_wait3A_45 = tpu.memref_slice %arg4[%add3A, %dma_wait3A_43, %dma_wait3A_44] : memref<32x80x128xi32, #tpu.memory_space<hbm>> -> memref<1x40x128xi32, #tpu.memory_space<hbm>>
      %dma_wait3A_46 = tpu.memref_squeeze %dma_wait3A_45 : memref<1x40x128xi32, #tpu.memory_space<hbm>> -> memref<40x128xi32, #tpu.memory_space<hbm>>
      tpu.wait_dma2 semaphore(%run_scoped3A : memref<!tpu.dma_semaphore, #tpu.memory_space<semaphore_mem>>) src(%dma_wait3A_46 : memref<40x128xi32, #tpu.memory_space<hbm>>) dst(%arg8 : memref<40x128xi32, #tpu.memory_space<vmem>>)
      tpu.yield
    }) : () -> ()
    %dma_start3A = arith.constant 0 : i32
    %dma_start3A_3 = arith.constant 0 : i32
    %dma_start3A_4 = tpu.memref_slice %arg7[%dma_start3A, %dma_start3A_3] : memref<40x128xi32, #tpu.memory_space<vmem>> -> memref<1x128xi32, #tpu.memory_space<vmem>>
    %dma_start3A_5 = tpu.memref_squeeze %dma_start3A_4 : memref<1x128xi32, #tpu.memory_space<vmem>> -> memref<128xi32, #tpu.memory_space<vmem>>
    %dma_start3A_6 = arith.constant 0 : i32
    %dma_start3A_7 = arith.constant 0 : i32
    %dma_start3A_8 = tpu.memref_slice %arg2[%dma_start3A_6, %dma_start3A_7] : memref<10240x128xf32, #tpu.memory_space<hbm>> -> memref<10240x128xf32, #tpu.memory_space<hbm>>
    tpu.enqueue_indirect_dma source(%dma_start3A_8 : memref<10240x128xf32, #tpu.memory_space<hbm>>) target(%arg9 : memref<128x128xf32, #tpu.memory_space<vmem>>) offsets(%dma_start3A_5 : memref<128xi32, #tpu.memory_space<vmem>>) semaphore(%arg12 : memref<!tpu.dma_semaphore, #tpu.memory_space<semaphore_mem>>)
    %scan3A = arith.constant 0 : i32
    %scan3A_9 = arith.constant 0 : i32
    %scan3A_10 = arith.constant 20 : i32
    %scan3A_11 = arith.addi %scan3A_9, %scan3A_10 : i32
    %scan3A_12 = arith.constant 1 : i32
    scf.for %scan3A_32 = %scan3A_9 to %scan3A_11 step %scan3A_12  : i32 {
      %mul3A_33 = arith.constant 2 : i32
      %mul3A_34 = arith.muli %mul3A_33, %scan3A_32 : i32
      %add3A_35 = arith.constant 0 : i32
      %add3A_36 = arith.addi %mul3A_34, %add3A_35 : i32
      %dma_wait3A = arith.constant 0 : i32
      %dma_wait3A_37 = tpu.memref_slice %arg7[%add3A_36, %dma_wait3A] : memref<40x128xi32, #tpu.memory_space<vmem>> -> memref<1x128xi32, #tpu.memory_space<vmem>>
      %dma_wait3A_38 = tpu.memref_squeeze %dma_wait3A_37 : memref<1x128xi32, #tpu.memory_space<vmem>> -> memref<128xi32, #tpu.memory_space<vmem>>
      %dma_wait3A_39 = arith.constant 0 : i32
      %dma_wait3A_40 = arith.constant 0 : i32
      %dma_wait3A_41 = tpu.memref_slice %arg2[%dma_wait3A_39, %dma_wait3A_40] : memref<10240x128xf32, #tpu.memory_space<hbm>> -> memref<10240x128xf32, #tpu.memory_space<hbm>>
      tpu.wait_indirect_dma semaphore(%arg12 : memref<!tpu.dma_semaphore, #tpu.memory_space<semaphore_mem>>) src(%dma_wait3A_41 : memref<10240x128xf32, #tpu.memory_space<hbm>>) dst(%arg9 : memref<128x128xf32, #tpu.memory_space<vmem>>)
      %add3A_42 = arith.constant 1 : i32
      %add3A_43 = arith.addi %add3A_36, %add3A_42 : i32
      %lt3A = arith.constant 40 : i32
      %lt3A_44 = arith.cmpi slt, %add3A_43, %lt3A : i32
      %convert_element_type3A = arith.extui %lt3A_44 : i1 to i32
      %cond3A = arith.constant 0 : i32
      %cond3A_45 = arith.cmpi ne, %convert_element_type3A, %cond3A : i32
      scf.if %cond3A_45 {
        %add3A_63 = arith.constant 1 : i32
        %add3A_64 = arith.addi %add3A_36, %add3A_63 : i32
        %dma_start3A_65 = arith.constant 0 : i32
        %dma_start3A_66 = tpu.memref_slice %arg7[%add3A_64, %dma_start3A_65] : memref<40x128xi32, #tpu.memory_space<vmem>> -> memref<1x128xi32, #tpu.memory_space<vmem>>
        %dma_start3A_67 = tpu.memref_squeeze %dma_start3A_66 : memref<1x128xi32, #tpu.memory_space<vmem>> -> memref<128xi32, #tpu.memory_space<vmem>>
        %dma_start3A_68 = arith.constant 0 : i32
        %dma_start3A_69 = arith.constant 0 : i32
        %dma_start3A_70 = tpu.memref_slice %arg2[%dma_start3A_68, %dma_start3A_69] : memref<10240x128xf32, #tpu.memory_space<hbm>> -> memref<10240x128xf32, #tpu.memory_space<hbm>>
        tpu.enqueue_indirect_dma source(%dma_start3A_70 : memref<10240x128xf32, #tpu.memory_space<hbm>>) target(%arg10 : memref<128x128xf32, #tpu.memory_space<vmem>>) offsets(%dma_start3A_67 : memref<128xi32, #tpu.memory_space<vmem>>) semaphore(%arg13 : memref<!tpu.dma_semaphore, #tpu.memory_space<semaphore_mem>>)
      } else {
      }
      "tpu.region"() ({
        %run_scoped3A = tpu.sem_alloc : memref<!tpu.dma_semaphore, #tpu.memory_space<semaphore_mem>>
        %dma_start3A_63 = arith.constant 0 : i32
        %dma_start3A_64 = tpu.memref_slice %arg8[%add3A_36, %dma_start3A_63] : memref<40x128xi32, #tpu.memory_space<vmem>> -> memref<1x128xi32, #tpu.memory_space<vmem>>
        %dma_start3A_65 = tpu.memref_squeeze %dma_start3A_64 : memref<1x128xi32, #tpu.memory_space<vmem>> -> memref<128xi32, #tpu.memory_space<vmem>>
        %dma_start3A_66 = arith.constant 0 : i32
        %dma_start3A_67 = arith.constant 0 : i32
        %dma_start3A_68 = tpu.memref_slice %arg11[%dma_start3A_66, %dma_start3A_67] : memref<10240x128xf32, #tpu.memory_space<vmem_shared>> -> memref<10240x128xf32, #tpu.memory_space<vmem_shared>>
        tpu.enqueue_indirect_dma source(%arg9 : memref<128x128xf32, #tpu.memory_space<vmem>>) target(%dma_start3A_68 : memref<10240x128xf32, #tpu.memory_space<vmem_shared>>) offsets(%dma_start3A_65 : memref<128xi32, #tpu.memory_space<vmem>>) semaphore(%run_scoped3A : memref<!tpu.dma_semaphore, #tpu.memory_space<semaphore_mem>>) {add = true}
        %dma_wait3A_69 = arith.constant 0 : i32
        %dma_wait3A_70 = tpu.memref_slice %arg8[%add3A_36, %dma_wait3A_69] : memref<40x128xi32, #tpu.memory_space<vmem>> -> memref<1x128xi32, #tpu.memory_space<vmem>>
        %dma_wait3A_71 = tpu.memref_squeeze %dma_wait3A_70 : memref<1x128xi32, #tpu.memory_space<vmem>> -> memref<128xi32, #tpu.memory_space<vmem>>
        %dma_wait3A_72 = arith.constant 0 : i32
        %dma_wait3A_73 = arith.constant 0 : i32
        %dma_wait3A_74 = tpu.memref_slice %arg11[%dma_wait3A_72, %dma_wait3A_73] : memref<10240x128xf32, #tpu.memory_space<vmem_shared>> -> memref<10240x128xf32, #tpu.memory_space<vmem_shared>>
        tpu.wait_indirect_dma semaphore(%run_scoped3A : memref<!tpu.dma_semaphore, #tpu.memory_space<semaphore_mem>>) src(%arg9 : memref<128x128xf32, #tpu.memory_space<vmem>>) dst(%dma_wait3A_74 : memref<10240x128xf32, #tpu.memory_space<vmem_shared>>)
        tpu.yield
      }) : () -> ()
      %mul3A_46 = arith.constant 2 : i32
      %mul3A_47 = arith.muli %mul3A_46, %scan3A_32 : i32
      %add3A_48 = arith.constant 1 : i32
      %add3A_49 = arith.addi %mul3A_47, %add3A_48 : i32
      %dma_wait3A_50 = arith.constant 0 : i32
      %dma_wait3A_51 = tpu.memref_slice %arg7[%add3A_49, %dma_wait3A_50] : memref<40x128xi32, #tpu.memory_space<vmem>> -> memref<1x128xi32, #tpu.memory_space<vmem>>
      %dma_wait3A_52 = tpu.memref_squeeze %dma_wait3A_51 : memref<1x128xi32, #tpu.memory_space<vmem>> -> memref<128xi32, #tpu.memory_space<vmem>>
      %dma_wait3A_53 = arith.constant 0 : i32
      %dma_wait3A_54 = arith.constant 0 : i32
      %dma_wait3A_55 = tpu.memref_slice %arg2[%dma_wait3A_53, %dma_wait3A_54] : memref<10240x128xf32, #tpu.memory_space<hbm>> -> memref<10240x128xf32, #tpu.memory_space<hbm>>
      tpu.wait_indirect_dma semaphore(%arg13 : memref<!tpu.dma_semaphore, #tpu.memory_space<semaphore_mem>>) src(%dma_wait3A_55 : memref<10240x128xf32, #tpu.memory_space<hbm>>) dst(%arg10 : memref<128x128xf32, #tpu.memory_space<vmem>>)
      %add3A_56 = arith.constant 1 : i32
      %add3A_57 = arith.addi %add3A_49, %add3A_56 : i32
      %lt3A_58 = arith.constant 40 : i32
      %lt3A_59 = arith.cmpi slt, %add3A_57, %lt3A_58 : i32
      %convert_element_type3A_60 = arith.extui %lt3A_59 : i1 to i32
      %cond3A_61 = arith.constant 0 : i32
      %cond3A_62 = arith.cmpi ne, %convert_element_type3A_60, %cond3A_61 : i32
      scf.if %cond3A_62 {
        %add3A_63 = arith.constant 1 : i32
        %add3A_64 = arith.addi %add3A_49, %add3A_63 : i32
        %dma_start3A_65 = arith.constant 0 : i32
        %dma_start3A_66 = tpu.memref_slice %arg7[%add3A_64, %dma_start3A_65] : memref<40x128xi32, #tpu.memory_space<vmem>> -> memref<1x128xi32, #tpu.memory_space<vmem>>
        %dma_start3A_67 = tpu.memref_squeeze %dma_start3A_66 : memref<1x128xi32, #tpu.memory_space<vmem>> -> memref<128xi32, #tpu.memory_space<vmem>>
        %dma_start3A_68 = arith.constant 0 : i32
        %dma_start3A_69 = arith.constant 0 : i32
        %dma_start3A_70 = tpu.memref_slice %arg2[%dma_start3A_68, %dma_start3A_69] : memref<10240x128xf32, #tpu.memory_space<hbm>> -> memref<10240x128xf32, #tpu.memory_space<hbm>>
        tpu.enqueue_indirect_dma source(%dma_start3A_70 : memref<10240x128xf32, #tpu.memory_space<hbm>>) target(%arg9 : memref<128x128xf32, #tpu.memory_space<vmem>>) offsets(%dma_start3A_67 : memref<128xi32, #tpu.memory_space<vmem>>) semaphore(%arg12 : memref<!tpu.dma_semaphore, #tpu.memory_space<semaphore_mem>>)
      } else {
      }
      "tpu.region"() ({
        %run_scoped3A = tpu.sem_alloc : memref<!tpu.dma_semaphore, #tpu.memory_space<semaphore_mem>>
        %dma_start3A_63 = arith.constant 0 : i32
        %dma_start3A_64 = tpu.memref_slice %arg8[%add3A_49, %dma_start3A_63] : memref<40x128xi32, #tpu.memory_space<vmem>> -> memref<1x128xi32, #tpu.memory_space<vmem>>
        %dma_start3A_65 = tpu.memref_squeeze %dma_start3A_64 : memref<1x128xi32, #tpu.memory_space<vmem>> -> memref<128xi32, #tpu.memory_space<vmem>>
        %dma_start3A_66 = arith.constant 0 : i32
        %dma_start3A_67 = arith.constant 0 : i32
        %dma_start3A_68 = tpu.memref_slice %arg11[%dma_start3A_66, %dma_start3A_67] : memref<10240x128xf32, #tpu.memory_space<vmem_shared>> -> memref<10240x128xf32, #tpu.memory_space<vmem_shared>>
        tpu.enqueue_indirect_dma source(%arg10 : memref<128x128xf32, #tpu.memory_space<vmem>>) target(%dma_start3A_68 : memref<10240x128xf32, #tpu.memory_space<vmem_shared>>) offsets(%dma_start3A_65 : memref<128xi32, #tpu.memory_space<vmem>>) semaphore(%run_scoped3A : memref<!tpu.dma_semaphore, #tpu.memory_space<semaphore_mem>>) {add = true}
        %dma_wait3A_69 = arith.constant 0 : i32
        %dma_wait3A_70 = tpu.memref_slice %arg8[%add3A_49, %dma_wait3A_69] : memref<40x128xi32, #tpu.memory_space<vmem>> -> memref<1x128xi32, #tpu.memory_space<vmem>>
        %dma_wait3A_71 = tpu.memref_squeeze %dma_wait3A_70 : memref<1x128xi32, #tpu.memory_space<vmem>> -> memref<128xi32, #tpu.memory_space<vmem>>
        %dma_wait3A_72 = arith.constant 0 : i32
        %dma_wait3A_73 = arith.constant 0 : i32
        %dma_wait3A_74 = tpu.memref_slice %arg11[%dma_wait3A_72, %dma_wait3A_73] : memref<10240x128xf32, #tpu.memory_space<vmem_shared>> -> memref<10240x128xf32, #tpu.memory_space<vmem_shared>>
        tpu.wait_indirect_dma semaphore(%run_scoped3A : memref<!tpu.dma_semaphore, #tpu.memory_space<semaphore_mem>>) src(%arg10 : memref<128x128xf32, #tpu.memory_space<vmem>>) dst(%dma_wait3A_74 : memref<10240x128xf32, #tpu.memory_space<vmem_shared>>)
        tpu.yield
      }) : () -> ()
    }
    %scan3A_13 = arith.constant 20 : i32
    "tpu.region"() ({
      %run_scoped3A = tpu.sem_alloc : memref<!tpu.dma_semaphore, #tpu.memory_space<semaphore_mem>>
      %dma_start3A_32 = arith.constant 40 : i32
      %dma_start3A_33 = arith.constant 0 : i32
      %dma_start3A_34 = tpu.memref_slice %arg3[%add3A, %dma_start3A_32, %dma_start3A_33] : memref<32x80x128xi32, #tpu.memory_space<hbm>> -> memref<1x40x128xi32, #tpu.memory_space<hbm>>
      %dma_start3A_35 = tpu.memref_squeeze %dma_start3A_34 : memref<1x40x128xi32, #tpu.memory_space<hbm>> -> memref<40x128xi32, #tpu.memory_space<hbm>>
      %dma_start3A_36 = arith.constant 40 : i32
      %dma_start3A_37 = arith.constant 0 : i32
      %dma_start3A_38 = tpu.memref_slice %arg3[%add3A, %dma_start3A_36, %dma_start3A_37] : memref<32x80x128xi32, #tpu.memory_space<hbm>> -> memref<1x40x128xi32, #tpu.memory_space<hbm>>
      %dma_start3A_39 = tpu.memref_squeeze %dma_start3A_38 : memref<1x40x128xi32, #tpu.memory_space<hbm>> -> memref<40x128xi32, #tpu.memory_space<hbm>>
      tpu.enqueue_dma source(%dma_start3A_39 : memref<40x128xi32, #tpu.memory_space<hbm>>) target(%arg7 : memref<40x128xi32, #tpu.memory_space<vmem>>) target_semaphore(%run_scoped3A : memref<!tpu.dma_semaphore, #tpu.memory_space<semaphore_mem>>)
      %dma_wait3A = arith.constant 40 : i32
      %dma_wait3A_40 = arith.constant 0 : i32
      %dma_wait3A_41 = tpu.memref_slice %arg3[%add3A, %dma_wait3A, %dma_wait3A_40] : memref<32x80x128xi32, #tpu.memory_space<hbm>> -> memref<1x40x128xi32, #tpu.memory_space<hbm>>
      %dma_wait3A_42 = tpu.memref_squeeze %dma_wait3A_41 : memref<1x40x128xi32, #tpu.memory_space<hbm>> -> memref<40x128xi32, #tpu.memory_space<hbm>>
      %dma_wait3A_43 = arith.constant 40 : i32
      %dma_wait3A_44 = arith.constant 0 : i32
      %dma_wait3A_45 = tpu.memref_slice %arg3[%add3A, %dma_wait3A_43, %dma_wait3A_44] : memref<32x80x128xi32, #tpu.memory_space<hbm>> -> memref<1x40x128xi32, #tpu.memory_space<hbm>>
      %dma_wait3A_46 = tpu.memref_squeeze %dma_wait3A_45 : memref<1x40x128xi32, #tpu.memory_space<hbm>> -> memref<40x128xi32, #tpu.memory_space<hbm>>
      tpu.wait_dma2 semaphore(%run_scoped3A : memref<!tpu.dma_semaphore, #tpu.memory_space<semaphore_mem>>) src(%dma_wait3A_46 : memref<40x128xi32, #tpu.memory_space<hbm>>) dst(%arg7 : memref<40x128xi32, #tpu.memory_space<vmem>>)
      tpu.yield
    }) : () -> ()
    "tpu.region"() ({
      %run_scoped3A = tpu.sem_alloc : memref<!tpu.dma_semaphore, #tpu.memory_space<semaphore_mem>>
      %dma_start3A_32 = arith.constant 40 : i32
      %dma_start3A_33 = arith.constant 0 : i32
      %dma_start3A_34 = tpu.memref_slice %arg4[%add3A, %dma_start3A_32, %dma_start3A_33] : memref<32x80x128xi32, #tpu.memory_space<hbm>> -> memref<1x40x128xi32, #tpu.memory_space<hbm>>
      %dma_start3A_35 = tpu.memref_squeeze %dma_start3A_34 : memref<1x40x128xi32, #tpu.memory_space<hbm>> -> memref<40x128xi32, #tpu.memory_space<hbm>>
      %dma_start3A_36 = arith.constant 40 : i32
      %dma_start3A_37 = arith.constant 0 : i32
      %dma_start3A_38 = tpu.memref_slice %arg4[%add3A, %dma_start3A_36, %dma_start3A_37] : memref<32x80x128xi32, #tpu.memory_space<hbm>> -> memref<1x40x128xi32, #tpu.memory_space<hbm>>
      %dma_start3A_39 = tpu.memref_squeeze %dma_start3A_38 : memref<1x40x128xi32, #tpu.memory_space<hbm>> -> memref<40x128xi32, #tpu.memory_space<hbm>>
      tpu.enqueue_dma source(%dma_start3A_39 : memref<40x128xi32, #tpu.memory_space<hbm>>) target(%arg8 : memref<40x128xi32, #tpu.memory_space<vmem>>) target_semaphore(%run_scoped3A : memref<!tpu.dma_semaphore, #tpu.memory_space<semaphore_mem>>)
      %dma_wait3A = arith.constant 40 : i32
      %dma_wait3A_40 = arith.constant 0 : i32
      %dma_wait3A_41 = tpu.memref_slice %arg4[%add3A, %dma_wait3A, %dma_wait3A_40] : memref<32x80x128xi32, #tpu.memory_space<hbm>> -> memref<1x40x128xi32, #tpu.memory_space<hbm>>
      %dma_wait3A_42 = tpu.memref_squeeze %dma_wait3A_41 : memref<1x40x128xi32, #tpu.memory_space<hbm>> -> memref<40x128xi32, #tpu.memory_space<hbm>>
      %dma_wait3A_43 = arith.constant 40 : i32
      %dma_wait3A_44 = arith.constant 0 : i32
      %dma_wait3A_45 = tpu.memref_slice %arg4[%add3A, %dma_wait3A_43, %dma_wait3A_44] : memref<32x80x128xi32, #tpu.memory_space<hbm>> -> memref<1x40x128xi32, #tpu.memory_space<hbm>>
      %dma_wait3A_46 = tpu.memref_squeeze %dma_wait3A_45 : memref<1x40x128xi32, #tpu.memory_space<hbm>> -> memref<40x128xi32, #tpu.memory_space<hbm>>
      tpu.wait_dma2 semaphore(%run_scoped3A : memref<!tpu.dma_semaphore, #tpu.memory_space<semaphore_mem>>) src(%dma_wait3A_46 : memref<40x128xi32, #tpu.memory_space<hbm>>) dst(%arg8 : memref<40x128xi32, #tpu.memory_space<vmem>>)
      tpu.yield
    }) : () -> ()
    %dma_start3A_14 = arith.constant 0 : i32
    %dma_start3A_15 = arith.constant 0 : i32
    %dma_start3A_16 = tpu.memref_slice %arg7[%dma_start3A_14, %dma_start3A_15] : memref<40x128xi32, #tpu.memory_space<vmem>> -> memref<1x128xi32, #tpu.memory_space<vmem>>
    %dma_start3A_17 = tpu.memref_squeeze %dma_start3A_16 : memref<1x128xi32, #tpu.memory_space<vmem>> -> memref<128xi32, #tpu.memory_space<vmem>>
    %dma_start3A_18 = arith.constant 0 : i32
    %dma_start3A_19 = arith.constant 0 : i32
    %dma_start3A_20 = tpu.memref_slice %arg2[%dma_start3A_18, %dma_start3A_19] : memref<10240x128xf32, #tpu.memory_space<hbm>> -> memref<10240x128xf32, #tpu.memory_space<hbm>>
    tpu.enqueue_indirect_dma source(%dma_start3A_20 : memref<10240x128xf32, #tpu.memory_space<hbm>>) target(%arg9 : memref<128x128xf32, #tpu.memory_space<vmem>>) offsets(%dma_start3A_17 : memref<128xi32, #tpu.memory_space<vmem>>) semaphore(%arg12 : memref<!tpu.dma_semaphore, #tpu.memory_space<semaphore_mem>>)
    %scan3A_21 = arith.constant 0 : i32
    %scan3A_22 = arith.constant 0 : i32
    %scan3A_23 = arith.constant 20 : i32
    %scan3A_24 = arith.addi %scan3A_22, %scan3A_23 : i32
    %scan3A_25 = arith.constant 1 : i32
    scf.for %scan3A_32 = %scan3A_22 to %scan3A_24 step %scan3A_25  : i32 {
      %mul3A_33 = arith.constant 2 : i32
      %mul3A_34 = arith.muli %mul3A_33, %scan3A_32 : i32
      %add3A_35 = arith.constant 0 : i32
      %add3A_36 = arith.addi %mul3A_34, %add3A_35 : i32
      %dma_wait3A = arith.constant 0 : i32
      %dma_wait3A_37 = tpu.memref_slice %arg7[%add3A_36, %dma_wait3A] : memref<40x128xi32, #tpu.memory_space<vmem>> -> memref<1x128xi32, #tpu.memory_space<vmem>>
      %dma_wait3A_38 = tpu.memref_squeeze %dma_wait3A_37 : memref<1x128xi32, #tpu.memory_space<vmem>> -> memref<128xi32, #tpu.memory_space<vmem>>
      %dma_wait3A_39 = arith.constant 0 : i32
      %dma_wait3A_40 = arith.constant 0 : i32
      %dma_wait3A_41 = tpu.memref_slice %arg2[%dma_wait3A_39, %dma_wait3A_40] : memref<10240x128xf32, #tpu.memory_space<hbm>> -> memref<10240x128xf32, #tpu.memory_space<hbm>>
      tpu.wait_indirect_dma semaphore(%arg12 : memref<!tpu.dma_semaphore, #tpu.memory_space<semaphore_mem>>) src(%dma_wait3A_41 : memref<10240x128xf32, #tpu.memory_space<hbm>>) dst(%arg9 : memref<128x128xf32, #tpu.memory_space<vmem>>)
      %add3A_42 = arith.constant 1 : i32
      %add3A_43 = arith.addi %add3A_36, %add3A_42 : i32
      %lt3A = arith.constant 40 : i32
      %lt3A_44 = arith.cmpi slt, %add3A_43, %lt3A : i32
      %convert_element_type3A = arith.extui %lt3A_44 : i1 to i32
      %cond3A = arith.constant 0 : i32
      %cond3A_45 = arith.cmpi ne, %convert_element_type3A, %cond3A : i32
      scf.if %cond3A_45 {
        %add3A_63 = arith.constant 1 : i32
        %add3A_64 = arith.addi %add3A_36, %add3A_63 : i32
        %dma_start3A_65 = arith.constant 0 : i32
        %dma_start3A_66 = tpu.memref_slice %arg7[%add3A_64, %dma_start3A_65] : memref<40x128xi32, #tpu.memory_space<vmem>> -> memref<1x128xi32, #tpu.memory_space<vmem>>
        %dma_start3A_67 = tpu.memref_squeeze %dma_start3A_66 : memref<1x128xi32, #tpu.memory_space<vmem>> -> memref<128xi32, #tpu.memory_space<vmem>>
        %dma_start3A_68 = arith.constant 0 : i32
        %dma_start3A_69 = arith.constant 0 : i32
        %dma_start3A_70 = tpu.memref_slice %arg2[%dma_start3A_68, %dma_start3A_69] : memref<10240x128xf32, #tpu.memory_space<hbm>> -> memref<10240x128xf32, #tpu.memory_space<hbm>>
        tpu.enqueue_indirect_dma source(%dma_start3A_70 : memref<10240x128xf32, #tpu.memory_space<hbm>>) target(%arg10 : memref<128x128xf32, #tpu.memory_space<vmem>>) offsets(%dma_start3A_67 : memref<128xi32, #tpu.memory_space<vmem>>) semaphore(%arg13 : memref<!tpu.dma_semaphore, #tpu.memory_space<semaphore_mem>>)
      } else {
      }
      "tpu.region"() ({
        %run_scoped3A = tpu.sem_alloc : memref<!tpu.dma_semaphore, #tpu.memory_space<semaphore_mem>>
        %dma_start3A_63 = arith.constant 0 : i32
        %dma_start3A_64 = tpu.memref_slice %arg8[%add3A_36, %dma_start3A_63] : memref<40x128xi32, #tpu.memory_space<vmem>> -> memref<1x128xi32, #tpu.memory_space<vmem>>
        %dma_start3A_65 = tpu.memref_squeeze %dma_start3A_64 : memref<1x128xi32, #tpu.memory_space<vmem>> -> memref<128xi32, #tpu.memory_space<vmem>>
        %dma_start3A_66 = arith.constant 0 : i32
        %dma_start3A_67 = arith.constant 0 : i32
        %dma_start3A_68 = tpu.memref_slice %arg11[%dma_start3A_66, %dma_start3A_67] : memref<10240x128xf32, #tpu.memory_space<vmem_shared>> -> memref<10240x128xf32, #tpu.memory_space<vmem_shared>>
        tpu.enqueue_indirect_dma source(%arg9 : memref<128x128xf32, #tpu.memory_space<vmem>>) target(%dma_start3A_68 : memref<10240x128xf32, #tpu.memory_space<vmem_shared>>) offsets(%dma_start3A_65 : memref<128xi32, #tpu.memory_space<vmem>>) semaphore(%run_scoped3A : memref<!tpu.dma_semaphore, #tpu.memory_space<semaphore_mem>>) {add = true}
        %dma_wait3A_69 = arith.constant 0 : i32
        %dma_wait3A_70 = tpu.memref_slice %arg8[%add3A_36, %dma_wait3A_69] : memref<40x128xi32, #tpu.memory_space<vmem>> -> memref<1x128xi32, #tpu.memory_space<vmem>>
        %dma_wait3A_71 = tpu.memref_squeeze %dma_wait3A_70 : memref<1x128xi32, #tpu.memory_space<vmem>> -> memref<128xi32, #tpu.memory_space<vmem>>
        %dma_wait3A_72 = arith.constant 0 : i32
        %dma_wait3A_73 = arith.constant 0 : i32
        %dma_wait3A_74 = tpu.memref_slice %arg11[%dma_wait3A_72, %dma_wait3A_73] : memref<10240x128xf32, #tpu.memory_space<vmem_shared>> -> memref<10240x128xf32, #tpu.memory_space<vmem_shared>>
        tpu.wait_indirect_dma semaphore(%run_scoped3A : memref<!tpu.dma_semaphore, #tpu.memory_space<semaphore_mem>>) src(%arg9 : memref<128x128xf32, #tpu.memory_space<vmem>>) dst(%dma_wait3A_74 : memref<10240x128xf32, #tpu.memory_space<vmem_shared>>)
        tpu.yield
      }) : () -> ()
      %mul3A_46 = arith.constant 2 : i32
      %mul3A_47 = arith.muli %mul3A_46, %scan3A_32 : i32
      %add3A_48 = arith.constant 1 : i32
      %add3A_49 = arith.addi %mul3A_47, %add3A_48 : i32
      %dma_wait3A_50 = arith.constant 0 : i32
      %dma_wait3A_51 = tpu.memref_slice %arg7[%add3A_49, %dma_wait3A_50] : memref<40x128xi32, #tpu.memory_space<vmem>> -> memref<1x128xi32, #tpu.memory_space<vmem>>
      %dma_wait3A_52 = tpu.memref_squeeze %dma_wait3A_51 : memref<1x128xi32, #tpu.memory_space<vmem>> -> memref<128xi32, #tpu.memory_space<vmem>>
      %dma_wait3A_53 = arith.constant 0 : i32
      %dma_wait3A_54 = arith.constant 0 : i32
      %dma_wait3A_55 = tpu.memref_slice %arg2[%dma_wait3A_53, %dma_wait3A_54] : memref<10240x128xf32, #tpu.memory_space<hbm>> -> memref<10240x128xf32, #tpu.memory_space<hbm>>
      tpu.wait_indirect_dma semaphore(%arg13 : memref<!tpu.dma_semaphore, #tpu.memory_space<semaphore_mem>>) src(%dma_wait3A_55 : memref<10240x128xf32, #tpu.memory_space<hbm>>) dst(%arg10 : memref<128x128xf32, #tpu.memory_space<vmem>>)
      %add3A_56 = arith.constant 1 : i32
      %add3A_57 = arith.addi %add3A_49, %add3A_56 : i32
      %lt3A_58 = arith.constant 40 : i32
      %lt3A_59 = arith.cmpi slt, %add3A_57, %lt3A_58 : i32
      %convert_element_type3A_60 = arith.extui %lt3A_59 : i1 to i32
      %cond3A_61 = arith.constant 0 : i32
      %cond3A_62 = arith.cmpi ne, %convert_element_type3A_60, %cond3A_61 : i32
      scf.if %cond3A_62 {
        %add3A_63 = arith.constant 1 : i32
        %add3A_64 = arith.addi %add3A_49, %add3A_63 : i32
        %dma_start3A_65 = arith.constant 0 : i32
        %dma_start3A_66 = tpu.memref_slice %arg7[%add3A_64, %dma_start3A_65] : memref<40x128xi32, #tpu.memory_space<vmem>> -> memref<1x128xi32, #tpu.memory_space<vmem>>
        %dma_start3A_67 = tpu.memref_squeeze %dma_start3A_66 : memref<1x128xi32, #tpu.memory_space<vmem>> -> memref<128xi32, #tpu.memory_space<vmem>>
        %dma_start3A_68 = arith.constant 0 : i32
        %dma_start3A_69 = arith.constant 0 : i32
        %dma_start3A_70 = tpu.memref_slice %arg2[%dma_start3A_68, %dma_start3A_69] : memref<10240x128xf32, #tpu.memory_space<hbm>> -> memref<10240x128xf32, #tpu.memory_space<hbm>>
        tpu.enqueue_indirect_dma source(%dma_start3A_70 : memref<10240x128xf32, #tpu.memory_space<hbm>>) target(%arg9 : memref<128x128xf32, #tpu.memory_space<vmem>>) offsets(%dma_start3A_67 : memref<128xi32, #tpu.memory_space<vmem>>) semaphore(%arg12 : memref<!tpu.dma_semaphore, #tpu.memory_space<semaphore_mem>>)
      } else {
      }
      "tpu.region"() ({
        %run_scoped3A = tpu.sem_alloc : memref<!tpu.dma_semaphore, #tpu.memory_space<semaphore_mem>>
        %dma_start3A_63 = arith.constant 0 : i32
        %dma_start3A_64 = tpu.memref_slice %arg8[%add3A_49, %dma_start3A_63] : memref<40x128xi32, #tpu.memory_space<vmem>> -> memref<1x128xi32, #tpu.memory_space<vmem>>
        %dma_start3A_65 = tpu.memref_squeeze %dma_start3A_64 : memref<1x128xi32, #tpu.memory_space<vmem>> -> memref<128xi32, #tpu.memory_space<vmem>>
        %dma_start3A_66 = arith.constant 0 : i32
        %dma_start3A_67 = arith.constant 0 : i32
        %dma_start3A_68 = tpu.memref_slice %arg11[%dma_start3A_66, %dma_start3A_67] : memref<10240x128xf32, #tpu.memory_space<vmem_shared>> -> memref<10240x128xf32, #tpu.memory_space<vmem_shared>>
        tpu.enqueue_indirect_dma source(%arg10 : memref<128x128xf32, #tpu.memory_space<vmem>>) target(%dma_start3A_68 : memref<10240x128xf32, #tpu.memory_space<vmem_shared>>) offsets(%dma_start3A_65 : memref<128xi32, #tpu.memory_space<vmem>>) semaphore(%run_scoped3A : memref<!tpu.dma_semaphore, #tpu.memory_space<semaphore_mem>>) {add = true}
        %dma_wait3A_69 = arith.constant 0 : i32
        %dma_wait3A_70 = tpu.memref_slice %arg8[%add3A_49, %dma_wait3A_69] : memref<40x128xi32, #tpu.memory_space<vmem>> -> memref<1x128xi32, #tpu.memory_space<vmem>>
        %dma_wait3A_71 = tpu.memref_squeeze %dma_wait3A_70 : memref<1x128xi32, #tpu.memory_space<vmem>> -> memref<128xi32, #tpu.memory_space<vmem>>
        %dma_wait3A_72 = arith.constant 0 : i32
        %dma_wait3A_73 = arith.constant 0 : i32
        %dma_wait3A_74 = tpu.memref_slice %arg11[%dma_wait3A_72, %dma_wait3A_73] : memref<10240x128xf32, #tpu.memory_space<vmem_shared>> -> memref<10240x128xf32, #tpu.memory_space<vmem_shared>>
        tpu.wait_indirect_dma semaphore(%run_scoped3A : memref<!tpu.dma_semaphore, #tpu.memory_space<semaphore_mem>>) src(%arg10 : memref<128x128xf32, #tpu.memory_space<vmem>>) dst(%dma_wait3A_74 : memref<10240x128xf32, #tpu.memory_space<vmem_shared>>)
        tpu.yield
      }) : () -> ()
    }
    %scan3A_26 = arith.constant 20 : i32
    %barrier3A_27 = arith.constant 0 : index
    tpu.barrier barrier_id(%barrier3A_27)
    %mul3A_28 = arith.constant 640 : i32
    %mul3A_29 = arith.muli %arg1, %mul3A_28 : i32
    %mul3A_30 = arith.constant 640 : i32
    %mul3A_31 = arith.muli %arg1, %mul3A_30 : i32
    "tpu.region"() ({
      %run_scoped3A = tpu.sem_alloc : memref<!tpu.dma_semaphore, #tpu.memory_space<semaphore_mem>>
      %dma_start3A_32 = arith.constant 0 : i32
      %dma_start3A_33 = tpu.memref_slice %arg6[%arg0, %mul3A_31, %dma_start3A_32] : memref<2x10240x128xf32, #tpu.memory_space<hbm>> -> memref<1x640x128xf32, #tpu.memory_space<hbm>>
      %dma_start3A_34 = tpu.memref_squeeze %dma_start3A_33 : memref<1x640x128xf32, #tpu.memory_space<hbm>> -> memref<640x128xf32, #tpu.memory_space<hbm>>
      %dma_start3A_35 = arith.constant 0 : i32
      %dma_start3A_36 = tpu.memref_slice %arg11[%mul3A_29, %dma_start3A_35] : memref<10240x128xf32, #tpu.memory_space<vmem_shared>> -> memref<640x128xf32, #tpu.memory_space<vmem_shared>>
      tpu.enqueue_dma source(%dma_start3A_36 : memref<640x128xf32, #tpu.memory_space<vmem_shared>>) target(%dma_start3A_34 : memref<640x128xf32, #tpu.memory_space<hbm>>) target_semaphore(%run_scoped3A : memref<!tpu.dma_semaphore, #tpu.memory_space<semaphore_mem>>)
      %dma_wait3A = arith.constant 0 : i32
      %dma_wait3A_37 = tpu.memref_slice %arg6[%arg0, %mul3A_31, %dma_wait3A] : memref<2x10240x128xf32, #tpu.memory_space<hbm>> -> memref<1x640x128xf32, #tpu.memory_space<hbm>>
      %dma_wait3A_38 = tpu.memref_squeeze %dma_wait3A_37 : memref<1x640x128xf32, #tpu.memory_space<hbm>> -> memref<640x128xf32, #tpu.memory_space<hbm>>
      %dma_wait3A_39 = arith.constant 0 : i32
      %dma_wait3A_40 = tpu.memref_slice %arg11[%mul3A_29, %dma_wait3A_39] : memref<10240x128xf32, #tpu.memory_space<vmem_shared>> -> memref<640x128xf32, #tpu.memory_space<vmem_shared>>
      tpu.wait_dma2 semaphore(%run_scoped3A : memref<!tpu.dma_semaphore, #tpu.memory_space<semaphore_mem>>) src(%dma_wait3A_40 : memref<640x128xf32, #tpu.memory_space<vmem_shared>>) dst(%dma_wait3A_38 : memref<640x128xf32, #tpu.memory_space<hbm>>)
      tpu.yield
    }) : () -> ()
    return
  }
}

#map = affine_map<(d0, d1) -> (0, 0)>
#map1 = affine_map<(d0, d1) -> (0, 0, 0)>
module attributes {stable_mosaic.version = 14 : i64} {
  func.func @k(%arg0: i32, %arg1: i32, %arg2: memref<10240x128xf32, #tpu.memory_space<hbm>>, %arg3: memref<32x80x128xi32, #tpu.memory_space<hbm>>, %arg4: memref<32x80x128xi32, #tpu.memory_space<hbm>>, %arg5: memref<640x128xf32, #tpu.memory_space<hbm>>, %arg6: memref<2x10240x128xf32, #tpu.memory_space<hbm>>, %arg7: memref<40x128xi32, #tpu.memory_space<vmem>>, %arg8: memref<40x128xi32, #tpu.memory_space<vmem>>, %arg9: memref<128x128xf32, #tpu.memory_space<vmem>>, %arg10: memref<128x128xf32, #tpu.memory_space<vmem>>, %arg11: memref<10240x128xf32, #tpu.memory_space<vmem_shared>>, %arg12: memref<!tpu.dma_semaphore, #tpu.memory_space<semaphore_mem>>, %arg13: memref<!tpu.dma_semaphore, #tpu.memory_space<semaphore_mem>>) attributes {dimension_semantics = [#tpu.dimension_semantics<core_parallel>, #tpu.dimension_semantics<subcore_parallel>], iteration_bounds = array<i64: 2, 16>, scalar_prefetch = 0 : i64, scratch_operands = 7 : i64, tpu.core_type = #tpu.core_type<sc_vector_subcore>, window_params = [{transform_indices = #map}, {transform_indices = #map1}, {transform_indices = #map1}, {transform_indices = #map}, {transform_indices = #map1}]} {
    %mul3A = arith.constant 16 : i32
    %mul3A_0 = arith.muli %arg0, %mul3A : i32
    %add3A = arith.addi %mul3A_0, %arg1 : i32
    %mul3A_1 = arith.constant 640 : i32
    %mul3A_2 = arith.muli %arg1, %mul3A_1 : i32
    "tpu.region"() ({
      %run_scoped3A = tpu.sem_alloc : memref<!tpu.dma_semaphore, #tpu.memory_space<semaphore_mem>>
      %dma_start3A_32 = arith.constant 0 : i32
      %dma_start3A_33 = tpu.memref_slice %arg11[%mul3A_2, %dma_start3A_32] : memref<10240x128xf32, #tpu.memory_space<vmem_shared>> -> memref<640x128xf32, #tpu.memory_space<vmem_shared>>
      tpu.enqueue_dma source(%arg5 : memref<640x128xf32, #tpu.memory_space<hbm>>) target(%dma_start3A_33 : memref<640x128xf32, #tpu.memory_space<vmem_shared>>) target_semaphore(%run_scoped3A : memref<!tpu.dma_semaphore, #tpu.memory_space<semaphore_mem>>)
      %dma_wait3A = arith.constant 0 : i32
      %dma_wait3A_34 = tpu.memref_slice %arg11[%mul3A_2, %dma_wait3A] : memref<10240x128xf32, #tpu.memory_space<vmem_shared>> -> memref<640x128xf32, #tpu.memory_space<vmem_shared>>
      tpu.wait_dma2 semaphore(%run_scoped3A : memref<!tpu.dma_semaphore, #tpu.memory_space<semaphore_mem>>) src(%arg5 : memref<640x128xf32, #tpu.memory_space<hbm>>) dst(%dma_wait3A_34 : memref<640x128xf32, #tpu.memory_space<vmem_shared>>)
      tpu.yield
    }) : () -> ()
    %barrier3A = arith.constant 0 : index
    tpu.barrier barrier_id(%barrier3A)
    "tpu.region"() ({
      %run_scoped3A = tpu.sem_alloc : memref<!tpu.dma_semaphore, #tpu.memory_space<semaphore_mem>>
      %dma_start3A_32 = arith.constant 0 : i32
      %dma_start3A_33 = arith.constant 0 : i32
      %dma_start3A_34 = tpu.memref_slice %arg3[%add3A, %dma_start3A_32, %dma_start3A_33] : memref<32x80x128xi32, #tpu.memory_space<hbm>> -> memref<1x40x128xi32, #tpu.memory_space<hbm>>
      %dma_start3A_35 = tpu.memref_squeeze %dma_start3A_34 : memref<1x40x128xi32, #tpu.memory_space<hbm>> -> memref<40x128xi32, #tpu.memory_space<hbm>>
      %dma_start3A_36 = arith.constant 0 : i32
      %dma_start3A_37 = arith.constant 0 : i32
      %dma_start3A_38 = tpu.memref_slice %arg3[%add3A, %dma_start3A_36, %dma_start3A_37] : memref<32x80x128xi32, #tpu.memory_space<hbm>> -> memref<1x40x128xi32, #tpu.memory_space<hbm>>
      %dma_start3A_39 = tpu.memref_squeeze %dma_start3A_38 : memref<1x40x128xi32, #tpu.memory_space<hbm>> -> memref<40x128xi32, #tpu.memory_space<hbm>>
      tpu.enqueue_dma source(%dma_start3A_39 : memref<40x128xi32, #tpu.memory_space<hbm>>) target(%arg7 : memref<40x128xi32, #tpu.memory_space<vmem>>) target_semaphore(%run_scoped3A : memref<!tpu.dma_semaphore, #tpu.memory_space<semaphore_mem>>)
      %dma_wait3A = arith.constant 0 : i32
      %dma_wait3A_40 = arith.constant 0 : i32
      %dma_wait3A_41 = tpu.memref_slice %arg3[%add3A, %dma_wait3A, %dma_wait3A_40] : memref<32x80x128xi32, #tpu.memory_space<hbm>> -> memref<1x40x128xi32, #tpu.memory_space<hbm>>
      %dma_wait3A_42 = tpu.memref_squeeze %dma_wait3A_41 : memref<1x40x128xi32, #tpu.memory_space<hbm>> -> memref<40x128xi32, #tpu.memory_space<hbm>>
      %dma_wait3A_43 = arith.constant 0 : i32
      %dma_wait3A_44 = arith.constant 0 : i32
      %dma_wait3A_45 = tpu.memref_slice %arg3[%add3A, %dma_wait3A_43, %dma_wait3A_44] : memref<32x80x128xi32, #tpu.memory_space<hbm>> -> memref<1x40x128xi32, #tpu.memory_space<hbm>>
      %dma_wait3A_46 = tpu.memref_squeeze %dma_wait3A_45 : memref<1x40x128xi32, #tpu.memory_space<hbm>> -> memref<40x128xi32, #tpu.memory_space<hbm>>
      tpu.wait_dma2 semaphore(%run_scoped3A : memref<!tpu.dma_semaphore, #tpu.memory_space<semaphore_mem>>) src(%dma_wait3A_46 : memref<40x128xi32, #tpu.memory_space<hbm>>) dst(%arg7 : memref<40x128xi32, #tpu.memory_space<vmem>>)
      tpu.yield
    }) : () -> ()
    "tpu.region"() ({
      %run_scoped3A = tpu.sem_alloc : memref<!tpu.dma_semaphore, #tpu.memory_space<semaphore_mem>>
      %dma_start3A_32 = arith.constant 0 : i32
      %dma_start3A_33 = arith.constant 0 : i32
      %dma_start3A_34 = tpu.memref_slice %arg4[%add3A, %dma_start3A_32, %dma_start3A_33] : memref<32x80x128xi32, #tpu.memory_space<hbm>> -> memref<1x40x128xi32, #tpu.memory_space<hbm>>
      %dma_start3A_35 = tpu.memref_squeeze %dma_start3A_34 : memref<1x40x128xi32, #tpu.memory_space<hbm>> -> memref<40x128xi32, #tpu.memory_space<hbm>>
      %dma_start3A_36 = arith.constant 0 : i32
      %dma_start3A_37 = arith.constant 0 : i32
      %dma_start3A_38 = tpu.memref_slice %arg4[%add3A, %dma_start3A_36, %dma_start3A_37] : memref<32x80x128xi32, #tpu.memory_space<hbm>> -> memref<1x40x128xi32, #tpu.memory_space<hbm>>
      %dma_start3A_39 = tpu.memref_squeeze %dma_start3A_38 : memref<1x40x128xi32, #tpu.memory_space<hbm>> -> memref<40x128xi32, #tpu.memory_space<hbm>>
      tpu.enqueue_dma source(%dma_start3A_39 : memref<40x128xi32, #tpu.memory_space<hbm>>) target(%arg8 : memref<40x128xi32, #tpu.memory_space<vmem>>) target_semaphore(%run_scoped3A : memref<!tpu.dma_semaphore, #tpu.memory_space<semaphore_mem>>)
      %dma_wait3A = arith.constant 0 : i32
      %dma_wait3A_40 = arith.constant 0 : i32
      %dma_wait3A_41 = tpu.memref_slice %arg4[%add3A, %dma_wait3A, %dma_wait3A_40] : memref<32x80x128xi32, #tpu.memory_space<hbm>> -> memref<1x40x128xi32, #tpu.memory_space<hbm>>
      %dma_wait3A_42 = tpu.memref_squeeze %dma_wait3A_41 : memref<1x40x128xi32, #tpu.memory_space<hbm>> -> memref<40x128xi32, #tpu.memory_space<hbm>>
      %dma_wait3A_43 = arith.constant 0 : i32
      %dma_wait3A_44 = arith.constant 0 : i32
      %dma_wait3A_45 = tpu.memref_slice %arg4[%add3A, %dma_wait3A_43, %dma_wait3A_44] : memref<32x80x128xi32, #tpu.memory_space<hbm>> -> memref<1x40x128xi32, #tpu.memory_space<hbm>>
      %dma_wait3A_46 = tpu.memref_squeeze %dma_wait3A_45 : memref<1x40x128xi32, #tpu.memory_space<hbm>> -> memref<40x128xi32, #tpu.memory_space<hbm>>
      tpu.wait_dma2 semaphore(%run_scoped3A : memref<!tpu.dma_semaphore, #tpu.memory_space<semaphore_mem>>) src(%dma_wait3A_46 : memref<40x128xi32, #tpu.memory_space<hbm>>) dst(%arg8 : memref<40x128xi32, #tpu.memory_space<vmem>>)
      tpu.yield
    }) : () -> ()
    %dma_start3A = arith.constant 0 : i32
    %dma_start3A_3 = arith.constant 0 : i32
    %dma_start3A_4 = tpu.memref_slice %arg7[%dma_start3A, %dma_start3A_3] : memref<40x128xi32, #tpu.memory_space<vmem>> -> memref<1x128xi32, #tpu.memory_space<vmem>>
    %dma_start3A_5 = tpu.memref_squeeze %dma_start3A_4 : memref<1x128xi32, #tpu.memory_space<vmem>> -> memref<128xi32, #tpu.memory_space<vmem>>
    %dma_start3A_6 = arith.constant 0 : i32
    %dma_start3A_7 = arith.constant 0 : i32
    %dma_start3A_8 = tpu.memref_slice %arg2[%dma_start3A_6, %dma_start3A_7] : memref<10240x128xf32, #tpu.memory_space<hbm>> -> memref<10240x128xf32, #tpu.memory_space<hbm>>
    tpu.enqueue_indirect_dma source(%dma_start3A_8 : memref<10240x128xf32, #tpu.memory_space<hbm>>) target(%arg9 : memref<128x128xf32, #tpu.memory_space<vmem>>) offsets(%dma_start3A_5 : memref<128xi32, #tpu.memory_space<vmem>>) semaphore(%arg12 : memref<!tpu.dma_semaphore, #tpu.memory_space<semaphore_mem>>)
    %scan3A = arith.constant 0 : i32
    %scan3A_9 = arith.constant 0 : i32
    %scan3A_10 = arith.constant 20 : i32
    %scan3A_11 = arith.addi %scan3A_9, %scan3A_10 : i32
    %scan3A_12 = arith.constant 1 : i32
    scf.for %scan3A_32 = %scan3A_9 to %scan3A_11 step %scan3A_12  : i32 {
      %mul3A_33 = arith.constant 2 : i32
      %mul3A_34 = arith.muli %mul3A_33, %scan3A_32 : i32
      %add3A_35 = arith.constant 0 : i32
      %add3A_36 = arith.addi %mul3A_34, %add3A_35 : i32
      %dma_wait3A = arith.constant 0 : i32
      %dma_wait3A_37 = tpu.memref_slice %arg7[%add3A_36, %dma_wait3A] : memref<40x128xi32, #tpu.memory_space<vmem>> -> memref<1x128xi32, #tpu.memory_space<vmem>>
      %dma_wait3A_38 = tpu.memref_squeeze %dma_wait3A_37 : memref<1x128xi32, #tpu.memory_space<vmem>> -> memref<128xi32, #tpu.memory_space<vmem>>
      %dma_wait3A_39 = arith.constant 0 : i32
      %dma_wait3A_40 = arith.constant 0 : i32
      %dma_wait3A_41 = tpu.memref_slice %arg2[%dma_wait3A_39, %dma_wait3A_40] : memref<10240x128xf32, #tpu.memory_space<hbm>> -> memref<10240x128xf32, #tpu.memory_space<hbm>>
      tpu.wait_indirect_dma semaphore(%arg12 : memref<!tpu.dma_semaphore, #tpu.memory_space<semaphore_mem>>) src(%dma_wait3A_41 : memref<10240x128xf32, #tpu.memory_space<hbm>>) dst(%arg9 : memref<128x128xf32, #tpu.memory_space<vmem>>)
      %add3A_42 = arith.constant 1 : i32
      %add3A_43 = arith.addi %add3A_36, %add3A_42 : i32
      %lt3A = arith.constant 40 : i32
      %lt3A_44 = arith.cmpi slt, %add3A_43, %lt3A : i32
      %convert_element_type3A = arith.extui %lt3A_44 : i1 to i32
      %cond3A = arith.constant 0 : i32
      %cond3A_45 = arith.cmpi ne, %convert_element_type3A, %cond3A : i32
      scf.if %cond3A_45 {
        %add3A_63 = arith.constant 1 : i32
        %add3A_64 = arith.addi %add3A_36, %add3A_63 : i32
        %dma_start3A_65 = arith.constant 0 : i32
        %dma_start3A_66 = tpu.memref_slice %arg7[%add3A_64, %dma_start3A_65] : memref<40x128xi32, #tpu.memory_space<vmem>> -> memref<1x128xi32, #tpu.memory_space<vmem>>
        %dma_start3A_67 = tpu.memref_squeeze %dma_start3A_66 : memref<1x128xi32, #tpu.memory_space<vmem>> -> memref<128xi32, #tpu.memory_space<vmem>>
        %dma_start3A_68 = arith.constant 0 : i32
        %dma_start3A_69 = arith.constant 0 : i32
        %dma_start3A_70 = tpu.memref_slice %arg2[%dma_start3A_68, %dma_start3A_69] : memref<10240x128xf32, #tpu.memory_space<hbm>> -> memref<10240x128xf32, #tpu.memory_space<hbm>>
        tpu.enqueue_indirect_dma source(%dma_start3A_70 : memref<10240x128xf32, #tpu.memory_space<hbm>>) target(%arg10 : memref<128x128xf32, #tpu.memory_space<vmem>>) offsets(%dma_start3A_67 : memref<128xi32, #tpu.memory_space<vmem>>) semaphore(%arg13 : memref<!tpu.dma_semaphore, #tpu.memory_space<semaphore_mem>>)
      } else {
      }
      "tpu.region"() ({
        %run_scoped3A = tpu.sem_alloc : memref<!tpu.dma_semaphore, #tpu.memory_space<semaphore_mem>>
        %dma_start3A_63 = arith.constant 0 : i32
        %dma_start3A_64 = tpu.memref_slice %arg8[%add3A_36, %dma_start3A_63] : memref<40x128xi32, #tpu.memory_space<vmem>> -> memref<1x128xi32, #tpu.memory_space<vmem>>
        %dma_start3A_65 = tpu.memref_squeeze %dma_start3A_64 : memref<1x128xi32, #tpu.memory_space<vmem>> -> memref<128xi32, #tpu.memory_space<vmem>>
        %dma_start3A_66 = arith.constant 0 : i32
        %dma_start3A_67 = arith.constant 0 : i32
        %dma_start3A_68 = tpu.memref_slice %arg11[%dma_start3A_66, %dma_start3A_67] : memref<10240x128xf32, #tpu.memory_space<vmem_shared>> -> memref<10240x128xf32, #tpu.memory_space<vmem_shared>>
        tpu.enqueue_indirect_dma source(%arg9 : memref<128x128xf32, #tpu.memory_space<vmem>>) target(%dma_start3A_68 : memref<10240x128xf32, #tpu.memory_space<vmem_shared>>) offsets(%dma_start3A_65 : memref<128xi32, #tpu.memory_space<vmem>>) semaphore(%run_scoped3A : memref<!tpu.dma_semaphore, #tpu.memory_space<semaphore_mem>>) {add = true}
        %dma_wait3A_69 = arith.constant 0 : i32
        %dma_wait3A_70 = tpu.memref_slice %arg8[%add3A_36, %dma_wait3A_69] : memref<40x128xi32, #tpu.memory_space<vmem>> -> memref<1x128xi32, #tpu.memory_space<vmem>>
        %dma_wait3A_71 = tpu.memref_squeeze %dma_wait3A_70 : memref<1x128xi32, #tpu.memory_space<vmem>> -> memref<128xi32, #tpu.memory_space<vmem>>
        %dma_wait3A_72 = arith.constant 0 : i32
        %dma_wait3A_73 = arith.constant 0 : i32
        %dma_wait3A_74 = tpu.memref_slice %arg11[%dma_wait3A_72, %dma_wait3A_73] : memref<10240x128xf32, #tpu.memory_space<vmem_shared>> -> memref<10240x128xf32, #tpu.memory_space<vmem_shared>>
        tpu.wait_indirect_dma semaphore(%run_scoped3A : memref<!tpu.dma_semaphore, #tpu.memory_space<semaphore_mem>>) src(%arg9 : memref<128x128xf32, #tpu.memory_space<vmem>>) dst(%dma_wait3A_74 : memref<10240x128xf32, #tpu.memory_space<vmem_shared>>)
        tpu.yield
      }) : () -> ()
      %mul3A_46 = arith.constant 2 : i32
      %mul3A_47 = arith.muli %mul3A_46, %scan3A_32 : i32
      %add3A_48 = arith.constant 1 : i32
      %add3A_49 = arith.addi %mul3A_47, %add3A_48 : i32
      %dma_wait3A_50 = arith.constant 0 : i32
      %dma_wait3A_51 = tpu.memref_slice %arg7[%add3A_49, %dma_wait3A_50] : memref<40x128xi32, #tpu.memory_space<vmem>> -> memref<1x128xi32, #tpu.memory_space<vmem>>
      %dma_wait3A_52 = tpu.memref_squeeze %dma_wait3A_51 : memref<1x128xi32, #tpu.memory_space<vmem>> -> memref<128xi32, #tpu.memory_space<vmem>>
      %dma_wait3A_53 = arith.constant 0 : i32
      %dma_wait3A_54 = arith.constant 0 : i32
      %dma_wait3A_55 = tpu.memref_slice %arg2[%dma_wait3A_53, %dma_wait3A_54] : memref<10240x128xf32, #tpu.memory_space<hbm>> -> memref<10240x128xf32, #tpu.memory_space<hbm>>
      tpu.wait_indirect_dma semaphore(%arg13 : memref<!tpu.dma_semaphore, #tpu.memory_space<semaphore_mem>>) src(%dma_wait3A_55 : memref<10240x128xf32, #tpu.memory_space<hbm>>) dst(%arg10 : memref<128x128xf32, #tpu.memory_space<vmem>>)
      %add3A_56 = arith.constant 1 : i32
      %add3A_57 = arith.addi %add3A_49, %add3A_56 : i32
      %lt3A_58 = arith.constant 40 : i32
      %lt3A_59 = arith.cmpi slt, %add3A_57, %lt3A_58 : i32
      %convert_element_type3A_60 = arith.extui %lt3A_59 : i1 to i32
      %cond3A_61 = arith.constant 0 : i32
      %cond3A_62 = arith.cmpi ne, %convert_element_type3A_60, %cond3A_61 : i32
      scf.if %cond3A_62 {
        %add3A_63 = arith.constant 1 : i32
        %add3A_64 = arith.addi %add3A_49, %add3A_63 : i32
        %dma_start3A_65 = arith.constant 0 : i32
        %dma_start3A_66 = tpu.memref_slice %arg7[%add3A_64, %dma_start3A_65] : memref<40x128xi32, #tpu.memory_space<vmem>> -> memref<1x128xi32, #tpu.memory_space<vmem>>
        %dma_start3A_67 = tpu.memref_squeeze %dma_start3A_66 : memref<1x128xi32, #tpu.memory_space<vmem>> -> memref<128xi32, #tpu.memory_space<vmem>>
        %dma_start3A_68 = arith.constant 0 : i32
        %dma_start3A_69 = arith.constant 0 : i32
        %dma_start3A_70 = tpu.memref_slice %arg2[%dma_start3A_68, %dma_start3A_69] : memref<10240x128xf32, #tpu.memory_space<hbm>> -> memref<10240x128xf32, #tpu.memory_space<hbm>>
        tpu.enqueue_indirect_dma source(%dma_start3A_70 : memref<10240x128xf32, #tpu.memory_space<hbm>>) target(%arg9 : memref<128x128xf32, #tpu.memory_space<vmem>>) offsets(%dma_start3A_67 : memref<128xi32, #tpu.memory_space<vmem>>) semaphore(%arg12 : memref<!tpu.dma_semaphore, #tpu.memory_space<semaphore_mem>>)
      } else {
      }
      "tpu.region"() ({
        %run_scoped3A = tpu.sem_alloc : memref<!tpu.dma_semaphore, #tpu.memory_space<semaphore_mem>>
        %dma_start3A_63 = arith.constant 0 : i32
        %dma_start3A_64 = tpu.memref_slice %arg8[%add3A_49, %dma_start3A_63] : memref<40x128xi32, #tpu.memory_space<vmem>> -> memref<1x128xi32, #tpu.memory_space<vmem>>
        %dma_start3A_65 = tpu.memref_squeeze %dma_start3A_64 : memref<1x128xi32, #tpu.memory_space<vmem>> -> memref<128xi32, #tpu.memory_space<vmem>>
        %dma_start3A_66 = arith.constant 0 : i32
        %dma_start3A_67 = arith.constant 0 : i32
        %dma_start3A_68 = tpu.memref_slice %arg11[%dma_start3A_66, %dma_start3A_67] : memref<10240x128xf32, #tpu.memory_space<vmem_shared>> -> memref<10240x128xf32, #tpu.memory_space<vmem_shared>>
        tpu.enqueue_indirect_dma source(%arg10 : memref<128x128xf32, #tpu.memory_space<vmem>>) target(%dma_start3A_68 : memref<10240x128xf32, #tpu.memory_space<vmem_shared>>) offsets(%dma_start3A_65 : memref<128xi32, #tpu.memory_space<vmem>>) semaphore(%run_scoped3A : memref<!tpu.dma_semaphore, #tpu.memory_space<semaphore_mem>>) {add = true}
        %dma_wait3A_69 = arith.constant 0 : i32
        %dma_wait3A_70 = tpu.memref_slice %arg8[%add3A_49, %dma_wait3A_69] : memref<40x128xi32, #tpu.memory_space<vmem>> -> memref<1x128xi32, #tpu.memory_space<vmem>>
        %dma_wait3A_71 = tpu.memref_squeeze %dma_wait3A_70 : memref<1x128xi32, #tpu.memory_space<vmem>> -> memref<128xi32, #tpu.memory_space<vmem>>
        %dma_wait3A_72 = arith.constant 0 : i32
        %dma_wait3A_73 = arith.constant 0 : i32
        %dma_wait3A_74 = tpu.memref_slice %arg11[%dma_wait3A_72, %dma_wait3A_73] : memref<10240x128xf32, #tpu.memory_space<vmem_shared>> -> memref<10240x128xf32, #tpu.memory_space<vmem_shared>>
        tpu.wait_indirect_dma semaphore(%run_scoped3A : memref<!tpu.dma_semaphore, #tpu.memory_space<semaphore_mem>>) src(%arg10 : memref<128x128xf32, #tpu.memory_space<vmem>>) dst(%dma_wait3A_74 : memref<10240x128xf32, #tpu.memory_space<vmem_shared>>)
        tpu.yield
      }) : () -> ()
    }
    %scan3A_13 = arith.constant 20 : i32
    "tpu.region"() ({
      %run_scoped3A = tpu.sem_alloc : memref<!tpu.dma_semaphore, #tpu.memory_space<semaphore_mem>>
      %dma_start3A_32 = arith.constant 40 : i32
      %dma_start3A_33 = arith.constant 0 : i32
      %dma_start3A_34 = tpu.memref_slice %arg3[%add3A, %dma_start3A_32, %dma_start3A_33] : memref<32x80x128xi32, #tpu.memory_space<hbm>> -> memref<1x40x128xi32, #tpu.memory_space<hbm>>
      %dma_start3A_35 = tpu.memref_squeeze %dma_start3A_34 : memref<1x40x128xi32, #tpu.memory_space<hbm>> -> memref<40x128xi32, #tpu.memory_space<hbm>>
      %dma_start3A_36 = arith.constant 40 : i32
      %dma_start3A_37 = arith.constant 0 : i32
      %dma_start3A_38 = tpu.memref_slice %arg3[%add3A, %dma_start3A_36, %dma_start3A_37] : memref<32x80x128xi32, #tpu.memory_space<hbm>> -> memref<1x40x128xi32, #tpu.memory_space<hbm>>
      %dma_start3A_39 = tpu.memref_squeeze %dma_start3A_38 : memref<1x40x128xi32, #tpu.memory_space<hbm>> -> memref<40x128xi32, #tpu.memory_space<hbm>>
      tpu.enqueue_dma source(%dma_start3A_39 : memref<40x128xi32, #tpu.memory_space<hbm>>) target(%arg7 : memref<40x128xi32, #tpu.memory_space<vmem>>) target_semaphore(%run_scoped3A : memref<!tpu.dma_semaphore, #tpu.memory_space<semaphore_mem>>)
      %dma_wait3A = arith.constant 40 : i32
      %dma_wait3A_40 = arith.constant 0 : i32
      %dma_wait3A_41 = tpu.memref_slice %arg3[%add3A, %dma_wait3A, %dma_wait3A_40] : memref<32x80x128xi32, #tpu.memory_space<hbm>> -> memref<1x40x128xi32, #tpu.memory_space<hbm>>
      %dma_wait3A_42 = tpu.memref_squeeze %dma_wait3A_41 : memref<1x40x128xi32, #tpu.memory_space<hbm>> -> memref<40x128xi32, #tpu.memory_space<hbm>>
      %dma_wait3A_43 = arith.constant 40 : i32
      %dma_wait3A_44 = arith.constant 0 : i32
      %dma_wait3A_45 = tpu.memref_slice %arg3[%add3A, %dma_wait3A_43, %dma_wait3A_44] : memref<32x80x128xi32, #tpu.memory_space<hbm>> -> memref<1x40x128xi32, #tpu.memory_space<hbm>>
      %dma_wait3A_46 = tpu.memref_squeeze %dma_wait3A_45 : memref<1x40x128xi32, #tpu.memory_space<hbm>> -> memref<40x128xi32, #tpu.memory_space<hbm>>
      tpu.wait_dma2 semaphore(%run_scoped3A : memref<!tpu.dma_semaphore, #tpu.memory_space<semaphore_mem>>) src(%dma_wait3A_46 : memref<40x128xi32, #tpu.memory_space<hbm>>) dst(%arg7 : memref<40x128xi32, #tpu.memory_space<vmem>>)
      tpu.yield
    }) : () -> ()
    "tpu.region"() ({
      %run_scoped3A = tpu.sem_alloc : memref<!tpu.dma_semaphore, #tpu.memory_space<semaphore_mem>>
      %dma_start3A_32 = arith.constant 40 : i32
      %dma_start3A_33 = arith.constant 0 : i32
      %dma_start3A_34 = tpu.memref_slice %arg4[%add3A, %dma_start3A_32, %dma_start3A_33] : memref<32x80x128xi32, #tpu.memory_space<hbm>> -> memref<1x40x128xi32, #tpu.memory_space<hbm>>
      %dma_start3A_35 = tpu.memref_squeeze %dma_start3A_34 : memref<1x40x128xi32, #tpu.memory_space<hbm>> -> memref<40x128xi32, #tpu.memory_space<hbm>>
      %dma_start3A_36 = arith.constant 40 : i32
      %dma_start3A_37 = arith.constant 0 : i32
      %dma_start3A_38 = tpu.memref_slice %arg4[%add3A, %dma_start3A_36, %dma_start3A_37] : memref<32x80x128xi32, #tpu.memory_space<hbm>> -> memref<1x40x128xi32, #tpu.memory_space<hbm>>
      %dma_start3A_39 = tpu.memref_squeeze %dma_start3A_38 : memref<1x40x128xi32, #tpu.memory_space<hbm>> -> memref<40x128xi32, #tpu.memory_space<hbm>>
      tpu.enqueue_dma source(%dma_start3A_39 : memref<40x128xi32, #tpu.memory_space<hbm>>) target(%arg8 : memref<40x128xi32, #tpu.memory_space<vmem>>) target_semaphore(%run_scoped3A : memref<!tpu.dma_semaphore, #tpu.memory_space<semaphore_mem>>)
      %dma_wait3A = arith.constant 40 : i32
      %dma_wait3A_40 = arith.constant 0 : i32
      %dma_wait3A_41 = tpu.memref_slice %arg4[%add3A, %dma_wait3A, %dma_wait3A_40] : memref<32x80x128xi32, #tpu.memory_space<hbm>> -> memref<1x40x128xi32, #tpu.memory_space<hbm>>
      %dma_wait3A_42 = tpu.memref_squeeze %dma_wait3A_41 : memref<1x40x128xi32, #tpu.memory_space<hbm>> -> memref<40x128xi32, #tpu.memory_space<hbm>>
      %dma_wait3A_43 = arith.constant 40 : i32
      %dma_wait3A_44 = arith.constant 0 : i32
      %dma_wait3A_45 = tpu.memref_slice %arg4[%add3A, %dma_wait3A_43, %dma_wait3A_44] : memref<32x80x128xi32, #tpu.memory_space<hbm>> -> memref<1x40x128xi32, #tpu.memory_space<hbm>>
      %dma_wait3A_46 = tpu.memref_squeeze %dma_wait3A_45 : memref<1x40x128xi32, #tpu.memory_space<hbm>> -> memref<40x128xi32, #tpu.memory_space<hbm>>
      tpu.wait_dma2 semaphore(%run_scoped3A : memref<!tpu.dma_semaphore, #tpu.memory_space<semaphore_mem>>) src(%dma_wait3A_46 : memref<40x128xi32, #tpu.memory_space<hbm>>) dst(%arg8 : memref<40x128xi32, #tpu.memory_space<vmem>>)
      tpu.yield
    }) : () -> ()
    %dma_start3A_14 = arith.constant 0 : i32
    %dma_start3A_15 = arith.constant 0 : i32
    %dma_start3A_16 = tpu.memref_slice %arg7[%dma_start3A_14, %dma_start3A_15] : memref<40x128xi32, #tpu.memory_space<vmem>> -> memref<1x128xi32, #tpu.memory_space<vmem>>
    %dma_start3A_17 = tpu.memref_squeeze %dma_start3A_16 : memref<1x128xi32, #tpu.memory_space<vmem>> -> memref<128xi32, #tpu.memory_space<vmem>>
    %dma_start3A_18 = arith.constant 0 : i32
    %dma_start3A_19 = arith.constant 0 : i32
    %dma_start3A_20 = tpu.memref_slice %arg2[%dma_start3A_18, %dma_start3A_19] : memref<10240x128xf32, #tpu.memory_space<hbm>> -> memref<10240x128xf32, #tpu.memory_space<hbm>>
    tpu.enqueue_indirect_dma source(%dma_start3A_20 : memref<10240x128xf32, #tpu.memory_space<hbm>>) target(%arg9 : memref<128x128xf32, #tpu.memory_space<vmem>>) offsets(%dma_start3A_17 : memref<128xi32, #tpu.memory_space<vmem>>) semaphore(%arg12 : memref<!tpu.dma_semaphore, #tpu.memory_space<semaphore_mem>>)
    %scan3A_21 = arith.constant 0 : i32
    %scan3A_22 = arith.constant 0 : i32
    %scan3A_23 = arith.constant 20 : i32
    %scan3A_24 = arith.addi %scan3A_22, %scan3A_23 : i32
    %scan3A_25 = arith.constant 1 : i32
    scf.for %scan3A_32 = %scan3A_22 to %scan3A_24 step %scan3A_25  : i32 {
      %mul3A_33 = arith.constant 2 : i32
      %mul3A_34 = arith.muli %mul3A_33, %scan3A_32 : i32
      %add3A_35 = arith.constant 0 : i32
      %add3A_36 = arith.addi %mul3A_34, %add3A_35 : i32
      %dma_wait3A = arith.constant 0 : i32
      %dma_wait3A_37 = tpu.memref_slice %arg7[%add3A_36, %dma_wait3A] : memref<40x128xi32, #tpu.memory_space<vmem>> -> memref<1x128xi32, #tpu.memory_space<vmem>>
      %dma_wait3A_38 = tpu.memref_squeeze %dma_wait3A_37 : memref<1x128xi32, #tpu.memory_space<vmem>> -> memref<128xi32, #tpu.memory_space<vmem>>
      %dma_wait3A_39 = arith.constant 0 : i32
      %dma_wait3A_40 = arith.constant 0 : i32
      %dma_wait3A_41 = tpu.memref_slice %arg2[%dma_wait3A_39, %dma_wait3A_40] : memref<10240x128xf32, #tpu.memory_space<hbm>> -> memref<10240x128xf32, #tpu.memory_space<hbm>>
      tpu.wait_indirect_dma semaphore(%arg12 : memref<!tpu.dma_semaphore, #tpu.memory_space<semaphore_mem>>) src(%dma_wait3A_41 : memref<10240x128xf32, #tpu.memory_space<hbm>>) dst(%arg9 : memref<128x128xf32, #tpu.memory_space<vmem>>)
      %add3A_42 = arith.constant 1 : i32
      %add3A_43 = arith.addi %add3A_36, %add3A_42 : i32
      %lt3A = arith.constant 40 : i32
      %lt3A_44 = arith.cmpi slt, %add3A_43, %lt3A : i32
      %convert_element_type3A = arith.extui %lt3A_44 : i1 to i32
      %cond3A = arith.constant 0 : i32
      %cond3A_45 = arith.cmpi ne, %convert_element_type3A, %cond3A : i32
      scf.if %cond3A_45 {
        %add3A_63 = arith.constant 1 : i32
        %add3A_64 = arith.addi %add3A_36, %add3A_63 : i32
        %dma_start3A_65 = arith.constant 0 : i32
        %dma_start3A_66 = tpu.memref_slice %arg7[%add3A_64, %dma_start3A_65] : memref<40x128xi32, #tpu.memory_space<vmem>> -> memref<1x128xi32, #tpu.memory_space<vmem>>
        %dma_start3A_67 = tpu.memref_squeeze %dma_start3A_66 : memref<1x128xi32, #tpu.memory_space<vmem>> -> memref<128xi32, #tpu.memory_space<vmem>>
        %dma_start3A_68 = arith.constant 0 : i32
        %dma_start3A_69 = arith.constant 0 : i32
        %dma_start3A_70 = tpu.memref_slice %arg2[%dma_start3A_68, %dma_start3A_69] : memref<10240x128xf32, #tpu.memory_space<hbm>> -> memref<10240x128xf32, #tpu.memory_space<hbm>>
        tpu.enqueue_indirect_dma source(%dma_start3A_70 : memref<10240x128xf32, #tpu.memory_space<hbm>>) target(%arg10 : memref<128x128xf32, #tpu.memory_space<vmem>>) offsets(%dma_start3A_67 : memref<128xi32, #tpu.memory_space<vmem>>) semaphore(%arg13 : memref<!tpu.dma_semaphore, #tpu.memory_space<semaphore_mem>>)
      } else {
      }
      "tpu.region"() ({
        %run_scoped3A = tpu.sem_alloc : memref<!tpu.dma_semaphore, #tpu.memory_space<semaphore_mem>>
        %dma_start3A_63 = arith.constant 0 : i32
        %dma_start3A_64 = tpu.memref_slice %arg8[%add3A_36, %dma_start3A_63] : memref<40x128xi32, #tpu.memory_space<vmem>> -> memref<1x128xi32, #tpu.memory_space<vmem>>
        %dma_start3A_65 = tpu.memref_squeeze %dma_start3A_64 : memref<1x128xi32, #tpu.memory_space<vmem>> -> memref<128xi32, #tpu.memory_space<vmem>>
        %dma_start3A_66 = arith.constant 0 : i32
        %dma_start3A_67 = arith.constant 0 : i32
        %dma_start3A_68 = tpu.memref_slice %arg11[%dma_start3A_66, %dma_start3A_67] : memref<10240x128xf32, #tpu.memory_space<vmem_shared>> -> memref<10240x128xf32, #tpu.memory_space<vmem_shared>>
        tpu.enqueue_indirect_dma source(%arg9 : memref<128x128xf32, #tpu.memory_space<vmem>>) target(%dma_start3A_68 : memref<10240x128xf32, #tpu.memory_space<vmem_shared>>) offsets(%dma_start3A_65 : memref<128xi32, #tpu.memory_space<vmem>>) semaphore(%run_scoped3A : memref<!tpu.dma_semaphore, #tpu.memory_space<semaphore_mem>>) {add = true}
        %dma_wait3A_69 = arith.constant 0 : i32
        %dma_wait3A_70 = tpu.memref_slice %arg8[%add3A_36, %dma_wait3A_69] : memref<40x128xi32, #tpu.memory_space<vmem>> -> memref<1x128xi32, #tpu.memory_space<vmem>>
        %dma_wait3A_71 = tpu.memref_squeeze %dma_wait3A_70 : memref<1x128xi32, #tpu.memory_space<vmem>> -> memref<128xi32, #tpu.memory_space<vmem>>
        %dma_wait3A_72 = arith.constant 0 : i32
        %dma_wait3A_73 = arith.constant 0 : i32
        %dma_wait3A_74 = tpu.memref_slice %arg11[%dma_wait3A_72, %dma_wait3A_73] : memref<10240x128xf32, #tpu.memory_space<vmem_shared>> -> memref<10240x128xf32, #tpu.memory_space<vmem_shared>>
        tpu.wait_indirect_dma semaphore(%run_scoped3A : memref<!tpu.dma_semaphore, #tpu.memory_space<semaphore_mem>>) src(%arg9 : memref<128x128xf32, #tpu.memory_space<vmem>>) dst(%dma_wait3A_74 : memref<10240x128xf32, #tpu.memory_space<vmem_shared>>)
        tpu.yield
      }) : () -> ()
      %mul3A_46 = arith.constant 2 : i32
      %mul3A_47 = arith.muli %mul3A_46, %scan3A_32 : i32
      %add3A_48 = arith.constant 1 : i32
      %add3A_49 = arith.addi %mul3A_47, %add3A_48 : i32
      %dma_wait3A_50 = arith.constant 0 : i32
      %dma_wait3A_51 = tpu.memref_slice %arg7[%add3A_49, %dma_wait3A_50] : memref<40x128xi32, #tpu.memory_space<vmem>> -> memref<1x128xi32, #tpu.memory_space<vmem>>
      %dma_wait3A_52 = tpu.memref_squeeze %dma_wait3A_51 : memref<1x128xi32, #tpu.memory_space<vmem>> -> memref<128xi32, #tpu.memory_space<vmem>>
      %dma_wait3A_53 = arith.constant 0 : i32
      %dma_wait3A_54 = arith.constant 0 : i32
      %dma_wait3A_55 = tpu.memref_slice %arg2[%dma_wait3A_53, %dma_wait3A_54] : memref<10240x128xf32, #tpu.memory_space<hbm>> -> memref<10240x128xf32, #tpu.memory_space<hbm>>
      tpu.wait_indirect_dma semaphore(%arg13 : memref<!tpu.dma_semaphore, #tpu.memory_space<semaphore_mem>>) src(%dma_wait3A_55 : memref<10240x128xf32, #tpu.memory_space<hbm>>) dst(%arg10 : memref<128x128xf32, #tpu.memory_space<vmem>>)
      %add3A_56 = arith.constant 1 : i32
      %add3A_57 = arith.addi %add3A_49, %add3A_56 : i32
      %lt3A_58 = arith.constant 40 : i32
      %lt3A_59 = arith.cmpi slt, %add3A_57, %lt3A_58 : i32
      %convert_element_type3A_60 = arith.extui %lt3A_59 : i1 to i32
      %cond3A_61 = arith.constant 0 : i32
      %cond3A_62 = arith.cmpi ne, %convert_element_type3A_60, %cond3A_61 : i32
      scf.if %cond3A_62 {
        %add3A_63 = arith.constant 1 : i32
        %add3A_64 = arith.addi %add3A_49, %add3A_63 : i32
        %dma_start3A_65 = arith.constant 0 : i32
        %dma_start3A_66 = tpu.memref_slice %arg7[%add3A_64, %dma_start3A_65] : memref<40x128xi32, #tpu.memory_space<vmem>> -> memref<1x128xi32, #tpu.memory_space<vmem>>
        %dma_start3A_67 = tpu.memref_squeeze %dma_start3A_66 : memref<1x128xi32, #tpu.memory_space<vmem>> -> memref<128xi32, #tpu.memory_space<vmem>>
        %dma_start3A_68 = arith.constant 0 : i32
        %dma_start3A_69 = arith.constant 0 : i32
        %dma_start3A_70 = tpu.memref_slice %arg2[%dma_start3A_68, %dma_start3A_69] : memref<10240x128xf32, #tpu.memory_space<hbm>> -> memref<10240x128xf32, #tpu.memory_space<hbm>>
        tpu.enqueue_indirect_dma source(%dma_start3A_70 : memref<10240x128xf32, #tpu.memory_space<hbm>>) target(%arg9 : memref<128x128xf32, #tpu.memory_space<vmem>>) offsets(%dma_start3A_67 : memref<128xi32, #tpu.memory_space<vmem>>) semaphore(%arg12 : memref<!tpu.dma_semaphore, #tpu.memory_space<semaphore_mem>>)
      } else {
      }
      "tpu.region"() ({
        %run_scoped3A = tpu.sem_alloc : memref<!tpu.dma_semaphore, #tpu.memory_space<semaphore_mem>>
        %dma_start3A_63 = arith.constant 0 : i32
        %dma_start3A_64 = tpu.memref_slice %arg8[%add3A_49, %dma_start3A_63] : memref<40x128xi32, #tpu.memory_space<vmem>> -> memref<1x128xi32, #tpu.memory_space<vmem>>
        %dma_start3A_65 = tpu.memref_squeeze %dma_start3A_64 : memref<1x128xi32, #tpu.memory_space<vmem>> -> memref<128xi32, #tpu.memory_space<vmem>>
        %dma_start3A_66 = arith.constant 0 : i32
        %dma_start3A_67 = arith.constant 0 : i32
        %dma_start3A_68 = tpu.memref_slice %arg11[%dma_start3A_66, %dma_start3A_67] : memref<10240x128xf32, #tpu.memory_space<vmem_shared>> -> memref<10240x128xf32, #tpu.memory_space<vmem_shared>>
        tpu.enqueue_indirect_dma source(%arg10 : memref<128x128xf32, #tpu.memory_space<vmem>>) target(%dma_start3A_68 : memref<10240x128xf32, #tpu.memory_space<vmem_shared>>) offsets(%dma_start3A_65 : memref<128xi32, #tpu.memory_space<vmem>>) semaphore(%run_scoped3A : memref<!tpu.dma_semaphore, #tpu.memory_space<semaphore_mem>>) {add = true}
        %dma_wait3A_69 = arith.constant 0 : i32
        %dma_wait3A_70 = tpu.memref_slice %arg8[%add3A_49, %dma_wait3A_69] : memref<40x128xi32, #tpu.memory_space<vmem>> -> memref<1x128xi32, #tpu.memory_space<vmem>>
        %dma_wait3A_71 = tpu.memref_squeeze %dma_wait3A_70 : memref<1x128xi32, #tpu.memory_space<vmem>> -> memref<128xi32, #tpu.memory_space<vmem>>
        %dma_wait3A_72 = arith.constant 0 : i32
        %dma_wait3A_73 = arith.constant 0 : i32
        %dma_wait3A_74 = tpu.memref_slice %arg11[%dma_wait3A_72, %dma_wait3A_73] : memref<10240x128xf32, #tpu.memory_space<vmem_shared>> -> memref<10240x128xf32, #tpu.memory_space<vmem_shared>>
        tpu.wait_indirect_dma semaphore(%run_scoped3A : memref<!tpu.dma_semaphore, #tpu.memory_space<semaphore_mem>>) src(%arg10 : memref<128x128xf32, #tpu.memory_space<vmem>>) dst(%dma_wait3A_74 : memref<10240x128xf32, #tpu.memory_space<vmem_shared>>)
        tpu.yield
      }) : () -> ()
    }
    %scan3A_26 = arith.constant 20 : i32
    %barrier3A_27 = arith.constant 0 : index
    tpu.barrier barrier_id(%barrier3A_27)
    %mul3A_28 = arith.constant 640 : i32
    %mul3A_29 = arith.muli %arg1, %mul3A_28 : i32
    %mul3A_30 = arith.constant 640 : i32
    %mul3A_31 = arith.muli %arg1, %mul3A_30 : i32
    "tpu.region"() ({
      %run_scoped3A = tpu.sem_alloc : memref<!tpu.dma_semaphore, #tpu.memory_space<semaphore_mem>>
      %dma_start3A_32 = arith.constant 0 : i32
      %dma_start3A_33 = tpu.memref_slice %arg6[%arg0, %mul3A_31, %dma_start3A_32] : memref<2x10240x128xf32, #tpu.memory_space<hbm>> -> memref<1x640x128xf32, #tpu.memory_space<hbm>>
      %dma_start3A_34 = tpu.memref_squeeze %dma_start3A_33 : memref<1x640x128xf32, #tpu.memory_space<hbm>> -> memref<640x128xf32, #tpu.memory_space<hbm>>
      %dma_start3A_35 = arith.constant 0 : i32
      %dma_start3A_36 = tpu.memref_slice %arg11[%mul3A_29, %dma_start3A_35] : memref<10240x128xf32, #tpu.memory_space<vmem_shared>> -> memref<640x128xf32, #tpu.memory_space<vmem_shared>>
      tpu.enqueue_dma source(%dma_start3A_36 : memref<640x128xf32, #tpu.memory_space<vmem_shared>>) target(%dma_start3A_34 : memref<640x128xf32, #tpu.memory_space<hbm>>) target_semaphore(%run_scoped3A : memref<!tpu.dma_semaphore, #tpu.memory_space<semaphore_mem>>)
      %dma_wait3A = arith.constant 0 : i32
      %dma_wait3A_37 = tpu.memref_slice %arg6[%arg0, %mul3A_31, %dma_wait3A] : memref<2x10240x128xf32, #tpu.memory_space<hbm>> -> memref<1x640x128xf32, #tpu.memory_space<hbm>>
      %dma_wait3A_38 = tpu.memref_squeeze %dma_wait3A_37 : memref<1x640x128xf32, #tpu.memory_space<hbm>> -> memref<640x128xf32, #tpu.memory_space<hbm>>
      %dma_wait3A_39 = arith.constant 0 : i32
      %dma_wait3A_40 = tpu.memref_slice %arg11[%mul3A_29, %dma_wait3A_39] : memref<10240x128xf32, #tpu.memory_space<vmem_shared>> -> memref<640x128xf32, #tpu.memory_space<vmem_shared>>
      tpu.wait_dma2 semaphore(%run_scoped3A : memref<!tpu.dma_semaphore, #tpu.memory_space<semaphore_mem>>) src(%dma_wait3A_40 : memref<640x128xf32, #tpu.memory_space<vmem_shared>>) dst(%dma_wait3A_38 : memref<640x128xf32, #tpu.memory_space<hbm>>)
      tpu.yield
    }) : () -> ()
    return
  }
}

module attributes {stable_mosaic.version = 14 : i64} {
  func.func @_emb_body(%arg0: i32, %arg1: memref<1x1x1024xi32, #tpu.memory_space<vmem>>, %arg2: memref<128x128xf32, #tpu.memory_space<vmem>>, %arg3: memref<1024x128xf32, #tpu.memory_space<vmem>>) attributes {dimension_semantics = [#tpu.dimension_semantics<arbitrary>], iteration_bounds = array<i64: 10>, scalar_prefetch = 0 : i64, scratch_operands = 0 : i64, tpu.core_type = #tpu.core_type<tc>, window_params = [{transform_indices = @transform_0, window_bounds = array<i64: 1, 1, 1024>}, {pipeline_mode = #tpu.pipeline_mode<synchronous>, transform_indices = @transform_1, window_bounds = array<i64: 128, 128>}, {transform_indices = @transform_2, window_bounds = array<i64: 1024, 128>}]} {
    %get3A = arith.constant 0 : index
    %get3A_0 = arith.constant 0 : index
    %get3A_1 = arith.constant 0 : index
    %get3A_2 = vector.load %arg1[%get3A, %get3A_0, %get3A_1] : memref<1x1x1024xi32, #tpu.memory_space<vmem>>, vector<1x1x1024xi32>
    %get3A_3 = vector.shape_cast %get3A_2 : vector<1x1x1024xi32> to vector<1024xi32>
    %broadcast_in_dim3A = vector.shape_cast %get3A_3 : vector<1024xi32> to vector<1024x1xi32>
    %iota3A = tpu.iota {dimensions = array<i32: 1>} : vector<1024x128xi32>
    %eq3A = vector.broadcast %broadcast_in_dim3A : vector<1024x1xi32> to vector<1024x128xi32>
    %eq3A_4 = arith.cmpi eq, %eq3A, %iota3A : vector<1024x128xi32>
    %convert_element_type3A = arith.extui %eq3A_4 : vector<1024x128xi1> to vector<1024x128xi32>
    %convert_element_type3A_5 = arith.sitofp %convert_element_type3A : vector<1024x128xi32> to vector<1024x128xf32>
    %get3A_6 = arith.constant 0 : index
    %get3A_7 = arith.constant 0 : index
    %get3A_8 = vector.load %arg2[%get3A_6, %get3A_7] : memref<128x128xf32, #tpu.memory_space<vmem>>, vector<128x128xf32>
    %dot_general3A = arith.constant dense<0.000000e+00> : vector<1024x128xf32>
    %dot_general3A_9 = tpu.matmul %convert_element_type3A_5, %get3A_8, %dot_general3A {dimension_numbers = #tpu.dot_dimension_numbers<[1], [0], [0], [1], [0, 0, 1, 1], [], []>, transpose_lhs_hint = false} : vector<1024x128xf32>, vector<128x128xf32>, vector<1024x128xf32> -> vector<1024x128xf32>
    %swap3A = arith.constant 0 : index
    %swap3A_10 = arith.constant 0 : index
    %swap3A_11 = vector.load %arg3[%swap3A, %swap3A_10] : memref<1024x128xf32, #tpu.memory_space<vmem>>, vector<1024x128xf32>
    tpu.vector_store %arg3[%swap3A, %swap3A_10], %dot_general3A_9 {strides = array<i32>} : memref<1024x128xf32, #tpu.memory_space<vmem>>, vector<1024x128xf32>,
    return
  }
  func.func @transform_0(%arg0: i32) -> (i32, i32, i32) {
    %c0_i32 = arith.constant 0 : i32
    %c0_i32_0 = arith.constant 0 : i32
    %c0_i32_1 = arith.constant 0 : i32
    return %arg0, %c0_i32, %c0_i32_0 : i32, i32, i32
  }
  func.func @transform_1(%arg0: i32) -> (i32, i32) {
    %c0_i32 = arith.constant 0 : i32
    %c0_i32_0 = arith.constant 0 : i32
    %c0_i32_1 = arith.constant 0 : i32
    return %c0_i32, %c0_i32_0 : i32, i32
  }
  func.func @transform_2(%arg0: i32) -> (i32, i32) {
    %c0_i32 = arith.constant 0 : i32
    %c0_i32_0 = arith.constant 0 : i32
    return %arg0, %c0_i32 : i32, i32
  }
}

module attributes {stable_mosaic.version = 14 : i64} {
  func.func @_dis_ms_body(%arg0: i32, %arg1: memref<1024x128xf32, #tpu.memory_space<vmem>>, %arg2: memref<1024x128xf32, #tpu.memory_space<vmem>>, %arg3: memref<1024x128xf32, #tpu.memory_space<vmem>>, %arg4: memref<128x128xf32, #tpu.memory_space<vmem>>, %arg5: memref<1024x128xf32, #tpu.memory_space<vmem>>, %arg6: memref<1024x128xf32, #tpu.memory_space<vmem>>) attributes {dimension_semantics = [#tpu.dimension_semantics<arbitrary>], iteration_bounds = array<i64: 10>, scalar_prefetch = 0 : i64, scratch_operands = 0 : i64, tpu.core_type = #tpu.core_type<tc>, window_params = [{transform_indices = @transform_0, window_bounds = array<i64: 1024, 128>}, {transform_indices = @transform_1, window_bounds = array<i64: 1024, 128>}, {transform_indices = @transform_2, window_bounds = array<i64: 1024, 128>}, {pipeline_mode = #tpu.pipeline_mode<synchronous>, transform_indices = @transform_3, window_bounds = array<i64: 128, 128>}, {transform_indices = @transform_4, window_bounds = array<i64: 1024, 128>}, {transform_indices = @transform_5, window_bounds = array<i64: 1024, 128>}]} {
    %get3A = arith.constant 0 : index
    %get3A_0 = arith.constant 0 : index
    %get3A_1 = vector.load %arg1[%get3A, %get3A_0] : memref<1024x128xf32, #tpu.memory_space<vmem>>, vector<1024x1xf32>
    %add3A = arith.constant 1.000000e+00 : f32
    %add3A_2 = vector.broadcast %add3A : f32 to vector<1024x1xf32>
    %add3A_3 = arith.addf %add3A_2, %get3A_1 : vector<1024x1xf32>
    %get3A_4 = arith.constant 0 : index
    %get3A_5 = arith.constant 0 : index
    %get3A_6 = vector.load %arg2[%get3A_4, %get3A_5] : memref<1024x128xf32, #tpu.memory_space<vmem>>, vector<1024x1xf32>
    %add3A_7 = arith.addf %add3A_3, %get3A_6 : vector<1024x1xf32>
    %max3A = arith.constant 1.000000e+00 : f32
    %max3A_8 = vector.broadcast %max3A : f32 to vector<1024x1xf32>
    %max3A_9 = arith.maximumf %add3A_7, %max3A_8 : vector<1024x1xf32>
    %rsqrt3A = math.rsqrt %max3A_9 : vector<1024x1xf32>
    %broadcast_in_dim3A = vector.shape_cast %rsqrt3A : vector<1024x1xf32> to vector<1024x1xf32>
    %broadcast_in_dim3A_10 = vector.broadcast %broadcast_in_dim3A : vector<1024x1xf32> to vector<1024x128xf32>
    %swap3A = arith.constant 0 : index
    %swap3A_11 = arith.constant 0 : index
    %swap3A_12 = vector.load %arg5[%swap3A, %swap3A_11] : memref<1024x128xf32, #tpu.memory_space<vmem>>, vector<1024x128xf32>
    tpu.vector_store %arg5[%swap3A, %swap3A_11], %broadcast_in_dim3A_10 {strides = array<i32>} : memref<1024x128xf32, #tpu.memory_space<vmem>>, vector<1024x128xf32>,
    %get3A_13 = arith.constant 0 : index
    %get3A_14 = arith.constant 0 : index
    %get3A_15 = vector.load %arg3[%get3A_13, %get3A_14] : memref<1024x128xf32, #tpu.memory_space<vmem>>, vector<1024x128xf32>
    %get3A_16 = arith.constant 0 : index
    %get3A_17 = arith.constant 0 : index
    %get3A_18 = vector.load %arg4[%get3A_16, %get3A_17] : memref<128x128xf32, #tpu.memory_space<vmem>>, vector<128x128xf32>
    %dot_general3A = arith.constant dense<0.000000e+00> : vector<1024x128xf32>
    %dot_general3A_19 = tpu.matmul %get3A_15, %get3A_18, %dot_general3A {dimension_numbers = #tpu.dot_dimension_numbers<[1], [0], [0], [1], [0, 0, 1, 1], [], []>, transpose_lhs_hint = false} : vector<1024x128xf32>, vector<128x128xf32>, vector<1024x128xf32> -> vector<1024x128xf32>
    %mul3A = arith.mulf %broadcast_in_dim3A_10, %dot_general3A_19 : vector<1024x128xf32>
    %swap3A_20 = arith.constant 0 : index
    %swap3A_21 = arith.constant 0 : index
    %swap3A_22 = vector.load %arg6[%swap3A_20, %swap3A_21] : memref<1024x128xf32, #tpu.memory_space<vmem>>, vector<1024x128xf32>
    tpu.vector_store %arg6[%swap3A_20, %swap3A_21], %mul3A {strides = array<i32>} : memref<1024x128xf32, #tpu.memory_space<vmem>>, vector<1024x128xf32>,
    return
  }
  func.func @transform_0(%arg0: i32) -> (i32, i32) {
    %c0_i32 = arith.constant 0 : i32
    %c0_i32_0 = arith.constant 0 : i32
    return %arg0, %c0_i32 : i32, i32
  }
  func.func @transform_1(%arg0: i32) -> (i32, i32) {
    %c0_i32 = arith.constant 0 : i32
    %c0_i32_0 = arith.constant 0 : i32
    return %arg0, %c0_i32 : i32, i32
  }
  func.func @transform_2(%arg0: i32) -> (i32, i32) {
    %c0_i32 = arith.constant 0 : i32
    %c0_i32_0 = arith.constant 0 : i32
    return %arg0, %c0_i32 : i32, i32
  }
  func.func @transform_3(%arg0: i32) -> (i32, i32) {
    %c0_i32 = arith.constant 0 : i32
    %c0_i32_0 = arith.constant 0 : i32
    %c0_i32_1 = arith.constant 0 : i32
    return %c0_i32, %c0_i32_0 : i32, i32
  }
  func.func @transform_4(%arg0: i32) -> (i32, i32) {
    %c0_i32 = arith.constant 0 : i32
    %c0_i32_0 = arith.constant 0 : i32
    return %arg0, %c0_i32 : i32, i32
  }
  func.func @transform_5(%arg0: i32) -> (i32, i32) {
    %c0_i32 = arith.constant 0 : i32
    %c0_i32_0 = arith.constant 0 : i32
    return %arg0, %c0_i32 : i32, i32
  }
}

module attributes {stable_mosaic.version = 14 : i64} {
  func.func @_layer_body(%arg0: i32, %arg1: memref<1024x128xf32, #tpu.memory_space<vmem>>, %arg2: memref<1024x128xf32, #tpu.memory_space<vmem>>, %arg3: memref<1024x128xf32, #tpu.memory_space<vmem>>, %arg4: memref<1024x128xf32, #tpu.memory_space<vmem>>, %arg5: memref<1024x128xf32, #tpu.memory_space<vmem>>, %arg6: memref<128x128xf32, #tpu.memory_space<vmem>>, %arg7: memref<1x128xf32, #tpu.memory_space<vmem>>, %arg8: memref<1x128xf32, #tpu.memory_space<vmem>>, %arg9: memref<1x128xf32, #tpu.memory_space<vmem>>, %arg10: memref<1024x128xf32, #tpu.memory_space<vmem>>, %arg11: memref<1024x128xf32, #tpu.memory_space<vmem>>) attributes {dimension_semantics = [#tpu.dimension_semantics<arbitrary>], iteration_bounds = array<i64: 10>, scalar_prefetch = 0 : i64, scratch_operands = 0 : i64, tpu.core_type = #tpu.core_type<tc>, window_params = [{transform_indices = @transform_0, window_bounds = array<i64: 1024, 128>}, {transform_indices = @transform_1, window_bounds = array<i64: 1024, 128>}, {transform_indices = @transform_2, window_bounds = array<i64: 1024, 128>}, {transform_indices = @transform_3, window_bounds = array<i64: 1024, 128>}, {transform_indices = @transform_4, window_bounds = array<i64: 1024, 128>}, {pipeline_mode = #tpu.pipeline_mode<synchronous>, transform_indices = @transform_5, window_bounds = array<i64: 128, 128>}, {pipeline_mode = #tpu.pipeline_mode<synchronous>, transform_indices = @transform_6, window_bounds = array<i64: 1, 128>}, {pipeline_mode = #tpu.pipeline_mode<synchronous>, transform_indices = @transform_7, window_bounds = array<i64: 1, 128>}, {pipeline_mode = #tpu.pipeline_mode<synchronous>, transform_indices = @transform_8, window_bounds = array<i64: 1, 128>}, {transform_indices = @transform_9, window_bounds = array<i64: 1024, 128>}, {transform_indices = @transform_10, window_bounds = array<i64: 1024, 128>}]} {
    %get3A = arith.constant 0 : index
    %get3A_0 = arith.constant 0 : index
    %get3A_1 = vector.load %arg1[%get3A, %get3A_0] : memref<1024x128xf32, #tpu.memory_space<vmem>>, vector<1024x128xf32>
    %get3A_2 = arith.constant 0 : index
    %get3A_3 = arith.constant 0 : index
    %get3A_4 = vector.load %arg2[%get3A_2, %get3A_3] : memref<1024x128xf32, #tpu.memory_space<vmem>>, vector<1024x128xf32>
    %get3A_5 = arith.constant 0 : index
    %get3A_6 = arith.constant 0 : index
    %get3A_7 = vector.load %arg3[%get3A_5, %get3A_6] : memref<1024x128xf32, #tpu.memory_space<vmem>>, vector<1024x128xf32>
    %get3A_8 = arith.constant 0 : index
    %get3A_9 = arith.constant 0 : index
    %get3A_10 = vector.load %arg4[%get3A_8, %get3A_9] : memref<1024x128xf32, #tpu.memory_space<vmem>>, vector<1024x128xf32>
    %get3A_11 = arith.constant 0 : index
    %get3A_12 = arith.constant 0 : index
    %get3A_13 = vector.load %arg5[%get3A_11, %get3A_12] : memref<1024x128xf32, #tpu.memory_space<vmem>>, vector<1024x128xf32>
    %get3A_14 = arith.constant 0 : index
    %get3A_15 = arith.constant 0 : index
    %get3A_16 = vector.load %arg7[%get3A_14, %get3A_15] : memref<1x128xf32, #tpu.memory_space<vmem>>, vector<1x128xf32>
    %get3A_17 = arith.constant 0 : index
    %get3A_18 = arith.constant 0 : index
    %get3A_19 = vector.load %arg8[%get3A_17, %get3A_18] : memref<1x128xf32, #tpu.memory_space<vmem>>, vector<1x128xf32>
    %get3A_20 = arith.constant 0 : index
    %get3A_21 = arith.constant 0 : index
    %get3A_22 = vector.load %arg9[%get3A_20, %get3A_21] : memref<1x128xf32, #tpu.memory_space<vmem>>, vector<1x128xf32>
    %add3A = arith.addf %get3A_1, %get3A_4 : vector<1024x128xf32>
    %add3A_23 = arith.addf %add3A, %get3A_7 : vector<1024x128xf32>
    %mul3A = arith.mulf %get3A_13, %add3A_23 : vector<1024x128xf32>
    %add3A_24 = vector.broadcast %get3A_16 : vector<1x128xf32> to vector<1024x128xf32>
    %add3A_25 = arith.addf %mul3A, %add3A_24 : vector<1024x128xf32>
    %integer_pow3A = arith.mulf %add3A_25, %add3A_25 : vector<1024x128xf32>
    %integer_pow3A_26 = arith.mulf %add3A_25, %integer_pow3A : vector<1024x128xf32>
    %mul3A_27 = arith.constant 4.471500e-02 : f32
    %mul3A_28 = vector.broadcast %mul3A_27 : f32 to vector<1024x128xf32>
    %mul3A_29 = arith.mulf %mul3A_28, %integer_pow3A_26 : vector<1024x128xf32>
    %add3A_30 = arith.addf %add3A_25, %mul3A_29 : vector<1024x128xf32>
    %mul3A_31 = arith.constant 0.797884583 : f32
    %mul3A_32 = vector.broadcast %mul3A_31 : f32 to vector<1024x128xf32>
    %mul3A_33 = arith.mulf %mul3A_32, %add3A_30 : vector<1024x128xf32>
    %tanh3A = math.tanh %mul3A_33 : vector<1024x128xf32>
    %add3A_34 = arith.constant 1.000000e+00 : f32
    %add3A_35 = vector.broadcast %add3A_34 : f32 to vector<1024x128xf32>
    %add3A_36 = arith.addf %add3A_35, %tanh3A : vector<1024x128xf32>
    %mul3A_37 = arith.constant 5.000000e-01 : f32
    %mul3A_38 = vector.broadcast %mul3A_37 : f32 to vector<1024x128xf32>
    %mul3A_39 = arith.mulf %mul3A_38, %add3A_36 : vector<1024x128xf32>
    %mul3A_40 = arith.mulf %add3A_25, %mul3A_39 : vector<1024x128xf32>
    %add3A_41 = arith.addf %mul3A_40, %get3A_10 : vector<1024x128xf32>
    %reduce_sum3A = arith.constant dense<0.000000e+00> : vector<1024xf32>
    %reduce_sum3A_42 = vector.multi_reduction <add>, %add3A_41, %reduce_sum3A [1] : vector<1024x128xf32> to vector<1024xf32>
    %broadcast_in_dim3A = vector.shape_cast %reduce_sum3A_42 : vector<1024xf32> to vector<1024x1xf32>
    %div3A = arith.constant 1.280000e+02 : f32
    %div3A_43 = vector.broadcast %div3A : f32 to vector<1024x1xf32>
    %div3A_44 = arith.divf %broadcast_in_dim3A, %div3A_43 : vector<1024x1xf32>
    %sub3A = vector.broadcast %div3A_44 : vector<1024x1xf32> to vector<1024x128xf32>
    %sub3A_45 = arith.subf %add3A_41, %sub3A : vector<1024x128xf32>
    %integer_pow3A_46 = arith.mulf %sub3A_45, %sub3A_45 : vector<1024x128xf32>
    %reduce_sum3A_47 = arith.constant dense<0.000000e+00> : vector<1024xf32>
    %reduce_sum3A_48 = vector.multi_reduction <add>, %integer_pow3A_46, %reduce_sum3A_47 [1] : vector<1024x128xf32> to vector<1024xf32>
    %broadcast_in_dim3A_49 = vector.shape_cast %reduce_sum3A_48 : vector<1024xf32> to vector<1024x1xf32>
    %div3A_50 = arith.constant 1.280000e+02 : f32
    %div3A_51 = vector.broadcast %div3A_50 : f32 to vector<1024x1xf32>
    %div3A_52 = arith.divf %broadcast_in_dim3A_49, %div3A_51 : vector<1024x1xf32>
    %sub3A_53 = vector.broadcast %div3A_44 : vector<1024x1xf32> to vector<1024x128xf32>
    %sub3A_54 = arith.subf %add3A_41, %sub3A_53 : vector<1024x128xf32>
    %add3A_55 = arith.constant 9.99999974E-6 : f32
    %add3A_56 = vector.broadcast %add3A_55 : f32 to vector<1024x1xf32>
    %add3A_57 = arith.addf %div3A_52, %add3A_56 : vector<1024x1xf32>
    %rsqrt3A = math.rsqrt %add3A_57 : vector<1024x1xf32>
    %mul3A_58 = vector.broadcast %rsqrt3A : vector<1024x1xf32> to vector<1024x128xf32>
    %mul3A_59 = arith.mulf %sub3A_54, %mul3A_58 : vector<1024x128xf32>
    %mul3A_60 = vector.broadcast %get3A_19 : vector<1x128xf32> to vector<1024x128xf32>
    %mul3A_61 = arith.mulf %mul3A_59, %mul3A_60 : vector<1024x128xf32>
    %add3A_62 = vector.broadcast %get3A_22 : vector<1x128xf32> to vector<1024x128xf32>
    %add3A_63 = arith.addf %mul3A_61, %add3A_62 : vector<1024x128xf32>
    %swap3A = arith.constant 0 : index
    %swap3A_64 = arith.constant 0 : index
    %swap3A_65 = vector.load %arg10[%swap3A, %swap3A_64] : memref<1024x128xf32, #tpu.memory_space<vmem>>, vector<1024x128xf32>
    tpu.vector_store %arg10[%swap3A, %swap3A_64], %add3A_63 {strides = array<i32>} : memref<1024x128xf32, #tpu.memory_space<vmem>>, vector<1024x128xf32>,
    %get3A_66 = arith.constant 0 : index
    %get3A_67 = arith.constant 0 : index
    %get3A_68 = vector.load %arg5[%get3A_66, %get3A_67] : memref<1024x128xf32, #tpu.memory_space<vmem>>, vector<1024x128xf32>
    %get3A_69 = arith.constant 0 : index
    %get3A_70 = arith.constant 0 : index
    %get3A_71 = vector.load %arg6[%get3A_69, %get3A_70] : memref<128x128xf32, #tpu.memory_space<vmem>>, vector<128x128xf32>
    %dot_general3A = arith.constant dense<0.000000e+00> : vector<1024x128xf32>
    %dot_general3A_72 = tpu.matmul %add3A_63, %get3A_71, %dot_general3A {dimension_numbers = #tpu.dot_dimension_numbers<[1], [0], [0], [1], [0, 0, 1, 1], [], []>, transpose_lhs_hint = false} : vector<1024x128xf32>, vector<128x128xf32>, vector<1024x128xf32> -> vector<1024x128xf32>
    %mul3A_73 = arith.mulf %get3A_68, %dot_general3A_72 : vector<1024x128xf32>
    %swap3A_74 = arith.constant 0 : index
    %swap3A_75 = arith.constant 0 : index
    %swap3A_76 = vector.load %arg11[%swap3A_74, %swap3A_75] : memref<1024x128xf32, #tpu.memory_space<vmem>>, vector<1024x128xf32>
    tpu.vector_store %arg11[%swap3A_74, %swap3A_75], %mul3A_73 {strides = array<i32>} : memref<1024x128xf32, #tpu.memory_space<vmem>>, vector<1024x128xf32>,
    return
  }
  func.func @transform_0(%arg0: i32) -> (i32, i32) {
    %c0_i32 = arith.constant 0 : i32
    %c0_i32_0 = arith.constant 0 : i32
    return %arg0, %c0_i32 : i32, i32
  }
  func.func @transform_1(%arg0: i32) -> (i32, i32) {
    %c0_i32 = arith.constant 0 : i32
    %c0_i32_0 = arith.constant 0 : i32
    return %arg0, %c0_i32 : i32, i32
  }
  func.func @transform_2(%arg0: i32) -> (i32, i32) {
    %c0_i32 = arith.constant 0 : i32
    %c0_i32_0 = arith.constant 0 : i32
    return %arg0, %c0_i32 : i32, i32
  }
  func.func @transform_3(%arg0: i32) -> (i32, i32) {
    %c0_i32 = arith.constant 0 : i32
    %c0_i32_0 = arith.constant 0 : i32
    return %arg0, %c0_i32 : i32, i32
  }
  func.func @transform_4(%arg0: i32) -> (i32, i32) {
    %c0_i32 = arith.constant 0 : i32
    %c0_i32_0 = arith.constant 0 : i32
    return %arg0, %c0_i32 : i32, i32
  }
  func.func @transform_5(%arg0: i32) -> (i32, i32) {
    %c0_i32 = arith.constant 0 : i32
    %c0_i32_0 = arith.constant 0 : i32
    %c0_i32_1 = arith.constant 0 : i32
    return %c0_i32, %c0_i32_0 : i32, i32
  }
  func.func @transform_6(%arg0: i32) -> (i32, i32) {
    %c0_i32 = arith.constant 0 : i32
    %c0_i32_0 = arith.constant 0 : i32
    %c0_i32_1 = arith.constant 0 : i32
    return %c0_i32, %c0_i32_0 : i32, i32
  }
  func.func @transform_7(%arg0: i32) -> (i32, i32) {
    %c0_i32 = arith.constant 0 : i32
    %c0_i32_0 = arith.constant 0 : i32
    %c0_i32_1 = arith.constant 0 : i32
    return %c0_i32, %c0_i32_0 : i32, i32
  }
  func.func @transform_8(%arg0: i32) -> (i32, i32) {
    %c0_i32 = arith.constant 0 : i32
    %c0_i32_0 = arith.constant 0 : i32
    %c0_i32_1 = arith.constant 0 : i32
    return %c0_i32, %c0_i32_0 : i32, i32
  }
  func.func @transform_9(%arg0: i32) -> (i32, i32) {
    %c0_i32 = arith.constant 0 : i32
    %c0_i32_0 = arith.constant 0 : i32
    return %arg0, %c0_i32 : i32, i32
  }
  func.func @transform_10(%arg0: i32) -> (i32, i32) {
    %c0_i32 = arith.constant 0 : i32
    %c0_i32_0 = arith.constant 0 : i32
    return %arg0, %c0_i32 : i32, i32
  }
}

module attributes {stable_mosaic.version = 14 : i64} {
  func.func @_final_body(%arg0: i32, %arg1: memref<1024x128xf32, #tpu.memory_space<vmem>>, %arg2: memref<1024x128xf32, #tpu.memory_space<vmem>>, %arg3: memref<1024x128xf32, #tpu.memory_space<vmem>>, %arg4: memref<1024x128xf32, #tpu.memory_space<vmem>>, %arg5: memref<1024x128xf32, #tpu.memory_space<vmem>>, %arg6: memref<1x1x1024xi32, #tpu.memory_space<vmem>>, %arg7: memref<1x128xf32, #tpu.memory_space<vmem>>, %arg8: memref<1x128xf32, #tpu.memory_space<vmem>>, %arg9: memref<1x128xf32, #tpu.memory_space<vmem>>, %arg10: memref<128x128xf32, #tpu.memory_space<vmem>>, %arg11: memref<1x128xf32, #tpu.memory_space<vmem>>, %arg12: memref<1x128xf32, #tpu.memory_space<vmem>>, %arg13: memref<1x128xf32, #tpu.memory_space<vmem>>, %arg14: memref<128x128xf32, #tpu.memory_space<vmem>>, %arg15: memref<1x128xf32, #tpu.memory_space<vmem>>, %arg16: memref<256x128xf32, #tpu.memory_space<vmem>>, %arg17: memref<256x128xf32, #tpu.memory_space<vmem>>, %arg18: memref<256x128xf32, #tpu.memory_space<vmem>>) attributes {dimension_semantics = [#tpu.dimension_semantics<arbitrary>], iteration_bounds = array<i64: 10>, scalar_prefetch = 0 : i64, scratch_operands = 2 : i64, tpu.core_type = #tpu.core_type<tc>, window_params = [{transform_indices = @transform_0, window_bounds = array<i64: 1024, 128>}, {transform_indices = @transform_1, window_bounds = array<i64: 1024, 128>}, {transform_indices = @transform_2, window_bounds = array<i64: 1024, 128>}, {transform_indices = @transform_3, window_bounds = array<i64: 1024, 128>}, {transform_indices = @transform_4, window_bounds = array<i64: 1024, 128>}, {transform_indices = @transform_5, window_bounds = array<i64: 1, 1, 1024>}, {pipeline_mode = #tpu.pipeline_mode<synchronous>, transform_indices = @transform_6, window_bounds = array<i64: 1, 128>}, {pipeline_mode = #tpu.pipeline_mode<synchronous>, transform_indices = @transform_7, window_bounds = array<i64: 1, 128>}, {pipeline_mode = #tpu.pipeline_mode<synchronous>, transform_indices = @transform_8, window_bounds = array<i64: 1, 128>}, {pipeline_mode = #tpu.pipeline_mode<synchronous>, transform_indices = @transform_9, window_bounds = array<i64: 128, 128>}, {pipeline_mode = #tpu.pipeline_mode<synchronous>, transform_indices = @transform_10, window_bounds = array<i64: 1, 128>}, {pipeline_mode = #tpu.pipeline_mode<synchronous>, transform_indices = @transform_11, window_bounds = array<i64: 1, 128>}, {pipeline_mode = #tpu.pipeline_mode<synchronous>, transform_indices = @transform_12, window_bounds = array<i64: 1, 128>}, {pipeline_mode = #tpu.pipeline_mode<synchronous>, transform_indices = @transform_13, window_bounds = array<i64: 128, 128>}, {pipeline_mode = #tpu.pipeline_mode<synchronous>, transform_indices = @transform_14, window_bounds = array<i64: 1, 128>}, {pipeline_mode = #tpu.pipeline_mode<synchronous>, transform_indices = @transform_15, window_bounds = array<i64: 256, 128>}]} {
    %eq3A = arith.constant 0 : i32
    %eq3A_0 = arith.cmpi eq, %arg0, %eq3A : i32
    %convert_element_type3A = arith.extui %eq3A_0 : i1 to i32
    %cond3A = arith.constant 0 : i32
    %cond3A_1 = arith.cmpi ne, %convert_element_type3A, %cond3A : i32
    scf.if %cond3A_1 {
      %broadcast_in_dim3A_100 = arith.constant 0.000000e+00 : f32
      %broadcast_in_dim3A_101 = vector.broadcast %broadcast_in_dim3A_100 : f32 to vector<256x128xf32>
      %swap3A_102 = arith.constant 0 : index
      %swap3A_103 = arith.constant 0 : index
      %swap3A_104 = vector.load %arg17[%swap3A_102, %swap3A_103] : memref<256x128xf32, #tpu.memory_space<vmem>>, vector<256x128xf32>
      tpu.vector_store %arg17[%swap3A_102, %swap3A_103], %broadcast_in_dim3A_101 {strides = array<i32>} : memref<256x128xf32, #tpu.memory_space<vmem>>, vector<256x128xf32>,
      %broadcast_in_dim3A_105 = arith.constant 0.000000e+00 : f32
      %broadcast_in_dim3A_106 = vector.broadcast %broadcast_in_dim3A_105 : f32 to vector<256x128xf32>
      %swap3A_107 = arith.constant 0 : index
      %swap3A_108 = arith.constant 0 : index
      %swap3A_109 = vector.load %arg18[%swap3A_107, %swap3A_108] : memref<256x128xf32, #tpu.memory_space<vmem>>, vector<256x128xf32>
      tpu.vector_store %arg18[%swap3A_107, %swap3A_108], %broadcast_in_dim3A_106 {strides = array<i32>} : memref<256x128xf32, #tpu.memory_space<vmem>>, vector<256x128xf32>,
    } else {
    }
    %get3A = arith.constant 0 : index
    %get3A_2 = arith.constant 0 : index
    %get3A_3 = vector.load %arg1[%get3A, %get3A_2] : memref<1024x128xf32, #tpu.memory_space<vmem>>, vector<1024x128xf32>
    %get3A_4 = arith.constant 0 : index
    %get3A_5 = arith.constant 0 : index
    %get3A_6 = vector.load %arg2[%get3A_4, %get3A_5] : memref<1024x128xf32, #tpu.memory_space<vmem>>, vector<1024x128xf32>
    %get3A_7 = arith.constant 0 : index
    %get3A_8 = arith.constant 0 : index
    %get3A_9 = vector.load %arg3[%get3A_7, %get3A_8] : memref<1024x128xf32, #tpu.memory_space<vmem>>, vector<1024x128xf32>
    %get3A_10 = arith.constant 0 : index
    %get3A_11 = arith.constant 0 : index
    %get3A_12 = vector.load %arg4[%get3A_10, %get3A_11] : memref<1024x128xf32, #tpu.memory_space<vmem>>, vector<1024x128xf32>
    %get3A_13 = arith.constant 0 : index
    %get3A_14 = arith.constant 0 : index
    %get3A_15 = vector.load %arg5[%get3A_13, %get3A_14] : memref<1024x128xf32, #tpu.memory_space<vmem>>, vector<1024x128xf32>
    %get3A_16 = arith.constant 0 : index
    %get3A_17 = arith.constant 0 : index
    %get3A_18 = vector.load %arg7[%get3A_16, %get3A_17] : memref<1x128xf32, #tpu.memory_space<vmem>>, vector<1x128xf32>
    %get3A_19 = arith.constant 0 : index
    %get3A_20 = arith.constant 0 : index
    %get3A_21 = vector.load %arg8[%get3A_19, %get3A_20] : memref<1x128xf32, #tpu.memory_space<vmem>>, vector<1x128xf32>
    %get3A_22 = arith.constant 0 : index
    %get3A_23 = arith.constant 0 : index
    %get3A_24 = vector.load %arg9[%get3A_22, %get3A_23] : memref<1x128xf32, #tpu.memory_space<vmem>>, vector<1x128xf32>
    %add3A = arith.addf %get3A_3, %get3A_6 : vector<1024x128xf32>
    %add3A_25 = arith.addf %add3A, %get3A_9 : vector<1024x128xf32>
    %mul3A = arith.mulf %get3A_15, %add3A_25 : vector<1024x128xf32>
    %add3A_26 = vector.broadcast %get3A_18 : vector<1x128xf32> to vector<1024x128xf32>
    %add3A_27 = arith.addf %mul3A, %add3A_26 : vector<1024x128xf32>
    %integer_pow3A = arith.mulf %add3A_27, %add3A_27 : vector<1024x128xf32>
    %integer_pow3A_28 = arith.mulf %add3A_27, %integer_pow3A : vector<1024x128xf32>
    %mul3A_29 = arith.constant 4.471500e-02 : f32
    %mul3A_30 = vector.broadcast %mul3A_29 : f32 to vector<1024x128xf32>
    %mul3A_31 = arith.mulf %mul3A_30, %integer_pow3A_28 : vector<1024x128xf32>
    %add3A_32 = arith.addf %add3A_27, %mul3A_31 : vector<1024x128xf32>
    %mul3A_33 = arith.constant 0.797884583 : f32
    %mul3A_34 = vector.broadcast %mul3A_33 : f32 to vector<1024x128xf32>
    %mul3A_35 = arith.mulf %mul3A_34, %add3A_32 : vector<1024x128xf32>
    %tanh3A = math.tanh %mul3A_35 : vector<1024x128xf32>
    %add3A_36 = arith.constant 1.000000e+00 : f32
    %add3A_37 = vector.broadcast %add3A_36 : f32 to vector<1024x128xf32>
    %add3A_38 = arith.addf %add3A_37, %tanh3A : vector<1024x128xf32>
    %mul3A_39 = arith.constant 5.000000e-01 : f32
    %mul3A_40 = vector.broadcast %mul3A_39 : f32 to vector<1024x128xf32>
    %mul3A_41 = arith.mulf %mul3A_40, %add3A_38 : vector<1024x128xf32>
    %mul3A_42 = arith.mulf %add3A_27, %mul3A_41 : vector<1024x128xf32>
    %add3A_43 = arith.addf %mul3A_42, %get3A_12 : vector<1024x128xf32>
    %reduce_sum3A = arith.constant dense<0.000000e+00> : vector<1024xf32>
    %reduce_sum3A_44 = vector.multi_reduction <add>, %add3A_43, %reduce_sum3A [1] : vector<1024x128xf32> to vector<1024xf32>
    %broadcast_in_dim3A = vector.shape_cast %reduce_sum3A_44 : vector<1024xf32> to vector<1024x1xf32>
    %div3A = arith.constant 1.280000e+02 : f32
    %div3A_45 = vector.broadcast %div3A : f32 to vector<1024x1xf32>
    %div3A_46 = arith.divf %broadcast_in_dim3A, %div3A_45 : vector<1024x1xf32>
    %sub3A = vector.broadcast %div3A_46 : vector<1024x1xf32> to vector<1024x128xf32>
    %sub3A_47 = arith.subf %add3A_43, %sub3A : vector<1024x128xf32>
    %integer_pow3A_48 = arith.mulf %sub3A_47, %sub3A_47 : vector<1024x128xf32>
    %reduce_sum3A_49 = arith.constant dense<0.000000e+00> : vector<1024xf32>
    %reduce_sum3A_50 = vector.multi_reduction <add>, %integer_pow3A_48, %reduce_sum3A_49 [1] : vector<1024x128xf32> to vector<1024xf32>
    %broadcast_in_dim3A_51 = vector.shape_cast %reduce_sum3A_50 : vector<1024xf32> to vector<1024x1xf32>
    %div3A_52 = arith.constant 1.280000e+02 : f32
    %div3A_53 = vector.broadcast %div3A_52 : f32 to vector<1024x1xf32>
    %div3A_54 = arith.divf %broadcast_in_dim3A_51, %div3A_53 : vector<1024x1xf32>
    %sub3A_55 = vector.broadcast %div3A_46 : vector<1024x1xf32> to vector<1024x128xf32>
    %sub3A_56 = arith.subf %add3A_43, %sub3A_55 : vector<1024x128xf32>
    %add3A_57 = arith.constant 9.99999974E-6 : f32
    %add3A_58 = vector.broadcast %add3A_57 : f32 to vector<1024x1xf32>
    %add3A_59 = arith.addf %div3A_54, %add3A_58 : vector<1024x1xf32>
    %rsqrt3A = math.rsqrt %add3A_59 : vector<1024x1xf32>
    %mul3A_60 = vector.broadcast %rsqrt3A : vector<1024x1xf32> to vector<1024x128xf32>
    %mul3A_61 = arith.mulf %sub3A_56, %mul3A_60 : vector<1024x128xf32>
    %mul3A_62 = vector.broadcast %get3A_21 : vector<1x128xf32> to vector<1024x128xf32>
    %mul3A_63 = arith.mulf %mul3A_61, %mul3A_62 : vector<1024x128xf32>
    %add3A_64 = vector.broadcast %get3A_24 : vector<1x128xf32> to vector<1024x128xf32>
    %add3A_65 = arith.addf %mul3A_63, %add3A_64 : vector<1024x128xf32>
    %get3A_66 = arith.constant 0 : index
    %get3A_67 = arith.constant 0 : index
    %get3A_68 = arith.constant 0 : index
    %get3A_69 = vector.load %arg6[%get3A_66, %get3A_67, %get3A_68] : memref<1x1x1024xi32, #tpu.memory_space<vmem>>, vector<1x1x1024xi32>
    %get3A_70 = vector.shape_cast %get3A_69 : vector<1x1x1024xi32> to vector<1024xi32>
    %broadcast_in_dim3A_71 = vector.shape_cast %get3A_70 : vector<1024xi32> to vector<1x1024xi32>
    %iota3A = tpu.iota {dimensions = array<i32: 0>} : vector<256x1024xi32>
    %eq3A_72 = vector.broadcast %broadcast_in_dim3A_71 : vector<1x1024xi32> to vector<256x1024xi32>
    %eq3A_73 = arith.cmpi eq, %eq3A_72, %iota3A : vector<256x1024xi32>
    %convert_element_type3A_74 = arith.extui %eq3A_73 : vector<256x1024xi1> to vector<256x1024xi32>
    %convert_element_type3A_75 = arith.sitofp %convert_element_type3A_74 : vector<256x1024xi32> to vector<256x1024xf32>
    %get3A_76 = arith.constant 0 : index
    %get3A_77 = arith.constant 0 : index
    %get3A_78 = vector.load %arg17[%get3A_76, %get3A_77] : memref<256x128xf32, #tpu.memory_space<vmem>>, vector<256x128xf32>
    %dot_general3A = arith.constant dense<0.000000e+00> : vector<256x128xf32>
    %dot_general3A_79 = tpu.matmul %convert_element_type3A_75, %add3A_65, %dot_general3A {dimension_numbers = #tpu.dot_dimension_numbers<[1], [0], [0], [1], [0, 0, 1, 1], [], []>, transpose_lhs_hint = false} : vector<256x1024xf32>, vector<1024x128xf32>, vector<256x128xf32> -> vector<256x128xf32>
    %add3A_80 = arith.addf %get3A_78, %dot_general3A_79 : vector<256x128xf32>
    %swap3A = arith.constant 0 : index
    %swap3A_81 = arith.constant 0 : index
    %swap3A_82 = vector.load %arg17[%swap3A, %swap3A_81] : memref<256x128xf32, #tpu.memory_space<vmem>>, vector<256x128xf32>
    tpu.vector_store %arg17[%swap3A, %swap3A_81], %add3A_80 {strides = array<i32>} : memref<256x128xf32, #tpu.memory_space<vmem>>, vector<256x128xf32>,
    %reduce_sum3A_83 = arith.constant dense<0.000000e+00> : vector<256xf32>
    %reduce_sum3A_84 = vector.multi_reduction <add>, %convert_element_type3A_75, %reduce_sum3A_83 [1] : vector<256x1024xf32> to vector<256xf32>
    %broadcast_in_dim3A_85 = vector.shape_cast %reduce_sum3A_84 : vector<256xf32> to vector<256x1xf32>
    %get3A_86 = arith.constant 0 : index
    %get3A_87 = arith.constant 0 : index
    %get3A_88 = vector.load %arg18[%get3A_86, %get3A_87] : memref<256x128xf32, #tpu.memory_space<vmem>>, vector<256x128xf32>
    %broadcast_in_dim3A_89 = vector.shape_cast %broadcast_in_dim3A_85 : vector<256x1xf32> to vector<256x1xf32>
    %broadcast_in_dim3A_90 = vector.broadcast %broadcast_in_dim3A_89 : vector<256x1xf32> to vector<256x128xf32>
    %add3A_91 = arith.addf %get3A_88, %broadcast_in_dim3A_90 : vector<256x128xf32>
    %swap3A_92 = arith.constant 0 : index
    %swap3A_93 = arith.constant 0 : index
    %swap3A_94 = vector.load %arg18[%swap3A_92, %swap3A_93] : memref<256x128xf32, #tpu.memory_space<vmem>>, vector<256x128xf32>
    tpu.vector_store %arg18[%swap3A_92, %swap3A_93], %add3A_91 {strides = array<i32>} : memref<256x128xf32, #tpu.memory_space<vmem>>, vector<256x128xf32>,
    %eq3A_95 = arith.constant 9 : i32
    %eq3A_96 = arith.cmpi eq, %arg0, %eq3A_95 : i32
    %convert_element_type3A_97 = arith.extui %eq3A_96 : i1 to i32
    %cond3A_98 = arith.constant 0 : i32
    %cond3A_99 = arith.cmpi ne, %convert_element_type3A_97, %cond3A_98 : i32
    scf.if %cond3A_99 {
      %get3A_100 = arith.constant 0 : index
      %get3A_101 = arith.constant 0 : index
      %get3A_102 = vector.load %arg17[%get3A_100, %get3A_101] : memref<256x128xf32, #tpu.memory_space<vmem>>, vector<256x128xf32>
      %get3A_103 = arith.constant 0 : index
      %get3A_104 = arith.constant 0 : index
      %get3A_105 = vector.load %arg18[%get3A_103, %get3A_104] : memref<256x128xf32, #tpu.memory_space<vmem>>, vector<256x128xf32>
      %max3A = arith.constant 1.000000e+00 : f32
      %max3A_106 = vector.broadcast %max3A : f32 to vector<256x128xf32>
      %max3A_107 = arith.maximumf %get3A_105, %max3A_106 : vector<256x128xf32>
      %div3A_108 = arith.divf %get3A_102, %max3A_107 : vector<256x128xf32>
      %get3A_109 = arith.constant 0 : index
      %get3A_110 = arith.constant 0 : index
      %get3A_111 = vector.load %arg10[%get3A_109, %get3A_110] : memref<128x128xf32, #tpu.memory_space<vmem>>, vector<128x128xf32>
      %dot_general3A_112 = arith.constant dense<0.000000e+00> : vector<256x128xf32>
      %dot_general3A_113 = tpu.matmul %div3A_108, %get3A_111, %dot_general3A_112 {dimension_numbers = #tpu.dot_dimension_numbers<[1], [0], [0], [1], [0, 0, 1, 1], [], []>, transpose_lhs_hint = false} : vector<256x128xf32>, vector<128x128xf32>, vector<256x128xf32> -> vector<256x128xf32>
      %get3A_114 = arith.constant 0 : index
      %get3A_115 = arith.constant 0 : index
      %get3A_116 = vector.load %arg11[%get3A_114, %get3A_115] : memref<1x128xf32, #tpu.memory_space<vmem>>, vector<1x128xf32>
      %add3A_117 = vector.broadcast %get3A_116 : vector<1x128xf32> to vector<256x128xf32>
      %add3A_118 = arith.addf %dot_general3A_113, %add3A_117 : vector<256x128xf32>
      %get3A_119 = arith.constant 0 : index
      %get3A_120 = arith.constant 0 : index
      %get3A_121 = vector.load %arg12[%get3A_119, %get3A_120] : memref<1x128xf32, #tpu.memory_space<vmem>>, vector<1x128xf32>
      %mul3A_122 = vector.broadcast %get3A_121 : vector<1x128xf32> to vector<256x128xf32>
      %mul3A_123 = arith.mulf %add3A_118, %mul3A_122 : vector<256x128xf32>
      %rsqrt3A_124 = arith.constant 1.000010e+00 : f32
      %rsqrt3A_125 = math.rsqrt %rsqrt3A_124 : f32
      %mul3A_126 = vector.broadcast %rsqrt3A_125 : f32 to vector<256x128xf32>
      %mul3A_127 = arith.mulf %mul3A_123, %mul3A_126 : vector<256x128xf32>
      %get3A_128 = arith.constant 0 : index
      %get3A_129 = arith.constant 0 : index
      %get3A_130 = vector.load %arg13[%get3A_128, %get3A_129] : memref<1x128xf32, #tpu.memory_space<vmem>>, vector<1x128xf32>
      %add3A_131 = vector.broadcast %get3A_130 : vector<1x128xf32> to vector<256x128xf32>
      %add3A_132 = arith.addf %mul3A_127, %add3A_131 : vector<256x128xf32>
      %integer_pow3A_133 = arith.mulf %add3A_132, %add3A_132 : vector<256x128xf32>
      %integer_pow3A_134 = arith.mulf %add3A_132, %integer_pow3A_133 : vector<256x128xf32>
      %mul3A_135 = arith.constant 4.471500e-02 : f32
      %mul3A_136 = vector.broadcast %mul3A_135 : f32 to vector<256x128xf32>
      %mul3A_137 = arith.mulf %mul3A_136, %integer_pow3A_134 : vector<256x128xf32>
      %add3A_138 = arith.addf %add3A_132, %mul3A_137 : vector<256x128xf32>
      %mul3A_139 = arith.constant 0.797884583 : f32
      %mul3A_140 = vector.broadcast %mul3A_139 : f32 to vector<256x128xf32>
      %mul3A_141 = arith.mulf %mul3A_140, %add3A_138 : vector<256x128xf32>
      %tanh3A_142 = math.tanh %mul3A_141 : vector<256x128xf32>
      %add3A_143 = arith.constant 1.000000e+00 : f32
      %add3A_144 = vector.broadcast %add3A_143 : f32 to vector<256x128xf32>
      %add3A_145 = arith.addf %add3A_144, %tanh3A_142 : vector<256x128xf32>
      %mul3A_146 = arith.constant 5.000000e-01 : f32
      %mul3A_147 = vector.broadcast %mul3A_146 : f32 to vector<256x128xf32>
      %mul3A_148 = arith.mulf %mul3A_147, %add3A_145 : vector<256x128xf32>
      %mul3A_149 = arith.mulf %add3A_132, %mul3A_148 : vector<256x128xf32>
      %get3A_150 = arith.constant 0 : index
      %get3A_151 = arith.constant 0 : index
      %get3A_152 = vector.load %arg14[%get3A_150, %get3A_151] : memref<128x128xf32, #tpu.memory_space<vmem>>, vector<128x128xf32>
      %dot_general3A_153 = arith.constant dense<0.000000e+00> : vector<256x128xf32>
      %dot_general3A_154 = tpu.matmul %mul3A_149, %get3A_152, %dot_general3A_153 {dimension_numbers = #tpu.dot_dimension_numbers<[1], [0], [0], [1], [0, 0, 1, 1], [], []>, transpose_lhs_hint = false} : vector<256x128xf32>, vector<128x128xf32>, vector<256x128xf32> -> vector<256x128xf32>
      %get3A_155 = arith.constant 0 : index
      %get3A_156 = arith.constant 0 : index
      %get3A_157 = vector.load %arg15[%get3A_155, %get3A_156] : memref<1x128xf32, #tpu.memory_space<vmem>>, vector<1x128xf32>
      %add3A_158 = vector.broadcast %get3A_157 : vector<1x128xf32> to vector<256x128xf32>
      %add3A_159 = arith.addf %dot_general3A_154, %add3A_158 : vector<256x128xf32>
      %swap3A_160 = arith.constant 0 : index
      %swap3A_161 = arith.constant 0 : index
      %swap3A_162 = vector.load %arg16[%swap3A_160, %swap3A_161] : memref<256x128xf32, #tpu.memory_space<vmem>>, vector<256x128xf32>
      tpu.vector_store %arg16[%swap3A_160, %swap3A_161], %add3A_159 {strides = array<i32>} : memref<256x128xf32, #tpu.memory_space<vmem>>, vector<256x128xf32>,
    } else {
    }
    return
  }
  func.func @transform_0(%arg0: i32) -> (i32, i32) {
    %c0_i32 = arith.constant 0 : i32
    %c0_i32_0 = arith.constant 0 : i32
    return %arg0, %c0_i32 : i32, i32
  }
  func.func @transform_1(%arg0: i32) -> (i32, i32) {
    %c0_i32 = arith.constant 0 : i32
    %c0_i32_0 = arith.constant 0 : i32
    return %arg0, %c0_i32 : i32, i32
  }
  func.func @transform_2(%arg0: i32) -> (i32, i32) {
    %c0_i32 = arith.constant 0 : i32
    %c0_i32_0 = arith.constant 0 : i32
    return %arg0, %c0_i32 : i32, i32
  }
  func.func @transform_3(%arg0: i32) -> (i32, i32) {
    %c0_i32 = arith.constant 0 : i32
    %c0_i32_0 = arith.constant 0 : i32
    return %arg0, %c0_i32 : i32, i32
  }
  func.func @transform_4(%arg0: i32) -> (i32, i32) {
    %c0_i32 = arith.constant 0 : i32
    %c0_i32_0 = arith.constant 0 : i32
    return %arg0, %c0_i32 : i32, i32
  }
  func.func @transform_5(%arg0: i32) -> (i32, i32, i32) {
    %c0_i32 = arith.constant 0 : i32
    %c0_i32_0 = arith.constant 0 : i32
    %c0_i32_1 = arith.constant 0 : i32
    return %arg0, %c0_i32, %c0_i32_0 : i32, i32, i32
  }
  func.func @transform_6(%arg0: i32) -> (i32, i32) {
    %c0_i32 = arith.constant 0 : i32
    %c0_i32_0 = arith.constant 0 : i32
    %c0_i32_1 = arith.constant 0 : i32
    return %c0_i32, %c0_i32_0 : i32, i32
  }
  func.func @transform_7(%arg0: i32) -> (i32, i32) {
    %c0_i32 = arith.constant 0 : i32
    %c0_i32_0 = arith.constant 0 : i32
    %c0_i32_1 = arith.constant 0 : i32
    return %c0_i32, %c0_i32_0 : i32, i32
  }
  func.func @transform_8(%arg0: i32) -> (i32, i32) {
    %c0_i32 = arith.constant 0 : i32
    %c0_i32_0 = arith.constant 0 : i32
    %c0_i32_1 = arith.constant 0 : i32
    return %c0_i32, %c0_i32_0 : i32, i32
  }
  func.func @transform_9(%arg0: i32) -> (i32, i32) {
    %c0_i32 = arith.constant 0 : i32
    %c0_i32_0 = arith.constant 0 : i32
    %c0_i32_1 = arith.constant 0 : i32
    return %c0_i32, %c0_i32_0 : i32, i32
  }
  func.func @transform_10(%arg0: i32) -> (i32, i32) {
    %c0_i32 = arith.constant 0 : i32
    %c0_i32_0 = arith.constant 0 : i32
    %c0_i32_1 = arith.constant 0 : i32
    return %c0_i32, %c0_i32_0 : i32, i32
  }
  func.func @transform_11(%arg0: i32) -> (i32, i32) {
    %c0_i32 = arith.constant 0 : i32
    %c0_i32_0 = arith.constant 0 : i32
    %c0_i32_1 = arith.constant 0 : i32
    return %c0_i32, %c0_i32_0 : i32, i32
  }
  func.func @transform_12(%arg0: i32) -> (i32, i32) {
    %c0_i32 = arith.constant 0 : i32
    %c0_i32_0 = arith.constant 0 : i32
    %c0_i32_1 = arith.constant 0 : i32
    return %c0_i32, %c0_i32_0 : i32, i32
  }
  func.func @transform_13(%arg0: i32) -> (i32, i32) {
    %c0_i32 = arith.constant 0 : i32
    %c0_i32_0 = arith.constant 0 : i32
    %c0_i32_1 = arith.constant 0 : i32
    return %c0_i32, %c0_i32_0 : i32, i32
  }
  func.func @transform_14(%arg0: i32) -> (i32, i32) {
    %c0_i32 = arith.constant 0 : i32
    %c0_i32_0 = arith.constant 0 : i32
    %c0_i32_1 = arith.constant 0 : i32
    return %c0_i32, %c0_i32_0 : i32, i32
  }
  func.func @transform_15(%arg0: i32) -> (i32, i32) {
    %c0_i32 = arith.constant 0 : i32
    %c0_i32_0 = arith.constant 0 : i32
    %c0_i32_1 = arith.constant 0 : i32
    return %c0_i32, %c0_i32_0 : i32, i32
  }
}

</mosaic_0001>

<sc_bundles>
// kernel: kernel.13.cloned.1.call-start
scs
__scs_entry_jumppad:
0x0: {  	(pc) =	sbr.rel $0x88, $3  }
0x1: {  	(tag) =	ssettag $0x0;
	lr =	simm.s32 $0x1  }
0x2: {  	[smem:$0x3F93] =	sst lr;
	_ =	strace $0xD0000000  }
0x3: {  	_ = 	snop  }
0x4: {  	_ = 	snop  }
0x5: {  	_ = 	snop  }
0x6: {  	_ = 	snop  }
0x7: {  	_ = 	snop  }
__scs_overlays_trampoline_lowered:
0x8: {  	[smem:$0x3FA2] =	sst s0  }
0x9: {  	[smem:$0x3FA3] =	sst s1  }
0xa: {  	[smem:$0x3FA4] =	sst s2  }
0xb: {  	[smem:$0x3FA5] =	sst s3  }
0xc: {  	[smem:$0x3FA6] =	sst s4  }
0xd: {  	[smem:$0x3FA7] =	sst s5  }
0xe: {  	[smem:$0x3FA8] =	sst s6  }
0xf: {  	[smem:$0x3FA9] =	sst s7  }
0x10: {  	[smem:$0x3FAA] =	sst s8  }
0x11: {  	[smem:$0x3FAB] =	sst s9;
	s0 =	simm.s32 @!p0 $0x0  }
0x12: {  	s1 =	sld [smem:$0x3F91];
	s0 =	simm.s32 @p0 $0x1  }
0x13: {  	[smem:$0x3FAC] =	sst s0;
	s0 =	simm.s32 @!p1 $0x0  }
0x14: {  	s2 =	sld [smem:$0x3F90];
	s0 =	simm.s32 @p1 $0x1  }
0x15: {  	[smem:$0x3FAD] =	sst s0;
	s0 =	simm.s32 @!p2 $0x0  }
0x16: {  	s3 =	sld [smem:$0x3FDB];
	s0 =	simm.s32 @p2 $0x1  }
0x17: {  	s4 =	simm.s32 $0x1BF5;
	[smem:$0x3FAF] =	sst s0  }
0x18: {  	s0 =	sld [smem:$0x3F92];
	_ =	swait.ge [sflag:s4], $0x0  }
0x19: {  	s7 =	sld [smem:$0x3F93]  }
0x1a: {  	s8 =	sadd.s32 $0xFFFFE003, lr  }
0x1b: {  	s9 =	sadd.s32 $0xFFFFFEF7, lr;
	s5 =	simm.s32 $0xFFFFFFFF;
	p2 =	slt.u32 s8, $0xFFFFF086  }
0x1c: {  	p1 =	slt.u32 s9, $0xF7A;
	s5 =	simm.s32 @!p2 $0x0  }
0x1d: {  	s5 =	simm.s32 @p1 $0x1;
	p0 =	seq.s32 s7, s2  }
0x1e: {  	s7 =	smul.u32 @!p0 $0xF7A, s2;
	p2 =	seq.s32 @!p0 s5, $0x0  }
0x1f: {  	s9 =	smul.u32 $0xF7A, s1;
	s8 =	simm.s32 @!p0 $0x1BF5;
	p2 =	por !p2, p0  }
0x20: {  	[sflag:s8] =	ssyncset.s32 @!p0 $0xFFFFF086;
	s6 =	sadd.s32 @!p0 s3, s7;
	s7 =	simm.s32 @!p0 $0x108  }
0x21: {  	s3 =	sadd.s32 s3, s9;
	s6 =	sadd.s32 @!p0 $0x88, s6;
	s7 =	simm.s32 @p2 $0x1082  }
0x22: {  	[simem:s7], [sflag:s8] =	dma.local @!p0 [hbm:s6], $0xF7A  }
0x23: {  	s9 =	sor.u32 $0xD0000000, s2;
	s6 =	simm.s32 $0x108;
	_ =	swait.ge @!p0 [sflag:s8], $0x0  }
0x24: {  	s3 =	sadd.s32 $0x88, s3;
	s6 =	simm.s32 @!p1 $0x1082;
	[sflag:s4] =	ssyncset.s32 $0xFFFFF086  }
0x25: {  	[simem:s6], [sflag:s4] =	dma.local [hbm:s3], $0xF7A  }
0x26: {  	[smem:$0x3F93] =	sst s1;
	(tag) =	ssettag s2;
	_ =	strace s9  }
0x27: {  	s1 =	sld [smem:$0x3FA3]  }
0x28: {  	s2 =	sld [smem:$0x3FA4]  }
0x29: {  	s4 =	sld [smem:$0x3FA6]  }
0x2a: {  	p0 =	seq.s32 s5, $0x0;
	s5 =	sld [smem:$0x3FA7]  }
0x2b: {  	s6 =	sld [smem:$0x3FA8]  }
0x2c: {  	s7 =	sld [smem:$0x3FA9]  }
0x2d: {  	s3 =	simm.s32 $0x108;
	s8 =	sld [smem:$0x3FAA]  }
0x2e: {  	s3 =	simm.s32 @!p0 $0x1082;
	s9 =	sld [smem:$0x3FAB]  }
0x2f: {  	lr =	sadd.s32 s0, s3;
	s0 =	sld [smem:$0x3FA2]  }
0x30: {  	s3 =	sld [smem:$0x3FA5]  }
0x31: {  	[smem:$0x3FAE] =	sst s10  }
0x32: {  	s10 =	sld [smem:$0x3FAC];
	_ =	sdelay $0x3  }
0x33: {  	p0 =	seq.s32 s10, $0x1;
	s10 =	sld [smem:$0x3FAE];
	_ =	sdelay $0x3  }
0x34: {  	[smem:$0x3FAE] =	sst s10  }
0x35: {  	s10 =	sld [smem:$0x3FAD];
	_ =	sdelay $0x3  }
0x36: {  	p1 =	seq.s32 s10, $0x1;
	s10 =	sld [smem:$0x3FAE];
	_ =	sdelay $0x3  }
0x37: {  	[smem:$0x3FAE] =	sst s10  }
0x38: {  	s10 =	sld [smem:$0x3FAF]  }
0x39: {  	_ = 	snop;
	(pc) =	sbr.ind lr, $3  }
0x3a: {  	_ = 	snop  }
0x3b: {  	_ = 	snop  }
0x3c: {  	p2 =	seq.s32 s10, $0x1;
	s10 =	sld [smem:$0x3FAE]  }
0x3d: {  	_ =	shalt  }
0x3e: {  	_ =	shalt  }
0x3f: {  	_ =	shalt  }
0x40: {  	_ =	shalt  }
0x41: {  	_ =	shalt  }
0x42: {  	_ =	shalt  }
0x43: {  	_ =	shalt  }
0x44: {  	_ =	shalt  }
0x45: {  	_ =	shalt  }
0x46: {  	_ =	shalt  }
0x47: {  	_ =	shalt  }
0x48: {  	_ =	shalt  }
0x49: {  	_ =	shalt  }
0x4a: {  	_ =	shalt  }
0x4b: {  	_ =	shalt  }
0x4c: {  	_ =	shalt  }
0x4d: {  	_ =	shalt  }
0x4e: {  	_ =	shalt  }
0x4f: {  	_ =	shalt  }
0x50: {  	_ =	shalt  }
0x51: {  	_ =	shalt  }
0x52: {  	_ =	shalt  }
0x53: {  	_ =	shalt  }
0x54: {  	_ =	shalt  }
0x55: {  	_ =	shalt  }
0x56: {  	_ =	shalt  }
0x57: {  	_ =	shalt  }
0x58: {  	_ =	shalt  }
0x59: {  	_ =	shalt  }
0x5a: {  	_ =	shalt  }
0x5b: {  	_ =	shalt  }
0x5c: {  	_ =	shalt  }
0x5d: {  	_ =	shalt  }
0x5e: {  	_ =	shalt  }
0x5f: {  	_ =	shalt  }
0x60: {  	_ =	shalt  }
0x61: {  	_ =	shalt  }
0x62: {  	_ =	shalt  }
0x63: {  	_ =	shalt  }
0x64: {  	_ =	shalt  }
0x65: {  	_ =	shalt  }
0x66: {  	_ =	shalt  }
0x67: {  	_ =	shalt  }
0x68: {  	_ =	shalt  }
0x69: {  	_ =	shalt  }
0x6a: {  	_ =	shalt  }
0x6b: {  	_ =	shalt  }
0x6c: {  	_ =	shalt  }
0x6d: {  	_ =	shalt  }
0x6e: {  	_ =	shalt  }
0x6f: {  	_ =	shalt  }
0x70: {  	_ =	shalt  }
0x71: {  	_ =	shalt  }
0x72: {  	_ =	shalt  }
0x73: {  	_ =	shalt  }
0x74: {  	_ =	shalt  }
0x75: {  	_ =	shalt  }
0x76: {  	_ =	shalt  }
0x77: {  	_ =	shalt  }
0x78: {  	_ =	shalt  }
0x79: {  	_ =	shalt  }
0x7a: {  	_ =	shalt  }
0x7b: {  	_ =	shalt  }
0x7c: {  	_ =	shalt  }
0x7d: {  	_ =	shalt  }
0x7e: {  	_ =	shalt  }
0x7f: {  	_ =	shalt  }
0x80: {  	_ =	shalt  }
0x81: {  	_ =	shalt  }
0x82: {  	_ =	shalt  }
0x83: {  	_ =	shalt  }
0x84: {  	_ =	shalt  }
0x85: {  	_ =	shalt  }
0x86: {  	_ =	shalt  }
0x87: {  	_ =	shalt  }
.Lfunc_end0:
.L_simem_size_0:
called_computation_lowered:
.L_overlay_start_0:
0x88: {  	s2 =	sld [smem:$0x3FD9]  }
0x89: {  	s3 =	sld [smem:$0x3FFE];
	_ =	sdelay $0x1  }
0x8a: {  	s1 =	srdreg.scid  }
0x8b: {  	s0 =	sand.u32 $0x1, s1  }
0x8c: {  	s17 =	sshll.u32 s0, $0xA;
	s2 =	sadd.s32 s3, s2  }
0x8d: {  	s2 =	sadd.s32 s2, s17  }
0x8e: {  	[smem:$0x3FBA] =	sst s2  }
0x8f: {  	_ = 	snop  }
0x90: {  	s2 =	sld [smem:$0x3FD0];
	(tm) =	ssettm $0x1  }
0x91: {  	s18 =	sld [smem:$0x3FFB];
	_ =	sdelay $0x3  }
0x92: {  	_ =	strace s18  }
0x93: {  	s3 =	sld [smem:$0x3FFC];
	_ =	sdelay $0x3  }
0x94: {  	_ =	strace s3  }
0x95: {  	s3 =	sld [smem:$0x3FFD];
	_ =	sdelay $0x3  }
0x96: {  	_ =	strace s3  }
0x97: {  	_ =	strace $0x8FFFFFFF  }
0x98: {  	s19 =	sld [smem:$0x3FDB];
	_ =	sdelay $0x1  }
0x99: {  	s4 =	simm.s32 $_scs_section_size  }
0x9a: {  	s5 =	simm.s32 $_size__tile_overlayer_lowered;
	s6 =	simm.s32 $_tile_overlayer_lowered  }
0x9b: {  	s22 =	simm.s32 $0x1BFF;
	s21 =	sshll.u32 s6, $0x1;
	s3 =	sadd.s32 s4, s19  }
0x9c: {  	s7 =	simm.s32 $0x0;
	s20 =	sshll.u32 s5, $0x1;
	s5 =	sadd.s32 s21, s3  }
0x9d: {  	[timem:s7], [sflag:s22] =	dma.local [hbm:s5], s20  }
0x9e: {  	_ =	swait.ge [sflag:s22], s20  }
0x9f: {  	s4 =	ssub.s32 $0x0, s20;
	[sflag:s22] =	ssyncset.done $0x0  }
0xa0: {  	[sflag:s22] =	ssyncadd.s32 s4;
	_ =	sdelay $0x1  }
0xa1: {  	s23 =	simm.s32 $0x1B8B  }
0xa2: {  	_ =	swait.ge [sflag:s23], $0x1  }
0xa3: {  	[sflag:s23] =	ssyncset.done $0x0  }
0xa4: {  	s25 =	simm.s32 $0x1B8E;
	s24 =	sld [smem:$0x3FFE];
	[sflag:s23] =	ssyncadd.s32 $0xFFFFFFFF  }
0xa5: {  	s26 =	simm.s32 $execute0_lowered;
	[smem:$0x3FD2] =	sst s25  }
0xa6: {  	s5 =	sshll.u32 s26, $0x1;
	_ =	strace $0x80000046;
	[dreg:$0x1] =	wrdreg $0xFFFFFFFF  }
0xa7: {  	s28 =	simm.s32 $_size_execute0_lowered;
	s3 =	sadd.s32 s3, s5;
	[dreg:$0x0] =	wrdreg $0x0  }
0xa8: {  	s5 =	sshll.u32 s28, $0x1;
	[dreg:$0x2] =	wrdreg s3  }
0xa9: {  	[dreg:$0x3] =	wrdreg s5  }
0xaa: {  	[dreg:$0x4] =	wrdreg $0xC0  }
0xab: {  	_ =	task [dreg:s7], $0x5FFFF  }
0xac: {  	[dreg:$0x1] =	wrdreg $0xFFFFFFFF  }
0xad: {  	[dreg:$0x0] =	wrdreg $0x60  }
0xae: {  	[dreg:$0x2] =	wrdreg s24  }
0xaf: {  	[dreg:$0x3] =	wrdreg s2  }
0xb0: {  	[dreg:$0x4] =	wrdreg $0x68000  }
0xb1: {  	[dreg:$0x5] =	wrdreg $0x9  }
0xb2: {  	_ =	task.clear_ibuf [dreg:s7], $0x6FFFF;
	_ =	strace $0x90000046  }
0xb3: {  	s29 =	simm.s32 $0x9;
	_ =	strace $0x80000048  }
0xb4: {  	_ =	swait.ge [sflag:s29], $0x1  }
0xb5: {  	[sflag:s29] =	ssyncadd.s32 $0xFFFFFFFF  }
0xb6: {  	_ =	strace $0x90000048  }
0xb7: {  	_ =	sfence  }
0xb8: {  	s30 =	sld [smem:$0x0];
	_ =	sdelay $0x2  }
0xb9: {  	s31 =	sshll.u32 s1, $0xD;
	s1 =	sshrl.u32 s1, $0x2  }
0xba: {  	s3 =	sand.u32 $0x4000, s31;
	s1 =	sadd.s32 s1, s30  }
0xbb: {  	s0 =	sor.u32 s3, s0;
	s1 =	sshll.u32 s1, $0x11  }
0xbc: {  	s0 =	sor.u32 s1, s0  }
0xbd: {  	s0 =	sadd.s32 $0x8F2B, s0  }
0xbe: {  	[sflag:s0] =	ssyncadd.remote.s32 $0x1  }
0xbf: {  	_ =	sfence.sel $0xFFFF  }
0xc0: {  	[dreg:$0x0] =	wrdreg $0xFFFFFFFF;
	(pc) =	sbr.abs _section_cstart, $3  }
0xc1: {  	[dreg:$0x1] =	wrdreg $0xFFFFFFFF  }
0xc2: {  	_ =	task.clear_ibuf [dreg:s7], $0x2FFFF;
	_ =	strace $0x9FFFFFFF  }
0xc3: {  	(tm) =	ssettm $0x7FFFFFFF  }
tec
execute0_lowered:
.L_overlay_start_1:
0x0: {  	(tag) =	ssettag $0x1  }
0x1: {  	s7 =	rddreg [dreg:$0x0]  }
0x2: {  	s0 =	srdreg.scid;
	s2 =	rddreg [dreg:$0x1]  }
0x3: {  	s3 =	rddreg [dreg:$0x2];
	s4 =	simm.s32 $0x0;
	s6 =	sand.u32 $0x1, s0  }
0x4: {  	s13 =	simm.s32 $0x80;
	s0 =	stileid.u32;
	s8 =	smul.u32 $0x140000, s6  }
0x5: {  	s14 =	simm.s32 $0x0;
	[smem:$0x7FF] =	sst s4;
	s9 =	smul.u32 $0x14000, s0  }
0x6: {  	s1 =	sshll.u32 s6, $0x4;
	s29 =	smul.u32 $0x50000, s0;
	s6 =	ssub.s32 $0x2, s6  }
0x7: {  	s31 =	sshll.u32 s0, $0x6;
	s1 =	sor.u32 s0, s1;
	s30 =	sshrl.u32 s6, $0x1  }
0x8: {  	s5 =	smul.u32 $0x500, s1;
	s1 =	rddreg [dreg:$0x3];
	_ =	strace $0x80000047  }
0x9: {  	s8 =	sadd.s32 s9, s8;
	s9 =	sshrl.u32 s29, $0x2;
	s11 =	ssub.s32 s6, s30  }
0xa: {  	s6 =	sor.u32 $0x1C01, s31;
	s8 =	sshrl.u32 s8, $0x3;
	s12 =	sadd.s32 s9, s3  }
0xb: {  	s9 =	smax.u32 s11, $0x1;
	s11 =	simm.s32 $0x1;
	s10 =	sadd.s32 s5, s7  }
0xc: {  	s5 =	sadd.s32 $0x19800, s7;
	s8 =	sadd.s32 s8, s7;
	s7 =	sadd.s32 $0x5800, s10  }
0xd: {  	s8 =	sadd.s32 $0x1C000, s8;
	s10 =	sshrl.u32 s12, $0x3;
	s12 =	simm.s32 $0x2800  }
.LBB2_1:
0xe: {  	[spmem:s10], [sflag:s6] =	dma.local [hbm:s5], $0x2800  }
0xf: {  	_ =	swait.ge [sflag:s11], $0x2800  }
0x10: {  	[sflag:s11] =	ssyncset.done $0x0  }
0x11: {  	[sflag:s11] =	ssyncadd.s32 $0xFFFFD800  }
0x12: {  	[tilespmem:s12], [sflag:$0x1] =	stream.linear.gather [hbm4b:s2+s4], $0x4000, $0x38;
	[tilespmem:$0x1A800] =	vst v63  }
0x13: {  	_ =	swait.ge [sflag:s11], $0x4000  }
0x14: {  	[sflag:s11] =	ssyncset.done $0x0  }
0x15: {  	[sflag:s11] =	ssyncadd.s32 $0xFFFFC000  }
0x16: {  	[tilespmem:s4], [sflag:$0x1] =	stream.linear.gather [hbm4b:s7+s4], $0x2800, $0x38;
	[tilespmem:$0x1A800] =	vst v63  }
0x17: {  	_ =	swait.ge [sflag:s11], $0x2800  }
0x18: {  	[sflag:s11] =	ssyncset.done $0x0  }
0x19: {  	[sflag:s11] =	ssyncadd.s32 $0xFFFFD800  }
0x1a: {  	s15 =	simm.s32 $0x0;
	[bflag:$0x0] =	sbarrier.arrive $0xFFFF  }
0x1b: {  	[spmem:s3] =	stream.indirect.scatter.add.f32 [tilespmem:s12], [sflag:$0x1], $0x80, s15, s13, $0xb8;
	[tilespmem:$0x1A800] =	vst v63  }
0x1c: {  	_ =	swait.ge [sflag:s11], $0x4000  }
0x1d: {  	s15 =	simm.s32 $0x200;
	[sflag:s11] =	ssyncset.done $0x0  }
.LBB2_2:
0x1e: {  	s16 =	sshra.s32 s15, $0x2;
	[sflag:s11] =	ssyncadd.s32 $0xFFFFC000;
	p0 =	sne.s32 s15, $0x9E00  }
0x1f: {  	[spmem:s3] =	stream.indirect.scatter.add.f32 [tilespmem:s12], [sflag:$0x1], $0x80, s16, s13, $0xb8;
	[tilespmem:$0x1A800] =	vst v63  }
.Ltmp0:
0x20: {  	_ = 	snop;
	(pc) =	sbr.rel @p0 .LBB2_2-.Ltmp0, $4  }
0x21: {  	_ = 	snop  }
0x22: {  	s15 =	sadd.s32 $0x200, s15  }
0x23: {  	_ =	swait.ge [sflag:s11], $0x4000  }
0x24: {  	[sflag:s11] =	ssyncset.done $0x0  }
0x25: {  	s14 =	sadd.s32 $0x1, s14  }
0x26: {  	[sflag:s11] =	ssyncadd.s32 $0xFFFFC000;
	p0 =	sne.s32 s14, s9  }
.Ltmp1:
0x27: {  	[bflag:$0x0] =	sbarrier.arrive $0xFFFF;
	(pc) =	sbr.rel @p0 .LBB2_1-.Ltmp1, $4  }
0x28: {  	[hbm:s8], [sflag:s6] =	dma.local [spmem:s10], $0x2800  }
0x29: {  	_ =	swait.ge [sflag:s11], $0x2800  }
0x2a: {  	[sflag:s11] =	ssyncset.done $0x0  }
0x2b: {  	[sflag:s11] =	ssyncadd.s32 $0xFFFFD800  }
0x2c: {  	_ =	sfence.sel $0x180000  }
0x2d: {  	[bflag:$0x0] =	sbarrier.arrive $0xFFFF  }
0x2e: {  	p0 =	sne.s32 s0, $0x0;
	_ =	strace $0x90000047  }
0x2f: {  	s0 =	sadd.s32 @!p0 $0x100000, s1;
	[bflag:$0x2] =	sbarrier.arrive $0xFFFF  }
0x30: {  	[sflag:s0] =	ssyncadd.tile.s32 @!p0 $0x1;
	_ =	shalt  }
.Lfunc_end2:
_tile_overlayer_lowered:
.L_overlay_start_2:
0x31: {  	(tag) =	ssettag $0x2  }
0x32: {  	s0 =	rddreg [dreg:$0x0];
	s2 =	stileid.u32  }
0x33: {  	s1 =	rddreg [dreg:$0x1];
	p0 =	sne.s32 s2, $0x0  }
0x34: {  	s3 =	rddreg [dreg:$0x2];
	[bflag:$0x3] =	sbarrier.arrive $0xFFFF;
	s2 =	simm.s32 @!p0 $0x1C01  }
0x35: {  	[timem:s3], [sflag:s2] =	dma.local @!p0 [hbm:s0], s1  }
0x36: {  	s0 =	simm.s32 @!p0 $0x1  }
0x37: {  	_ =	swait.ge @!p0 [sflag:s0], s1  }
0x38: {  	s1 =	ssub.s32 @!p0 $0x0, s1;
	[sflag:s0] =	ssyncset.done @!p0 $0x0  }
0x39: {  	[sflag:s0] =	ssyncadd.s32 @!p0 s1  }
0x3a: {  	[bflag:$0x3] =	sbarrier.arrive $0xFFFF  }
0x3b: {  	_ =	shalt  }

// kernel: kernel.16.cloned.1.call-start
scs
__scs_entry_jumppad:
0x0: {  	(pc) =	sbr.rel $0x88, $3  }
0x1: {  	(tag) =	ssettag $0x0;
	lr =	simm.s32 $0x1  }
0x2: {  	[smem:$0x3F93] =	sst lr;
	_ =	strace $0xD0000000  }
0x3: {  	_ = 	snop  }
0x4: {  	_ = 	snop  }
0x5: {  	_ = 	snop  }
0x6: {  	_ = 	snop  }
0x7: {  	_ = 	snop  }
__scs_overlays_trampoline_lowered:
0x8: {  	[smem:$0x3FA2] =	sst s0  }
0x9: {  	[smem:$0x3FA3] =	sst s1  }
0xa: {  	[smem:$0x3FA4] =	sst s2  }
0xb: {  	[smem:$0x3FA5] =	sst s3  }
0xc: {  	[smem:$0x3FA6] =	sst s4  }
0xd: {  	[smem:$0x3FA7] =	sst s5  }
0xe: {  	[smem:$0x3FA8] =	sst s6  }
0xf: {  	[smem:$0x3FA9] =	sst s7  }
0x10: {  	[smem:$0x3FAA] =	sst s8  }
0x11: {  	[smem:$0x3FAB] =	sst s9;
	s0 =	simm.s32 @!p0 $0x0  }
0x12: {  	s1 =	sld [smem:$0x3F91];
	s0 =	simm.s32 @p0 $0x1  }
0x13: {  	[smem:$0x3FAC] =	sst s0;
	s0 =	simm.s32 @!p1 $0x0  }
0x14: {  	s2 =	sld [smem:$0x3F90];
	s0 =	simm.s32 @p1 $0x1  }
0x15: {  	[smem:$0x3FAD] =	sst s0;
	s0 =	simm.s32 @!p2 $0x0  }
0x16: {  	s3 =	sld [smem:$0x3FDB];
	s0 =	simm.s32 @p2 $0x1  }
0x17: {  	s4 =	simm.s32 $0x1BF5;
	[smem:$0x3FAF] =	sst s0  }
0x18: {  	s0 =	sld [smem:$0x3F92];
	_ =	swait.ge [sflag:s4], $0x0  }
0x19: {  	s7 =	sld [smem:$0x3F93]  }
0x1a: {  	s8 =	sadd.s32 $0xFFFFE003, lr  }
0x1b: {  	s9 =	sadd.s32 $0xFFFFFEF7, lr;
	s5 =	simm.s32 $0xFFFFFFFF;
	p2 =	slt.u32 s8, $0xFFFFF086  }
0x1c: {  	p1 =	slt.u32 s9, $0xF7A;
	s5 =	simm.s32 @!p2 $0x0  }
0x1d: {  	s5 =	simm.s32 @p1 $0x1;
	p0 =	seq.s32 s7, s2  }
0x1e: {  	s7 =	smul.u32 @!p0 $0xF7A, s2;
	p2 =	seq.s32 @!p0 s5, $0x0  }
0x1f: {  	s9 =	smul.u32 $0xF7A, s1;
	s8 =	simm.s32 @!p0 $0x1BF5;
	p2 =	por !p2, p0  }
0x20: {  	[sflag:s8] =	ssyncset.s32 @!p0 $0xFFFFF086;
	s6 =	sadd.s32 @!p0 s3, s7;
	s7 =	simm.s32 @!p0 $0x108  }
0x21: {  	s3 =	sadd.s32 s3, s9;
	s6 =	sadd.s32 @!p0 $0x88, s6;
	s7 =	simm.s32 @p2 $0x1082  }
0x22: {  	[simem:s7], [sflag:s8] =	dma.local @!p0 [hbm:s6], $0xF7A  }
0x23: {  	s9 =	sor.u32 $0xD0000000, s2;
	s6 =	simm.s32 $0x108;
	_ =	swait.ge @!p0 [sflag:s8], $0x0  }
0x24: {  	s3 =	sadd.s32 $0x88, s3;
	s6 =	simm.s32 @!p1 $0x1082;
	[sflag:s4] =	ssyncset.s32 $0xFFFFF086  }
0x25: {  	[simem:s6], [sflag:s4] =	dma.local [hbm:s3], $0xF7A  }
0x26: {  	[smem:$0x3F93] =	sst s1;
	(tag) =	ssettag s2;
	_ =	strace s9  }
0x27: {  	s1 =	sld [smem:$0x3FA3]  }
0x28: {  	s2 =	sld [smem:$0x3FA4]  }
0x29: {  	s4 =	sld [smem:$0x3FA6]  }
0x2a: {  	p0 =	seq.s32 s5, $0x0;
	s5 =	sld [smem:$0x3FA7]  }
0x2b: {  	s6 =	sld [smem:$0x3FA8]  }
0x2c: {  	s7 =	sld [smem:$0x3FA9]  }
0x2d: {  	s3 =	simm.s32 $0x108;
	s8 =	sld [smem:$0x3FAA]  }
0x2e: {  	s3 =	simm.s32 @!p0 $0x1082;
	s9 =	sld [smem:$0x3FAB]  }
0x2f: {  	lr =	sadd.s32 s0, s3;
	s0 =	sld [smem:$0x3FA2]  }
0x30: {  	s3 =	sld [smem:$0x3FA5]  }
0x31: {  	[smem:$0x3FAE] =	sst s10  }
0x32: {  	s10 =	sld [smem:$0x3FAC];
	_ =	sdelay $0x3  }
0x33: {  	p0 =	seq.s32 s10, $0x1;
	s10 =	sld [smem:$0x3FAE];
	_ =	sdelay $0x3  }
0x34: {  	[smem:$0x3FAE] =	sst s10  }
0x35: {  	s10 =	sld [smem:$0x3FAD];
	_ =	sdelay $0x3  }
0x36: {  	p1 =	seq.s32 s10, $0x1;
	s10 =	sld [smem:$0x3FAE];
	_ =	sdelay $0x3  }
0x37: {  	[smem:$0x3FAE] =	sst s10  }
0x38: {  	s10 =	sld [smem:$0x3FAF]  }
0x39: {  	_ = 	snop;
	(pc) =	sbr.ind lr, $3  }
0x3a: {  	_ = 	snop  }
0x3b: {  	_ = 	snop  }
0x3c: {  	p2 =	seq.s32 s10, $0x1;
	s10 =	sld [smem:$0x3FAE]  }
0x3d: {  	_ =	shalt  }
0x3e: {  	_ =	shalt  }
0x3f: {  	_ =	shalt  }
0x40: {  	_ =	shalt  }
0x41: {  	_ =	shalt  }
0x42: {  	_ =	shalt  }
0x43: {  	_ =	shalt  }
0x44: {  	_ =	shalt  }
0x45: {  	_ =	shalt  }
0x46: {  	_ =	shalt  }
0x47: {  	_ =	shalt  }
0x48: {  	_ =	shalt  }
0x49: {  	_ =	shalt  }
0x4a: {  	_ =	shalt  }
0x4b: {  	_ =	shalt  }
0x4c: {  	_ =	shalt  }
0x4d: {  	_ =	shalt  }
0x4e: {  	_ =	shalt  }
0x4f: {  	_ =	shalt  }
0x50: {  	_ =	shalt  }
0x51: {  	_ =	shalt  }
0x52: {  	_ =	shalt  }
0x53: {  	_ =	shalt  }
0x54: {  	_ =	shalt  }
0x55: {  	_ =	shalt  }
0x56: {  	_ =	shalt  }
0x57: {  	_ =	shalt  }
0x58: {  	_ =	shalt  }
0x59: {  	_ =	shalt  }
0x5a: {  	_ =	shalt  }
0x5b: {  	_ =	shalt  }
0x5c: {  	_ =	shalt  }
0x5d: {  	_ =	shalt  }
0x5e: {  	_ =	shalt  }
0x5f: {  	_ =	shalt  }
0x60: {  	_ =	shalt  }
0x61: {  	_ =	shalt  }
0x62: {  	_ =	shalt  }
0x63: {  	_ =	shalt  }
0x64: {  	_ =	shalt  }
0x65: {  	_ =	shalt  }
0x66: {  	_ =	shalt  }
0x67: {  	_ =	shalt  }
0x68: {  	_ =	shalt  }
0x69: {  	_ =	shalt  }
0x6a: {  	_ =	shalt  }
0x6b: {  	_ =	shalt  }
0x6c: {  	_ =	shalt  }
0x6d: {  	_ =	shalt  }
0x6e: {  	_ =	shalt  }
0x6f: {  	_ =	shalt  }
0x70: {  	_ =	shalt  }
0x71: {  	_ =	shalt  }
0x72: {  	_ =	shalt  }
0x73: {  	_ =	shalt  }
0x74: {  	_ =	shalt  }
0x75: {  	_ =	shalt  }
0x76: {  	_ =	shalt  }
0x77: {  	_ =	shalt  }
0x78: {  	_ =	shalt  }
0x79: {  	_ =	shalt  }
0x7a: {  	_ =	shalt  }
0x7b: {  	_ =	shalt  }
0x7c: {  	_ =	shalt  }
0x7d: {  	_ =	shalt  }
0x7e: {  	_ =	shalt  }
0x7f: {  	_ =	shalt  }
0x80: {  	_ =	shalt  }
0x81: {  	_ =	shalt  }
0x82: {  	_ =	shalt  }
0x83: {  	_ =	shalt  }
0x84: {  	_ =	shalt  }
0x85: {  	_ =	shalt  }
0x86: {  	_ =	shalt  }
0x87: {  	_ =	shalt  }
.Lfunc_end0:
.L_simem_size_0:
called_computation.1_lowered:
.L_overlay_start_0:
0x88: {  	s2 =	sld [smem:$0x3FD9]  }
0x89: {  	s3 =	sld [smem:$0x3FFE];
	_ =	sdelay $0x1  }
0x8a: {  	s1 =	srdreg.scid  }
0x8b: {  	s0 =	sand.u32 $0x1, s1  }
0x8c: {  	s16 =	sshll.u32 s0, $0xA;
	s2 =	sadd.s32 s3, s2  }
0x8d: {  	s2 =	sadd.s32 s2, s16  }
0x8e: {  	[smem:$0x3FBA] =	sst s2  }
0x8f: {  	_ = 	snop  }
0x90: {  	(tm) =	ssettm $0x1  }
0x91: {  	s17 =	sld [smem:$0x3FFB];
	_ =	sdelay $0x3  }
0x92: {  	_ =	strace s17  }
0x93: {  	s2 =	sld [smem:$0x3FFC];
	_ =	sdelay $0x3  }
0x94: {  	_ =	strace s2  }
0x95: {  	s2 =	sld [smem:$0x3FFD];
	_ =	sdelay $0x3  }
0x96: {  	_ =	strace s2  }
0x97: {  	_ =	strace $0x8FFFFFFF  }
0x98: {  	s18 =	sld [smem:$0x3FDB];
	_ =	sdelay $0x1  }
0x99: {  	s19 =	simm.s32 $_scs_section_size  }
0x9a: {  	s4 =	simm.s32 $_size__tile_overlayer_lowered;
	s5 =	simm.s32 $_tile_overlayer_lowered  }
0x9b: {  	s22 =	simm.s32 $0x1BFF;
	s21 =	sshll.u32 s5, $0x1;
	s2 =	sadd.s32 s19, s18  }
0x9c: {  	s6 =	simm.s32 $0x0;
	s20 =	sshll.u32 s4, $0x1;
	s4 =	sadd.s32 s21, s2  }
0x9d: {  	[timem:s6], [sflag:s22] =	dma.local [hbm:s4], s20  }
0x9e: {  	_ =	swait.ge [sflag:s22], s20  }
0x9f: {  	s3 =	ssub.s32 $0x0, s20;
	[sflag:s22] =	ssyncset.done $0x0  }
0xa0: {  	[sflag:s22] =	ssyncadd.s32 s3;
	_ =	sdelay $0x1  }
0xa1: {  	s23 =	simm.s32 $0x1B8B  }
0xa2: {  	_ =	swait.ge [sflag:s23], $0x1  }
0xa3: {  	[sflag:s23] =	ssyncset.done $0x0  }
0xa4: {  	s25 =	simm.s32 $0x1B8E;
	s24 =	sld [smem:$0x3FFE];
	[sflag:s23] =	ssyncadd.s32 $0xFFFFFFFF  }
0xa5: {  	s26 =	simm.s32 $execute0_lowered;
	[smem:$0x3FD2] =	sst s25  }
0xa6: {  	s4 =	sshll.u32 s26, $0x1;
	_ =	strace $0x80000049;
	[dreg:$0x1] =	wrdreg $0xFFFFFFFF  }
0xa7: {  	s28 =	simm.s32 $_size_execute0_lowered;
	s2 =	sadd.s32 s2, s4;
	[dreg:$0x0] =	wrdreg $0x0  }
0xa8: {  	s4 =	sshll.u32 s28, $0x1;
	[dreg:$0x2] =	wrdreg s2  }
0xa9: {  	[dreg:$0x3] =	wrdreg s4  }
0xaa: {  	[dreg:$0x4] =	wrdreg $0xC0  }
0xab: {  	_ =	task [dreg:s6], $0x5FFFF  }
0xac: {  	[dreg:$0x1] =	wrdreg $0xFFFFFFFF  }
0xad: {  	[dreg:$0x0] =	wrdreg $0x60  }
0xae: {  	[dreg:$0x2] =	wrdreg s24  }
0xaf: {  	[dreg:$0x3] =	wrdreg $0xA8000  }
0xb0: {  	[dreg:$0x4] =	wrdreg $0x9  }
0xb1: {  	_ =	task.clear_ibuf [dreg:s6], $0x5FFFF;
	_ =	strace $0x90000049  }
0xb2: {  	s29 =	simm.s32 $0x9;
	_ =	strace $0x8000004B  }
0xb3: {  	_ =	swait.ge [sflag:s29], $0x1  }
0xb4: {  	[sflag:s29] =	ssyncadd.s32 $0xFFFFFFFF  }
0xb5: {  	_ =	strace $0x9000004B  }
0xb6: {  	_ =	sfence  }
0xb7: {  	s30 =	sld [smem:$0x0];
	_ =	sdelay $0x2  }
0xb8: {  	s31 =	sshll.u32 s1, $0xD;
	s1 =	sshrl.u32 s1, $0x2  }
0xb9: {  	s3 =	sand.u32 $0x4000, s31;
	s1 =	sadd.s32 s1, s30  }
0xba: {  	s0 =	sor.u32 s3, s0;
	s1 =	sshll.u32 s1, $0x11  }
0xbb: {  	s0 =	sor.u32 s1, s0  }
0xbc: {  	s0 =	sadd.s32 $0x8F2B, s0  }
0xbd: {  	[sflag:s0] =	ssyncadd.remote.s32 $0x1  }
0xbe: {  	_ =	sfence.sel $0xFFFF  }
0xbf: {  	[dreg:$0x0] =	wrdreg $0xFFFFFFFF;
	(pc) =	sbr.abs _section_cstart, $3  }
0xc0: {  	[dreg:$0x1] =	wrdreg $0xFFFFFFFF  }
0xc1: {  	_ =	task.clear_ibuf [dreg:s6], $0x2FFFF;
	_ =	strace $0x9FFFFFFF  }
0xc2: {  	(tm) =	ssettm $0x7FFFFFFF  }
0xc3: {  	_ =	shalt  }
tec
execute0_lowered:
.L_overlay_start_1:
0x0: {  	(tag) =	ssettag $0x1  }
0x1: {  	s6 =	rddreg [dreg:$0x0]  }
0x2: {  	s1 =	rddreg [dreg:$0x1]  }
0x3: {  	s2 =	srdreg.scid;
	s0 =	rddreg [dreg:$0x2]  }
0x4: {  	s3 =	simm.s32 $0x0;
	s15 =	simm.s32 $0x1400;
	s16 =	simm.s32 $0x80  }
0x5: {  	s17 =	simm.s32 $0x2800;
	s18 =	simm.s32 $0x1;
	s19 =	simm.s32 $0x6800  }
0x6: {  	s20 =	simm.s32 $0x2;
	s21 =	simm.s32 $0x1380;
	s22 =	simm.s32 $0x2700  }
0x7: {  	s5 =	sand.u32 $0x1, s2;
	s2 =	stileid.u32;
	[smem:$0x7FF] =	sst s3  }
0x8: {  	s4 =	sadd.s32 $0x1C000, s6;
	s9 =	sadd.s32 $0xF800, s6;
	s7 =	smul.u32 $0x140000, s5  }
0x9: {  	s10 =	sadd.s32 $0x5800, s6;
	s8 =	smul.u32 $0x14000, s2;
	_ =	strace $0x8000004A  }
0xa: {  	s23 =	sshll.u32 s5, $0x4;
	s11 =	ssub.s32 $0x2, s5;
	s25 =	smul.u32 $0x50000, s2  }
0xb: {  	s5 =	sadd.s32 $0x19800, s6;
	s28 =	sshll.u32 s2, $0x6;
	s24 =	sor.u32 s2, s23  }
0xc: {  	s12 =	sshrl.u32 s11, $0x1;
	s23 =	simm.s32 $0x2780;
	s7 =	sadd.s32 s8, s7  }
0xd: {  	s13 =	smul.u32 $0x2800, s24;
	s12 =	ssub.s32 s11, s12;
	s26 =	sshrl.u32 s25, $0x2  }
0xe: {  	s24 =	simm.s32 $0x0;
	s7 =	sshrl.u32 s7, $0x3;
	s30 =	sadd.s32 s26, s1  }
0xf: {  	s12 =	smax.u32 s12, $0x1;
	s14 =	sadd.s32 s7, s6;
	s29 =	sshrl.u32 s13, $0x3  }
0x10: {  	s6 =	sor.u32 $0x1C03, s28;
	s13 =	sshrl.u32 s30, $0x3;
	s31 =	sadd.s32 $0x280, s29  }
0x11: {  	s7 =	sadd.s32 s9, s29;
	s8 =	sadd.s32 s10, s29;
	s11 =	sadd.s32 $0x94000, s14  }
0x12: {  	s14 =	simm.s32 $0x3;
	s9 =	sadd.s32 s9, s31;
	s10 =	sadd.s32 s10, s31  }
.LBB2_1:
0x13: {  	[spmem:s13], [sflag:s6] =	dma.local [hbm:s5], $0x2800  }
0x14: {  	_ =	swait.ge [sflag:s14], $0x2800  }
0x15: {  	[sflag:s14] =	ssyncset.done $0x0  }
0x16: {  	[sflag:s14] =	ssyncadd.s32 $0xFFFFD800  }
0x17: {  	[bflag:$0x0] =	sbarrier.arrive $0xFFFF  }
0x18: {  	[tilespmem:s3], [sflag:$0x3] =	stream.linear.gather [hbm4b:s7+s3], $0x1400, $0x38;
	[tilespmem:$0x1E800] =	vst v63  }
0x19: {  	_ =	swait.ge [sflag:s14], $0x1400  }
0x1a: {  	[sflag:s14] =	ssyncset.done $0x0  }
0x1b: {  	[sflag:s14] =	ssyncadd.s32 $0xFFFFEC00  }
0x1c: {  	[tilespmem:s15], [sflag:$0x3] =	stream.linear.gather [hbm4b:s8+s3], $0x1400, $0x38;
	[tilespmem:$0x1E800] =	vst v63  }
0x1d: {  	_ =	swait.ge [sflag:s14], $0x1400  }
0x1e: {  	[sflag:s14] =	ssyncset.done $0x0  }
0x1f: {  	[sflag:s14] =	ssyncadd.s32 $0xFFFFEC00  }
0x20: {  	[tilespmem:s17], [sflag:$0x1] =	stream.indirect.gather [hbm4b:s4+s16], $0x80, s3, s16, $0xb8;
	[tilespmem:$0x1E800] =	vst v63  }
0x21: {  	_ =	swait.ge [sflag:s18], $0x4000  }
0x22: {  	[sflag:s18] =	ssyncset.done $0x0  }
0x23: {  	s25 =	simm.s32 $0x80;
	[sflag:s18] =	ssyncadd.s32 $0xFFFFC000  }
0x24: {  	[tilespmem:s19], [sflag:$0x2] =	stream.indirect.gather [hbm4b:s4+s16], $0x80, s25, s16, $0xb8;
	[tilespmem:$0x1E800] =	vst v63  }
0x25: {  	s29 =	simm.s32 $0x1400  }
0x26: {  	[spmem:s1] =	stream.indirect.scatter.add.f32 [tilespmem:s17], [sflag:$0x3], $0x80, s29, s16, $0xb8;
	[tilespmem:$0x1E800] =	vst v63  }
0x27: {  	_ =	swait.ge [sflag:s14], $0x4000  }
0x28: {  	[sflag:s14] =	ssyncset.done $0x0  }
0x29: {  	[sflag:s14] =	ssyncadd.s32 $0xFFFFC000  }
0x2a: {  	_ =	swait.ge [sflag:s20], $0x4000  }
0x2b: {  	[sflag:s20] =	ssyncset.done $0x0  }
0x2c: {  	s30 =	simm.s32 $0x100;
	[sflag:s20] =	ssyncadd.s32 $0xFFFFC000  }
0x2d: {  	[tilespmem:s17], [sflag:$0x1] =	stream.indirect.gather [hbm4b:s4+s16], $0x80, s30, s16, $0xb8;
	[tilespmem:$0x1E800] =	vst v63  }
0x2e: {  	s31 =	simm.s32 $0x1480  }
0x2f: {  	[spmem:s1] =	stream.indirect.scatter.add.f32 [tilespmem:s19], [sflag:$0x3], $0x80, s31, s16, $0xb8;
	[tilespmem:$0x1E800] =	vst v63  }
0x30: {  	_ =	swait.ge [sflag:s14], $0x4000  }
0x31: {  	s25 =	simm.s32 $0x400;
	[sflag:s14] =	ssyncset.done $0x0  }
.LBB2_2:
0x32: {  	p0 =	sne.s32 s25, $0x4800  }
0x33: {  	[sflag:s14] =	ssyncadd.s32 $0xFFFFC000;
	s26 =	smov.u32 s25;
	s25 =	sadd.s32 $0x400, s25  }
0x34: {  	_ = 	snop  }
0x35: {  	_ =	swait.ge [sflag:s18], $0x4000  }
0x36: {  	s26 =	sshra.s32 s26, $0x2;
	[sflag:s18] =	ssyncset.done $0x0  }
0x37: {  	s28 =	sadd.s32 $0x80, s26;
	[sflag:s18] =	ssyncadd.s32 $0xFFFFC000  }
0x38: {  	[tilespmem:s19], [sflag:$0x2] =	stream.indirect.gather [hbm4b:s4+s16], $0x80, s28, s16, $0xb8;
	[tilespmem:$0x1E800] =	vst v63  }
0x39: {  	s28 =	sadd.s32 $0x1400, s26  }
0x3a: {  	[spmem:s1] =	stream.indirect.scatter.add.f32 [tilespmem:s17], [sflag:$0x3], $0x80, s28, s16, $0xb8;
	[tilespmem:$0x1E800] =	vst v63  }
0x3b: {  	_ =	swait.ge [sflag:s14], $0x4000  }
0x3c: {  	[sflag:s14] =	ssyncset.done $0x0  }
0x3d: {  	[sflag:s14] =	ssyncadd.s32 $0xFFFFC000  }
0x3e: {  	_ =	swait.ge [sflag:s20], $0x4000  }
0x3f: {  	[sflag:s20] =	ssyncset.done $0x0  }
0x40: {  	s28 =	sadd.s32 $0x100, s26;
	[sflag:s20] =	ssyncadd.s32 $0xFFFFC000  }
0x41: {  	[tilespmem:s17], [sflag:$0x1] =	stream.indirect.gather [hbm4b:s4+s16], $0x80, s28, s16, $0xb8;
	[tilespmem:$0x1E800] =	vst v63  }
.Ltmp0:
0x42: {  	_ = 	snop;
	(pc) =	sbr.rel @p0 .LBB2_2-.Ltmp0, $4  }
0x43: {  	s26 =	sadd.s32 $0x1480, s26  }
0x44: {  	[spmem:s1] =	stream.indirect.scatter.add.f32 [tilespmem:s19], [sflag:$0x3], $0x80, s26, s16, $0xb8;
	[tilespmem:$0x1E800] =	vst v63  }
0x45: {  	_ =	swait.ge [sflag:s14], $0x4000  }
0x46: {  	[sflag:s14] =	ssyncset.done $0x0  }
0x47: {  	[sflag:s14] =	ssyncadd.s32 $0xFFFFC000  }
0x48: {  	_ =	swait.ge [sflag:s18], $0x4000  }
0x49: {  	[sflag:s18] =	ssyncset.done $0x0  }
0x4a: {  	[sflag:s18] =	ssyncadd.s32 $0xFFFFC000  }
0x4b: {  	[tilespmem:s19], [sflag:$0x2] =	stream.indirect.gather [hbm4b:s4+s16], $0x80, s21, s16, $0xb8;
	[tilespmem:$0x1E800] =	vst v63  }
0x4c: {  	_ = 	snop  }
0x4d: {  	[spmem:s1] =	stream.indirect.scatter.add.f32 [tilespmem:s17], [sflag:$0x3], $0x80, s22, s16, $0xb8;
	[tilespmem:$0x1E800] =	vst v63  }
0x4e: {  	_ =	swait.ge [sflag:s14], $0x4000  }
0x4f: {  	[sflag:s14] =	ssyncset.done $0x0  }
0x50: {  	[sflag:s14] =	ssyncadd.s32 $0xFFFFC000  }
0x51: {  	_ =	swait.ge [sflag:s20], $0x4000  }
0x52: {  	[sflag:s20] =	ssyncset.done $0x0  }
0x53: {  	[sflag:s20] =	ssyncadd.s32 $0xFFFFC000  }
0x54: {  	[spmem:s1] =	stream.indirect.scatter.add.f32 [tilespmem:s19], [sflag:$0x3], $0x80, s23, s16, $0xb8;
	[tilespmem:$0x1E800] =	vst v63  }
0x55: {  	_ =	swait.ge [sflag:s14], $0x4000  }
0x56: {  	[sflag:s14] =	ssyncset.done $0x0  }
0x57: {  	s25 =	simm.s32 $0x0;
	[sflag:s14] =	ssyncadd.s32 $0xFFFFC000  }
0x58: {  	[tilespmem:s25], [sflag:$0x3] =	stream.linear.gather [hbm4b:s9+s25], $0x1400, $0x38;
	[tilespmem:$0x1E800] =	vst v63  }
0x59: {  	_ =	swait.ge [sflag:s14], $0x1400  }
0x5a: {  	[sflag:s14] =	ssyncset.done $0x0  }
0x5b: {  	[sflag:s14] =	ssyncadd.s32 $0xFFFFEC00  }
0x5c: {  	[tilespmem:s15], [sflag:$0x3] =	stream.linear.gather [hbm4b:s10+s25], $0x1400, $0x38;
	[tilespmem:$0x1E800] =	vst v63  }
0x5d: {  	_ =	swait.ge [sflag:s14], $0x1400  }
0x5e: {  	[sflag:s14] =	ssyncset.done $0x0  }
0x5f: {  	[sflag:s14] =	ssyncadd.s32 $0xFFFFEC00  }
0x60: {  	[tilespmem:s17], [sflag:$0x1] =	stream.indirect.gather [hbm4b:s4+s16], $0x80, s25, s16, $0xb8;
	[tilespmem:$0x1E800] =	vst v63  }
0x61: {  	_ =	swait.ge [sflag:s18], $0x4000  }
0x62: {  	[sflag:s18] =	ssyncset.done $0x0  }
0x63: {  	s28 =	simm.s32 $0x80;
	[sflag:s18] =	ssyncadd.s32 $0xFFFFC000  }
0x64: {  	[tilespmem:s19], [sflag:$0x2] =	stream.indirect.gather [hbm4b:s4+s16], $0x80, s28, s16, $0xb8;
	[tilespmem:$0x1E800] =	vst v63  }
0x65: {  	s29 =	simm.s32 $0x1400  }
0x66: {  	[spmem:s1] =	stream.indirect.scatter.add.f32 [tilespmem:s17], [sflag:$0x3], $0x80, s29, s16, $0xb8;
	[tilespmem:$0x1E800] =	vst v63  }
0x67: {  	_ =	swait.ge [sflag:s14], $0x4000  }
0x68: {  	[sflag:s14] =	ssyncset.done $0x0  }
0x69: {  	[sflag:s14] =	ssyncadd.s32 $0xFFFFC000  }
0x6a: {  	_ =	swait.ge [sflag:s20], $0x4000  }
0x6b: {  	[sflag:s20] =	ssyncset.done $0x0  }
0x6c: {  	s30 =	simm.s32 $0x100;
	[sflag:s20] =	ssyncadd.s32 $0xFFFFC000  }
0x6d: {  	[tilespmem:s17], [sflag:$0x1] =	stream.indirect.gather [hbm4b:s4+s16], $0x80, s30, s16, $0xb8;
	[tilespmem:$0x1E800] =	vst v63  }
0x6e: {  	s31 =	simm.s32 $0x1480  }
0x6f: {  	[spmem:s1] =	stream.indirect.scatter.add.f32 [tilespmem:s19], [sflag:$0x3], $0x80, s31, s16, $0xb8;
	[tilespmem:$0x1E800] =	vst v63  }
0x70: {  	_ =	swait.ge [sflag:s14], $0x4000  }
0x71: {  	s25 =	simm.s32 $0x400;
	[sflag:s14] =	ssyncset.done $0x0  }
.LBB2_4:
0x72: {  	p0 =	sne.s32 s25, $0x4800  }
0x73: {  	[sflag:s14] =	ssyncadd.s32 $0xFFFFC000;
	s26 =	smov.u32 s25;
	s25 =	sadd.s32 $0x400, s25  }
0x74: {  	_ = 	snop  }
0x75: {  	_ =	swait.ge [sflag:s18], $0x4000  }
0x76: {  	s26 =	sshra.s32 s26, $0x2;
	[sflag:s18] =	ssyncset.done $0x0  }
0x77: {  	s28 =	sadd.s32 $0x80, s26;
	[sflag:s18] =	ssyncadd.s32 $0xFFFFC000  }
0x78: {  	[tilespmem:s19], [sflag:$0x2] =	stream.indirect.gather [hbm4b:s4+s16], $0x80, s28, s16, $0xb8;
	[tilespmem:$0x1E800] =	vst v63  }
0x79: {  	s28 =	sadd.s32 $0x1400, s26  }
0x7a: {  	[spmem:s1] =	stream.indirect.scatter.add.f32 [tilespmem:s17], [sflag:$0x3], $0x80, s28, s16, $0xb8;
	[tilespmem:$0x1E800] =	vst v63  }
0x7b: {  	_ =	swait.ge [sflag:s14], $0x4000  }
0x7c: {  	[sflag:s14] =	ssyncset.done $0x0  }
0x7d: {  	[sflag:s14] =	ssyncadd.s32 $0xFFFFC000  }
0x7e: {  	_ =	swait.ge [sflag:s20], $0x4000  }
0x7f: {  	[sflag:s20] =	ssyncset.done $0x0  }
0x80: {  	s28 =	sadd.s32 $0x100, s26;
	[sflag:s20] =	ssyncadd.s32 $0xFFFFC000  }
0x81: {  	[tilespmem:s17], [sflag:$0x1] =	stream.indirect.gather [hbm4b:s4+s16], $0x80, s28, s16, $0xb8;
	[tilespmem:$0x1E800] =	vst v63  }
.Ltmp1:
0x82: {  	_ = 	snop;
	(pc) =	sbr.rel @p0 .LBB2_4-.Ltmp1, $4  }
0x83: {  	s26 =	sadd.s32 $0x1480, s26  }
0x84: {  	[spmem:s1] =	stream.indirect.scatter.add.f32 [tilespmem:s19], [sflag:$0x3], $0x80, s26, s16, $0xb8;
	[tilespmem:$0x1E800] =	vst v63  }
0x85: {  	_ =	swait.ge [sflag:s14], $0x4000  }
0x86: {  	[sflag:s14] =	ssyncset.done $0x0  }
0x87: {  	[sflag:s14] =	ssyncadd.s32 $0xFFFFC000  }
0x88: {  	_ =	swait.ge [sflag:s18], $0x4000  }
0x89: {  	[sflag:s18] =	ssyncset.done $0x0  }
0x8a: {  	[sflag:s18] =	ssyncadd.s32 $0xFFFFC000  }
0x8b: {  	[tilespmem:s19], [sflag:$0x2] =	stream.indirect.gather [hbm4b:s4+s16], $0x80, s21, s16, $0xb8;
	[tilespmem:$0x1E800] =	vst v63  }
0x8c: {  	_ = 	snop  }
0x8d: {  	[spmem:s1] =	stream.indirect.scatter.add.f32 [tilespmem:s17], [sflag:$0x3], $0x80, s22, s16, $0xb8;
	[tilespmem:$0x1E800] =	vst v63  }
0x8e: {  	_ =	swait.ge [sflag:s14], $0x4000  }
0x8f: {  	[sflag:s14] =	ssyncset.done $0x0  }
0x90: {  	[sflag:s14] =	ssyncadd.s32 $0xFFFFC000  }
0x91: {  	_ =	swait.ge [sflag:s20], $0x4000  }
0x92: {  	[sflag:s20] =	ssyncset.done $0x0  }
0x93: {  	[sflag:s20] =	ssyncadd.s32 $0xFFFFC000  }
0x94: {  	[spmem:s1] =	stream.indirect.scatter.add.f32 [tilespmem:s19], [sflag:$0x3], $0x80, s23, s16, $0xb8;
	[tilespmem:$0x1E800] =	vst v63  }
0x95: {  	_ =	swait.ge [sflag:s14], $0x4000  }
0x96: {  	s24 =	sadd.s32 $0x1, s24;
	[sflag:s14] =	ssyncset.done $0x0  }
0x97: {  	p0 =	sne.s32 s24, s12;
	[sflag:s14] =	ssyncadd.s32 $0xFFFFC000  }
.Ltmp2:
0x98: {  	[bflag:$0x0] =	sbarrier.arrive $0xFFFF;
	(pc) =	sbr.rel @p0 .LBB2_1-.Ltmp2, $4  }
0x99: {  	[hbm:s11], [sflag:s6] =	dma.local [spmem:s13], $0x2800  }
0x9a: {  	_ =	swait.ge [sflag:s14], $0x2800  }
0x9b: {  	[sflag:s14] =	ssyncset.done $0x0  }
0x9c: {  	[sflag:s14] =	ssyncadd.s32 $0xFFFFD800  }
0x9d: {  	_ =	sfence.sel $0x180000  }
0x9e: {  	[bflag:$0x0] =	sbarrier.arrive $0xFFFF  }
0x9f: {  	p0 =	sne.s32 s2, $0x0;
	_ =	strace $0x9000004A  }
0xa0: {  	s0 =	sadd.s32 @!p0 $0x100000, s0;
	[bflag:$0x2] =	sbarrier.arrive $0xFFFF  }
0xa1: {  	[sflag:s0] =	ssyncadd.tile.s32 @!p0 $0x1;
	_ =	shalt  }
.Lfunc_end2:
_tile_overlayer_lowered:
.L_overlay_start_2:
0xa2: {  	(tag) =	ssettag $0x2  }
0xa3: {  	s0 =	rddreg [dreg:$0x0];
	s2 =	stileid.u32  }
0xa4: {  	s1 =	rddreg [dreg:$0x1];
	p0 =	sne.s32 s2, $0x0  }
0xa5: {  	s3 =	rddreg [dreg:$0x2];
	[bflag:$0x3] =	sbarrier.arrive $0xFFFF;
	s2 =	simm.s32 @!p0 $0x1C03  }
0xa6: {  	[timem:s3], [sflag:s2] =	dma.local @!p0 [hbm:s0], s1  }
0xa7: {  	s0 =	simm.s32 @!p0 $0x3  }
0xa8: {  	_ =	swait.ge @!p0 [sflag:s0], s1  }
0xa9: {  	s1 =	ssub.s32 @!p0 $0x0, s1;
	[sflag:s0] =	ssyncset.done @!p0 $0x0  }
0xaa: {  	[sflag:s0] =	ssyncadd.s32 @!p0 s1  }
0xab: {  	[bflag:$0x3] =	sbarrier.arrive $0xFFFF  }
0xac: {  	_ =	shalt  }

// kernel: kernel.19.cloned.1.call-start
scs
__scs_entry_jumppad:
0x0: {  	(pc) =	sbr.rel $0x88, $3  }
0x1: {  	(tag) =	ssettag $0x0;
	lr =	simm.s32 $0x1  }
0x2: {  	[smem:$0x3F93] =	sst lr;
	_ =	strace $0xD0000000  }
0x3: {  	_ = 	snop  }
0x4: {  	_ = 	snop  }
0x5: {  	_ = 	snop  }
0x6: {  	_ = 	snop  }
0x7: {  	_ = 	snop  }
__scs_overlays_trampoline_lowered:
0x8: {  	[smem:$0x3FA2] =	sst s0  }
0x9: {  	[smem:$0x3FA3] =	sst s1  }
0xa: {  	[smem:$0x3FA4] =	sst s2  }
0xb: {  	[smem:$0x3FA5] =	sst s3  }
0xc: {  	[smem:$0x3FA6] =	sst s4  }
0xd: {  	[smem:$0x3FA7] =	sst s5  }
0xe: {  	[smem:$0x3FA8] =	sst s6  }
0xf: {  	[smem:$0x3FA9] =	sst s7  }
0x10: {  	[smem:$0x3FAA] =	sst s8  }
0x11: {  	[smem:$0x3FAB] =	sst s9;
	s0 =	simm.s32 @!p0 $0x0  }
0x12: {  	s1 =	sld [smem:$0x3F91];
	s0 =	simm.s32 @p0 $0x1  }
0x13: {  	[smem:$0x3FAC] =	sst s0;
	s0 =	simm.s32 @!p1 $0x0  }
0x14: {  	s2 =	sld [smem:$0x3F90];
	s0 =	simm.s32 @p1 $0x1  }
0x15: {  	[smem:$0x3FAD] =	sst s0;
	s0 =	simm.s32 @!p2 $0x0  }
0x16: {  	s3 =	sld [smem:$0x3FDB];
	s0 =	simm.s32 @p2 $0x1  }
0x17: {  	s4 =	simm.s32 $0x1BF5;
	[smem:$0x3FAF] =	sst s0  }
0x18: {  	s0 =	sld [smem:$0x3F92];
	_ =	swait.ge [sflag:s4], $0x0  }
0x19: {  	s7 =	sld [smem:$0x3F93]  }
0x1a: {  	s8 =	sadd.s32 $0xFFFFE003, lr  }
0x1b: {  	s9 =	sadd.s32 $0xFFFFFEF7, lr;
	s5 =	simm.s32 $0xFFFFFFFF;
	p2 =	slt.u32 s8, $0xFFFFF086  }
0x1c: {  	p1 =	slt.u32 s9, $0xF7A;
	s5 =	simm.s32 @!p2 $0x0  }
0x1d: {  	s5 =	simm.s32 @p1 $0x1;
	p0 =	seq.s32 s7, s2  }
0x1e: {  	s7 =	smul.u32 @!p0 $0xF7A, s2;
	p2 =	seq.s32 @!p0 s5, $0x0  }
0x1f: {  	s9 =	smul.u32 $0xF7A, s1;
	s8 =	simm.s32 @!p0 $0x1BF5;
	p2 =	por !p2, p0  }
0x20: {  	[sflag:s8] =	ssyncset.s32 @!p0 $0xFFFFF086;
	s6 =	sadd.s32 @!p0 s3, s7;
	s7 =	simm.s32 @!p0 $0x108  }
0x21: {  	s3 =	sadd.s32 s3, s9;
	s6 =	sadd.s32 @!p0 $0x88, s6;
	s7 =	simm.s32 @p2 $0x1082  }
0x22: {  	[simem:s7], [sflag:s8] =	dma.local @!p0 [hbm:s6], $0xF7A  }
0x23: {  	s9 =	sor.u32 $0xD0000000, s2;
	s6 =	simm.s32 $0x108;
	_ =	swait.ge @!p0 [sflag:s8], $0x0  }
0x24: {  	s3 =	sadd.s32 $0x88, s3;
	s6 =	simm.s32 @!p1 $0x1082;
	[sflag:s4] =	ssyncset.s32 $0xFFFFF086  }
0x25: {  	[simem:s6], [sflag:s4] =	dma.local [hbm:s3], $0xF7A  }
0x26: {  	[smem:$0x3F93] =	sst s1;
	(tag) =	ssettag s2;
	_ =	strace s9  }
0x27: {  	s1 =	sld [smem:$0x3FA3]  }
0x28: {  	s2 =	sld [smem:$0x3FA4]  }
0x29: {  	s4 =	sld [smem:$0x3FA6]  }
0x2a: {  	p0 =	seq.s32 s5, $0x0;
	s5 =	sld [smem:$0x3FA7]  }
0x2b: {  	s6 =	sld [smem:$0x3FA8]  }
0x2c: {  	s7 =	sld [smem:$0x3FA9]  }
0x2d: {  	s3 =	simm.s32 $0x108;
	s8 =	sld [smem:$0x3FAA]  }
0x2e: {  	s3 =	simm.s32 @!p0 $0x1082;
	s9 =	sld [smem:$0x3FAB]  }
0x2f: {  	lr =	sadd.s32 s0, s3;
	s0 =	sld [smem:$0x3FA2]  }
0x30: {  	s3 =	sld [smem:$0x3FA5]  }
0x31: {  	[smem:$0x3FAE] =	sst s10  }
0x32: {  	s10 =	sld [smem:$0x3FAC];
	_ =	sdelay $0x3  }
0x33: {  	p0 =	seq.s32 s10, $0x1;
	s10 =	sld [smem:$0x3FAE];
	_ =	sdelay $0x3  }
0x34: {  	[smem:$0x3FAE] =	sst s10  }
0x35: {  	s10 =	sld [smem:$0x3FAD];
	_ =	sdelay $0x3  }
0x36: {  	p1 =	seq.s32 s10, $0x1;
	s10 =	sld [smem:$0x3FAE];
	_ =	sdelay $0x3  }
0x37: {  	[smem:$0x3FAE] =	sst s10  }
0x38: {  	s10 =	sld [smem:$0x3FAF]  }
0x39: {  	_ = 	snop;
	(pc) =	sbr.ind lr, $3  }
0x3a: {  	_ = 	snop  }
0x3b: {  	_ = 	snop  }
0x3c: {  	p2 =	seq.s32 s10, $0x1;
	s10 =	sld [smem:$0x3FAE]  }
0x3d: {  	_ =	shalt  }
0x3e: {  	_ =	shalt  }
0x3f: {  	_ =	shalt  }
0x40: {  	_ =	shalt  }
0x41: {  	_ =	shalt  }
0x42: {  	_ =	shalt  }
0x43: {  	_ =	shalt  }
0x44: {  	_ =	shalt  }
0x45: {  	_ =	shalt  }
0x46: {  	_ =	shalt  }
0x47: {  	_ =	shalt  }
0x48: {  	_ =	shalt  }
0x49: {  	_ =	shalt  }
0x4a: {  	_ =	shalt  }
0x4b: {  	_ =	shalt  }
0x4c: {  	_ =	shalt  }
0x4d: {  	_ =	shalt  }
0x4e: {  	_ =	shalt  }
0x4f: {  	_ =	shalt  }
0x50: {  	_ =	shalt  }
0x51: {  	_ =	shalt  }
0x52: {  	_ =	shalt  }
0x53: {  	_ =	shalt  }
0x54: {  	_ =	shalt  }
0x55: {  	_ =	shalt  }
0x56: {  	_ =	shalt  }
0x57: {  	_ =	shalt  }
0x58: {  	_ =	shalt  }
0x59: {  	_ =	shalt  }
0x5a: {  	_ =	shalt  }
0x5b: {  	_ =	shalt  }
0x5c: {  	_ =	shalt  }
0x5d: {  	_ =	shalt  }
0x5e: {  	_ =	shalt  }
0x5f: {  	_ =	shalt  }
0x60: {  	_ =	shalt  }
0x61: {  	_ =	shalt  }
0x62: {  	_ =	shalt  }
0x63: {  	_ =	shalt  }
0x64: {  	_ =	shalt  }
0x65: {  	_ =	shalt  }
0x66: {  	_ =	shalt  }
0x67: {  	_ =	shalt  }
0x68: {  	_ =	shalt  }
0x69: {  	_ =	shalt  }
0x6a: {  	_ =	shalt  }
0x6b: {  	_ =	shalt  }
0x6c: {  	_ =	shalt  }
0x6d: {  	_ =	shalt  }
0x6e: {  	_ =	shalt  }
0x6f: {  	_ =	shalt  }
0x70: {  	_ =	shalt  }
0x71: {  	_ =	shalt  }
0x72: {  	_ =	shalt  }
0x73: {  	_ =	shalt  }
0x74: {  	_ =	shalt  }
0x75: {  	_ =	shalt  }
0x76: {  	_ =	shalt  }
0x77: {  	_ =	shalt  }
0x78: {  	_ =	shalt  }
0x79: {  	_ =	shalt  }
0x7a: {  	_ =	shalt  }
0x7b: {  	_ =	shalt  }
0x7c: {  	_ =	shalt  }
0x7d: {  	_ =	shalt  }
0x7e: {  	_ =	shalt  }
0x7f: {  	_ =	shalt  }
0x80: {  	_ =	shalt  }
0x81: {  	_ =	shalt  }
0x82: {  	_ =	shalt  }
0x83: {  	_ =	shalt  }
0x84: {  	_ =	shalt  }
0x85: {  	_ =	shalt  }
0x86: {  	_ =	shalt  }
0x87: {  	_ =	shalt  }
.Lfunc_end0:
.L_simem_size_0:
called_computation.2_lowered:
.L_overlay_start_0:
0x88: {  	s2 =	sld [smem:$0x3FD9]  }
0x89: {  	s3 =	sld [smem:$0x3FFE];
	_ =	sdelay $0x1  }
0x8a: {  	s1 =	srdreg.scid  }
0x8b: {  	s0 =	sand.u32 $0x1, s1  }
0x8c: {  	s16 =	sshll.u32 s0, $0xA;
	s2 =	sadd.s32 s3, s2  }
0x8d: {  	s2 =	sadd.s32 s2, s16  }
0x8e: {  	[smem:$0x3FBA] =	sst s2  }
0x8f: {  	_ = 	snop  }
0x90: {  	(tm) =	ssettm $0x1  }
0x91: {  	s17 =	sld [smem:$0x3FFB];
	_ =	sdelay $0x3  }
0x92: {  	_ =	strace s17  }
0x93: {  	s2 =	sld [smem:$0x3FFC];
	_ =	sdelay $0x3  }
0x94: {  	_ =	strace s2  }
0x95: {  	s2 =	sld [smem:$0x3FFD];
	_ =	sdelay $0x3  }
0x96: {  	_ =	strace s2  }
0x97: {  	_ =	strace $0x8FFFFFFF  }
0x98: {  	s18 =	sld [smem:$0x3FDB];
	_ =	sdelay $0x1  }
0x99: {  	s19 =	simm.s32 $_scs_section_size  }
0x9a: {  	s4 =	simm.s32 $_size__tile_overlayer_lowered;
	s5 =	simm.s32 $_tile_overlayer_lowered  }
0x9b: {  	s22 =	simm.s32 $0x1BFF;
	s21 =	sshll.u32 s5, $0x1;
	s2 =	sadd.s32 s19, s18  }
0x9c: {  	s6 =	simm.s32 $0x0;
	s20 =	sshll.u32 s4, $0x1;
	s4 =	sadd.s32 s21, s2  }
0x9d: {  	[timem:s6], [sflag:s22] =	dma.local [hbm:s4], s20  }
0x9e: {  	_ =	swait.ge [sflag:s22], s20  }
0x9f: {  	s3 =	ssub.s32 $0x0, s20;
	[sflag:s22] =	ssyncset.done $0x0  }
0xa0: {  	[sflag:s22] =	ssyncadd.s32 s3;
	_ =	sdelay $0x1  }
0xa1: {  	s23 =	simm.s32 $0x1B8B  }
0xa2: {  	_ =	swait.ge [sflag:s23], $0x1  }
0xa3: {  	[sflag:s23] =	ssyncset.done $0x0  }
0xa4: {  	s25 =	simm.s32 $0x1B8E;
	s24 =	sld [smem:$0x3FFE];
	[sflag:s23] =	ssyncadd.s32 $0xFFFFFFFF  }
0xa5: {  	s26 =	simm.s32 $execute0_lowered;
	[smem:$0x3FD2] =	sst s25  }
0xa6: {  	s4 =	sshll.u32 s26, $0x1;
	_ =	strace $0x8000004C;
	[dreg:$0x1] =	wrdreg $0xFFFFFFFF  }
0xa7: {  	s28 =	simm.s32 $_size_execute0_lowered;
	s2 =	sadd.s32 s2, s4;
	[dreg:$0x0] =	wrdreg $0x0  }
0xa8: {  	s4 =	sshll.u32 s28, $0x1;
	[dreg:$0x2] =	wrdreg s2  }
0xa9: {  	[dreg:$0x3] =	wrdreg s4  }
0xaa: {  	[dreg:$0x4] =	wrdreg $0xC0  }
0xab: {  	_ =	task [dreg:s6], $0x5FFFF  }
0xac: {  	[dreg:$0x1] =	wrdreg $0xFFFFFFFF  }
0xad: {  	[dreg:$0x0] =	wrdreg $0x60  }
0xae: {  	[dreg:$0x2] =	wrdreg s24  }
0xaf: {  	[dreg:$0x3] =	wrdreg $0xA8000  }
0xb0: {  	[dreg:$0x4] =	wrdreg $0x9  }
0xb1: {  	_ =	task.clear_ibuf [dreg:s6], $0x5FFFF;
	_ =	strace $0x9000004C  }
0xb2: {  	s29 =	simm.s32 $0x9;
	_ =	strace $0x8000004E  }
0xb3: {  	_ =	swait.ge [sflag:s29], $0x1  }
0xb4: {  	[sflag:s29] =	ssyncadd.s32 $0xFFFFFFFF  }
0xb5: {  	_ =	strace $0x9000004E  }
0xb6: {  	_ =	sfence  }
0xb7: {  	s30 =	sld [smem:$0x0];
	_ =	sdelay $0x2  }
0xb8: {  	s31 =	sshll.u32 s1, $0xD;
	s1 =	sshrl.u32 s1, $0x2  }
0xb9: {  	s3 =	sand.u32 $0x4000, s31;
	s1 =	sadd.s32 s1, s30  }
0xba: {  	s0 =	sor.u32 s3, s0;
	s1 =	sshll.u32 s1, $0x11  }
0xbb: {  	s0 =	sor.u32 s1, s0  }
0xbc: {  	s0 =	sadd.s32 $0x8F2B, s0  }
0xbd: {  	[sflag:s0] =	ssyncadd.remote.s32 $0x1  }
0xbe: {  	_ =	sfence.sel $0xFFFF  }
0xbf: {  	[dreg:$0x0] =	wrdreg $0xFFFFFFFF;
	(pc) =	sbr.abs _section_cstart, $3  }
0xc0: {  	[dreg:$0x1] =	wrdreg $0xFFFFFFFF  }
0xc1: {  	_ =	task.clear_ibuf [dreg:s6], $0x2FFFF;
	_ =	strace $0x9FFFFFFF  }
0xc2: {  	(tm) =	ssettm $0x7FFFFFFF  }
0xc3: {  	_ =	shalt  }
tec
execute0_lowered:
.L_overlay_start_1:
0x0: {  	(tag) =	ssettag $0x1  }
0x1: {  	s6 =	rddreg [dreg:$0x0]  }
0x2: {  	s1 =	rddreg [dreg:$0x1]  }
0x3: {  	s2 =	srdreg.scid;
	s0 =	rddreg [dreg:$0x2]  }
0x4: {  	s3 =	simm.s32 $0x0;
	s15 =	simm.s32 $0x1400;
	s16 =	simm.s32 $0x80  }
0x5: {  	s17 =	simm.s32 $0x2800;
	s18 =	simm.s32 $0x1;
	s19 =	simm.s32 $0x6800  }
0x6: {  	s20 =	simm.s32 $0x2;
	s21 =	simm.s32 $0x1380;
	s22 =	simm.s32 $0x2700  }
0x7: {  	s5 =	sand.u32 $0x1, s2;
	s2 =	stileid.u32;
	[smem:$0x7FF] =	sst s3  }
0x8: {  	s4 =	sadd.s32 $0x1C000, s6;
	s9 =	sadd.s32 $0xF800, s6;
	s7 =	smul.u32 $0x140000, s5  }
0x9: {  	s10 =	sadd.s32 $0x5800, s6;
	s8 =	smul.u32 $0x14000, s2;
	_ =	strace $0x8000004D  }
0xa: {  	s23 =	sshll.u32 s5, $0x4;
	s11 =	ssub.s32 $0x2, s5;
	s25 =	smul.u32 $0x50000, s2  }
0xb: {  	s5 =	sadd.s32 $0x19800, s6;
	s28 =	sshll.u32 s2, $0x6;
	s24 =	sor.u32 s2, s23  }
0xc: {  	s12 =	sshrl.u32 s11, $0x1;
	s23 =	simm.s32 $0x2780;
	s7 =	sadd.s32 s8, s7  }
0xd: {  	s13 =	smul.u32 $0x2800, s24;
	s12 =	ssub.s32 s11, s12;
	s26 =	sshrl.u32 s25, $0x2  }
0xe: {  	s24 =	simm.s32 $0x0;
	s7 =	sshrl.u32 s7, $0x3;
	s30 =	sadd.s32 s26, s1  }
0xf: {  	s12 =	smax.u32 s12, $0x1;
	s14 =	sadd.s32 s7, s6;
	s29 =	sshrl.u32 s13, $0x3  }
0x10: {  	s6 =	sor.u32 $0x1C03, s28;
	s13 =	sshrl.u32 s30, $0x3;
	s31 =	sadd.s32 $0x280, s29  }
0x11: {  	s7 =	sadd.s32 s9, s29;
	s8 =	sadd.s32 s10, s29;
	s11 =	sadd.s32 $0x94000, s14  }
0x12: {  	s14 =	simm.s32 $0x3;
	s9 =	sadd.s32 s9, s31;
	s10 =	sadd.s32 s10, s31  }
.LBB2_1:
0x13: {  	[spmem:s13], [sflag:s6] =	dma.local [hbm:s5], $0x2800  }
0x14: {  	_ =	swait.ge [sflag:s14], $0x2800  }
0x15: {  	[sflag:s14] =	ssyncset.done $0x0  }
0x16: {  	[sflag:s14] =	ssyncadd.s32 $0xFFFFD800  }
0x17: {  	[bflag:$0x0] =	sbarrier.arrive $0xFFFF  }
0x18: {  	[tilespmem:s3], [sflag:$0x3] =	stream.linear.gather [hbm4b:s7+s3], $0x1400, $0x38;
	[tilespmem:$0x1E800] =	vst v63  }
0x19: {  	_ =	swait.ge [sflag:s14], $0x1400  }
0x1a: {  	[sflag:s14] =	ssyncset.done $0x0  }
0x1b: {  	[sflag:s14] =	ssyncadd.s32 $0xFFFFEC00  }
0x1c: {  	[tilespmem:s15], [sflag:$0x3] =	stream.linear.gather [hbm4b:s8+s3], $0x1400, $0x38;
	[tilespmem:$0x1E800] =	vst v63  }
0x1d: {  	_ =	swait.ge [sflag:s14], $0x1400  }
0x1e: {  	[sflag:s14] =	ssyncset.done $0x0  }
0x1f: {  	[sflag:s14] =	ssyncadd.s32 $0xFFFFEC00  }
0x20: {  	[tilespmem:s17], [sflag:$0x1] =	stream.indirect.gather [hbm4b:s4+s16], $0x80, s3, s16, $0xb8;
	[tilespmem:$0x1E800] =	vst v63  }
0x21: {  	_ =	swait.ge [sflag:s18], $0x4000  }
0x22: {  	[sflag:s18] =	ssyncset.done $0x0  }
0x23: {  	s25 =	simm.s32 $0x80;
	[sflag:s18] =	ssyncadd.s32 $0xFFFFC000  }
0x24: {  	[tilespmem:s19], [sflag:$0x2] =	stream.indirect.gather [hbm4b:s4+s16], $0x80, s25, s16, $0xb8;
	[tilespmem:$0x1E800] =	vst v63  }
0x25: {  	s29 =	simm.s32 $0x1400  }
0x26: {  	[spmem:s1] =	stream.indirect.scatter.add.f32 [tilespmem:s17], [sflag:$0x3], $0x80, s29, s16, $0xb8;
	[tilespmem:$0x1E800] =	vst v63  }
0x27: {  	_ =	swait.ge [sflag:s14], $0x4000  }
0x28: {  	[sflag:s14] =	ssyncset.done $0x0  }
0x29: {  	[sflag:s14] =	ssyncadd.s32 $0xFFFFC000  }
0x2a: {  	_ =	swait.ge [sflag:s20], $0x4000  }
0x2b: {  	[sflag:s20] =	ssyncset.done $0x0  }
0x2c: {  	s30 =	simm.s32 $0x100;
	[sflag:s20] =	ssyncadd.s32 $0xFFFFC000  }
0x2d: {  	[tilespmem:s17], [sflag:$0x1] =	stream.indirect.gather [hbm4b:s4+s16], $0x80, s30, s16, $0xb8;
	[tilespmem:$0x1E800] =	vst v63  }
0x2e: {  	s31 =	simm.s32 $0x1480  }
0x2f: {  	[spmem:s1] =	stream.indirect.scatter.add.f32 [tilespmem:s19], [sflag:$0x3], $0x80, s31, s16, $0xb8;
	[tilespmem:$0x1E800] =	vst v63  }
0x30: {  	_ =	swait.ge [sflag:s14], $0x4000  }
0x31: {  	s25 =	simm.s32 $0x400;
	[sflag:s14] =	ssyncset.done $0x0  }
.LBB2_2:
0x32: {  	p0 =	sne.s32 s25, $0x4800  }
0x33: {  	[sflag:s14] =	ssyncadd.s32 $0xFFFFC000;
	s26 =	smov.u32 s25;
	s25 =	sadd.s32 $0x400, s25  }
0x34: {  	_ = 	snop  }
0x35: {  	_ =	swait.ge [sflag:s18], $0x4000  }
0x36: {  	s26 =	sshra.s32 s26, $0x2;
	[sflag:s18] =	ssyncset.done $0x0  }
0x37: {  	s28 =	sadd.s32 $0x80, s26;
	[sflag:s18] =	ssyncadd.s32 $0xFFFFC000  }
0x38: {  	[tilespmem:s19], [sflag:$0x2] =	stream.indirect.gather [hbm4b:s4+s16], $0x80, s28, s16, $0xb8;
	[tilespmem:$0x1E800] =	vst v63  }
0x39: {  	s28 =	sadd.s32 $0x1400, s26  }
0x3a: {  	[spmem:s1] =	stream.indirect.scatter.add.f32 [tilespmem:s17], [sflag:$0x3], $0x80, s28, s16, $0xb8;
	[tilespmem:$0x1E800] =	vst v63  }
0x3b: {  	_ =	swait.ge [sflag:s14], $0x4000  }
0x3c: {  	[sflag:s14] =	ssyncset.done $0x0  }
0x3d: {  	[sflag:s14] =	ssyncadd.s32 $0xFFFFC000  }
0x3e: {  	_ =	swait.ge [sflag:s20], $0x4000  }
0x3f: {  	[sflag:s20] =	ssyncset.done $0x0  }
0x40: {  	s28 =	sadd.s32 $0x100, s26;
	[sflag:s20] =	ssyncadd.s32 $0xFFFFC000  }
0x41: {  	[tilespmem:s17], [sflag:$0x1] =	stream.indirect.gather [hbm4b:s4+s16], $0x80, s28, s16, $0xb8;
	[tilespmem:$0x1E800] =	vst v63  }
.Ltmp0:
0x42: {  	_ = 	snop;
	(pc) =	sbr.rel @p0 .LBB2_2-.Ltmp0, $4  }
0x43: {  	s26 =	sadd.s32 $0x1480, s26  }
0x44: {  	[spmem:s1] =	stream.indirect.scatter.add.f32 [tilespmem:s19], [sflag:$0x3], $0x80, s26, s16, $0xb8;
	[tilespmem:$0x1E800] =	vst v63  }
0x45: {  	_ =	swait.ge [sflag:s14], $0x4000  }
0x46: {  	[sflag:s14] =	ssyncset.done $0x0  }
0x47: {  	[sflag:s14] =	ssyncadd.s32 $0xFFFFC000  }
0x48: {  	_ =	swait.ge [sflag:s18], $0x4000  }
0x49: {  	[sflag:s18] =	ssyncset.done $0x0  }
0x4a: {  	[sflag:s18] =	ssyncadd.s32 $0xFFFFC000  }
0x4b: {  	[tilespmem:s19], [sflag:$0x2] =	stream.indirect.gather [hbm4b:s4+s16], $0x80, s21, s16, $0xb8;
	[tilespmem:$0x1E800] =	vst v63  }
0x4c: {  	_ = 	snop  }
0x4d: {  	[spmem:s1] =	stream.indirect.scatter.add.f32 [tilespmem:s17], [sflag:$0x3], $0x80, s22, s16, $0xb8;
	[tilespmem:$0x1E800] =	vst v63  }
0x4e: {  	_ =	swait.ge [sflag:s14], $0x4000  }
0x4f: {  	[sflag:s14] =	ssyncset.done $0x0  }
0x50: {  	[sflag:s14] =	ssyncadd.s32 $0xFFFFC000  }
0x51: {  	_ =	swait.ge [sflag:s20], $0x4000  }
0x52: {  	[sflag:s20] =	ssyncset.done $0x0  }
0x53: {  	[sflag:s20] =	ssyncadd.s32 $0xFFFFC000  }
0x54: {  	[spmem:s1] =	stream.indirect.scatter.add.f32 [tilespmem:s19], [sflag:$0x3], $0x80, s23, s16, $0xb8;
	[tilespmem:$0x1E800] =	vst v63  }
0x55: {  	_ =	swait.ge [sflag:s14], $0x4000  }
0x56: {  	[sflag:s14] =	ssyncset.done $0x0  }
0x57: {  	s25 =	simm.s32 $0x0;
	[sflag:s14] =	ssyncadd.s32 $0xFFFFC000  }
0x58: {  	[tilespmem:s25], [sflag:$0x3] =	stream.linear.gather [hbm4b:s9+s25], $0x1400, $0x38;
	[tilespmem:$0x1E800] =	vst v63  }
0x59: {  	_ =	swait.ge [sflag:s14], $0x1400  }
0x5a: {  	[sflag:s14] =	ssyncset.done $0x0  }
0x5b: {  	[sflag:s14] =	ssyncadd.s32 $0xFFFFEC00  }
0x5c: {  	[tilespmem:s15], [sflag:$0x3] =	stream.linear.gather [hbm4b:s10+s25], $0x1400, $0x38;
	[tilespmem:$0x1E800] =	vst v63  }
0x5d: {  	_ =	swait.ge [sflag:s14], $0x1400  }
0x5e: {  	[sflag:s14] =	ssyncset.done $0x0  }
0x5f: {  	[sflag:s14] =	ssyncadd.s32 $0xFFFFEC00  }
0x60: {  	[tilespmem:s17], [sflag:$0x1] =	stream.indirect.gather [hbm4b:s4+s16], $0x80, s25, s16, $0xb8;
	[tilespmem:$0x1E800] =	vst v63  }
0x61: {  	_ =	swait.ge [sflag:s18], $0x4000  }
0x62: {  	[sflag:s18] =	ssyncset.done $0x0  }
0x63: {  	s28 =	simm.s32 $0x80;
	[sflag:s18] =	ssyncadd.s32 $0xFFFFC000  }
0x64: {  	[tilespmem:s19], [sflag:$0x2] =	stream.indirect.gather [hbm4b:s4+s16], $0x80, s28, s16, $0xb8;
	[tilespmem:$0x1E800] =	vst v63  }
0x65: {  	s29 =	simm.s32 $0x1400  }
0x66: {  	[spmem:s1] =	stream.indirect.scatter.add.f32 [tilespmem:s17], [sflag:$0x3], $0x80, s29, s16, $0xb8;
	[tilespmem:$0x1E800] =	vst v63  }
0x67: {  	_ =	swait.ge [sflag:s14], $0x4000  }
0x68: {  	[sflag:s14] =	ssyncset.done $0x0  }
0x69: {  	[sflag:s14] =	ssyncadd.s32 $0xFFFFC000  }
0x6a: {  	_ =	swait.ge [sflag:s20], $0x4000  }
0x6b: {  	[sflag:s20] =	ssyncset.done $0x0  }
0x6c: {  	s30 =	simm.s32 $0x100;
	[sflag:s20] =	ssyncadd.s32 $0xFFFFC000  }
0x6d: {  	[tilespmem:s17], [sflag:$0x1] =	stream.indirect.gather [hbm4b:s4+s16], $0x80, s30, s16, $0xb8;
	[tilespmem:$0x1E800] =	vst v63  }
0x6e: {  	s31 =	simm.s32 $0x1480  }
0x6f: {  	[spmem:s1] =	stream.indirect.scatter.add.f32 [tilespmem:s19], [sflag:$0x3], $0x80, s31, s16, $0xb8;
	[tilespmem:$0x1E800] =	vst v63  }
0x70: {  	_ =	swait.ge [sflag:s14], $0x4000  }
0x71: {  	s25 =	simm.s32 $0x400;
	[sflag:s14] =	ssyncset.done $0x0  }
.LBB2_4:
0x72: {  	p0 =	sne.s32 s25, $0x4800  }
0x73: {  	[sflag:s14] =	ssyncadd.s32 $0xFFFFC000;
	s26 =	smov.u32 s25;
	s25 =	sadd.s32 $0x400, s25  }
0x74: {  	_ = 	snop  }
0x75: {  	_ =	swait.ge [sflag:s18], $0x4000  }
0x76: {  	s26 =	sshra.s32 s26, $0x2;
	[sflag:s18] =	ssyncset.done $0x0  }
0x77: {  	s28 =	sadd.s32 $0x80, s26;
	[sflag:s18] =	ssyncadd.s32 $0xFFFFC000  }
0x78: {  	[tilespmem:s19], [sflag:$0x2] =	stream.indirect.gather [hbm4b:s4+s16], $0x80, s28, s16, $0xb8;
	[tilespmem:$0x1E800] =	vst v63  }
0x79: {  	s28 =	sadd.s32 $0x1400, s26  }
0x7a: {  	[spmem:s1] =	stream.indirect.scatter.add.f32 [tilespmem:s17], [sflag:$0x3], $0x80, s28, s16, $0xb8;
	[tilespmem:$0x1E800] =	vst v63  }
0x7b: {  	_ =	swait.ge [sflag:s14], $0x4000  }
0x7c: {  	[sflag:s14] =	ssyncset.done $0x0  }
0x7d: {  	[sflag:s14] =	ssyncadd.s32 $0xFFFFC000  }
0x7e: {  	_ =	swait.ge [sflag:s20], $0x4000  }
0x7f: {  	[sflag:s20] =	ssyncset.done $0x0  }
0x80: {  	s28 =	sadd.s32 $0x100, s26;
	[sflag:s20] =	ssyncadd.s32 $0xFFFFC000  }
0x81: {  	[tilespmem:s17], [sflag:$0x1] =	stream.indirect.gather [hbm4b:s4+s16], $0x80, s28, s16, $0xb8;
	[tilespmem:$0x1E800] =	vst v63  }
.Ltmp1:
0x82: {  	_ = 	snop;
	(pc) =	sbr.rel @p0 .LBB2_4-.Ltmp1, $4  }
0x83: {  	s26 =	sadd.s32 $0x1480, s26  }
0x84: {  	[spmem:s1] =	stream.indirect.scatter.add.f32 [tilespmem:s19], [sflag:$0x3], $0x80, s26, s16, $0xb8;
	[tilespmem:$0x1E800] =	vst v63  }
0x85: {  	_ =	swait.ge [sflag:s14], $0x4000  }
0x86: {  	[sflag:s14] =	ssyncset.done $0x0  }
0x87: {  	[sflag:s14] =	ssyncadd.s32 $0xFFFFC000  }
0x88: {  	_ =	swait.ge [sflag:s18], $0x4000  }
0x89: {  	[sflag:s18] =	ssyncset.done $0x0  }
0x8a: {  	[sflag:s18] =	ssyncadd.s32 $0xFFFFC000  }
0x8b: {  	[tilespmem:s19], [sflag:$0x2] =	stream.indirect.gather [hbm4b:s4+s16], $0x80, s21, s16, $0xb8;
	[tilespmem:$0x1E800] =	vst v63  }
0x8c: {  	_ = 	snop  }
0x8d: {  	[spmem:s1] =	stream.indirect.scatter.add.f32 [tilespmem:s17], [sflag:$0x3], $0x80, s22, s16, $0xb8;
	[tilespmem:$0x1E800] =	vst v63  }
0x8e: {  	_ =	swait.ge [sflag:s14], $0x4000  }
0x8f: {  	[sflag:s14] =	ssyncset.done $0x0  }
0x90: {  	[sflag:s14] =	ssyncadd.s32 $0xFFFFC000  }
0x91: {  	_ =	swait.ge [sflag:s20], $0x4000  }
0x92: {  	[sflag:s20] =	ssyncset.done $0x0  }
0x93: {  	[sflag:s20] =	ssyncadd.s32 $0xFFFFC000  }
0x94: {  	[spmem:s1] =	stream.indirect.scatter.add.f32 [tilespmem:s19], [sflag:$0x3], $0x80, s23, s16, $0xb8;
	[tilespmem:$0x1E800] =	vst v63  }
0x95: {  	_ =	swait.ge [sflag:s14], $0x4000  }
0x96: {  	s24 =	sadd.s32 $0x1, s24;
	[sflag:s14] =	ssyncset.done $0x0  }
0x97: {  	p0 =	sne.s32 s24, s12;
	[sflag:s14] =	ssyncadd.s32 $0xFFFFC000  }
.Ltmp2:
0x98: {  	[bflag:$0x0] =	sbarrier.arrive $0xFFFF;
	(pc) =	sbr.rel @p0 .LBB2_1-.Ltmp2, $4  }
0x99: {  	[hbm:s11], [sflag:s6] =	dma.local [spmem:s13], $0x2800  }
0x9a: {  	_ =	swait.ge [sflag:s14], $0x2800  }
0x9b: {  	[sflag:s14] =	ssyncset.done $0x0  }
0x9c: {  	[sflag:s14] =	ssyncadd.s32 $0xFFFFD800  }
0x9d: {  	_ =	sfence.sel $0x180000  }
0x9e: {  	[bflag:$0x0] =	sbarrier.arrive $0xFFFF  }
0x9f: {  	p0 =	sne.s32 s2, $0x0;
	_ =	strace $0x9000004D  }
0xa0: {  	s0 =	sadd.s32 @!p0 $0x100000, s0;
	[bflag:$0x2] =	sbarrier.arrive $0xFFFF  }
0xa1: {  	[sflag:s0] =	ssyncadd.tile.s32 @!p0 $0x1;
	_ =	shalt  }
.Lfunc_end2:
_tile_overlayer_lowered:
.L_overlay_start_2:
0xa2: {  	(tag) =	ssettag $0x2  }
0xa3: {  	s0 =	rddreg [dreg:$0x0];
	s2 =	stileid.u32  }
0xa4: {  	s1 =	rddreg [dreg:$0x1];
	p0 =	sne.s32 s2, $0x0  }
0xa5: {  	s3 =	rddreg [dreg:$0x2];
	[bflag:$0x3] =	sbarrier.arrive $0xFFFF;
	s2 =	simm.s32 @!p0 $0x1C03  }
0xa6: {  	[timem:s3], [sflag:s2] =	dma.local @!p0 [hbm:s0], s1  }
0xa7: {  	s0 =	simm.s32 @!p0 $0x3  }
0xa8: {  	_ =	swait.ge @!p0 [sflag:s0], s1  }
0xa9: {  	s1 =	ssub.s32 @!p0 $0x0, s1;
	[sflag:s0] =	ssyncset.done @!p0 $0x0  }
0xaa: {  	[sflag:s0] =	ssyncadd.s32 @!p0 s1  }
0xab: {  	[bflag:$0x3] =	sbarrier.arrive $0xFFFF  }
0xac: {  	_ =	shalt  }

// kernel: kernel.22.cloned.1.call-start
scs
__scs_entry_jumppad:
0x0: {  	(pc) =	sbr.rel $0x88, $3  }
0x1: {  	(tag) =	ssettag $0x0;
	lr =	simm.s32 $0x1  }
0x2: {  	[smem:$0x3F93] =	sst lr;
	_ =	strace $0xD0000000  }
0x3: {  	_ = 	snop  }
0x4: {  	_ = 	snop  }
0x5: {  	_ = 	snop  }
0x6: {  	_ = 	snop  }
0x7: {  	_ = 	snop  }
__scs_overlays_trampoline_lowered:
0x8: {  	[smem:$0x3FA2] =	sst s0  }
0x9: {  	[smem:$0x3FA3] =	sst s1  }
0xa: {  	[smem:$0x3FA4] =	sst s2  }
0xb: {  	[smem:$0x3FA5] =	sst s3  }
0xc: {  	[smem:$0x3FA6] =	sst s4  }
0xd: {  	[smem:$0x3FA7] =	sst s5  }
0xe: {  	[smem:$0x3FA8] =	sst s6  }
0xf: {  	[smem:$0x3FA9] =	sst s7  }
0x10: {  	[smem:$0x3FAA] =	sst s8  }
0x11: {  	[smem:$0x3FAB] =	sst s9;
	s0 =	simm.s32 @!p0 $0x0  }
0x12: {  	s1 =	sld [smem:$0x3F91];
	s0 =	simm.s32 @p0 $0x1  }
0x13: {  	[smem:$0x3FAC] =	sst s0;
	s0 =	simm.s32 @!p1 $0x0  }
0x14: {  	s2 =	sld [smem:$0x3F90];
	s0 =	simm.s32 @p1 $0x1  }
0x15: {  	[smem:$0x3FAD] =	sst s0;
	s0 =	simm.s32 @!p2 $0x0  }
0x16: {  	s3 =	sld [smem:$0x3FDB];
	s0 =	simm.s32 @p2 $0x1  }
0x17: {  	s4 =	simm.s32 $0x1BF5;
	[smem:$0x3FAF] =	sst s0  }
0x18: {  	s0 =	sld [smem:$0x3F92];
	_ =	swait.ge [sflag:s4], $0x0  }
0x19: {  	s7 =	sld [smem:$0x3F93]  }
0x1a: {  	s8 =	sadd.s32 $0xFFFFE003, lr  }
0x1b: {  	s9 =	sadd.s32 $0xFFFFFEF7, lr;
	s5 =	simm.s32 $0xFFFFFFFF;
	p2 =	slt.u32 s8, $0xFFFFF086  }
0x1c: {  	p1 =	slt.u32 s9, $0xF7A;
	s5 =	simm.s32 @!p2 $0x0  }
0x1d: {  	s5 =	simm.s32 @p1 $0x1;
	p0 =	seq.s32 s7, s2  }
0x1e: {  	s7 =	smul.u32 @!p0 $0xF7A, s2;
	p2 =	seq.s32 @!p0 s5, $0x0  }
0x1f: {  	s9 =	smul.u32 $0xF7A, s1;
	s8 =	simm.s32 @!p0 $0x1BF5;
	p2 =	por !p2, p0  }
0x20: {  	[sflag:s8] =	ssyncset.s32 @!p0 $0xFFFFF086;
	s6 =	sadd.s32 @!p0 s3, s7;
	s7 =	simm.s32 @!p0 $0x108  }
0x21: {  	s3 =	sadd.s32 s3, s9;
	s6 =	sadd.s32 @!p0 $0x88, s6;
	s7 =	simm.s32 @p2 $0x1082  }
0x22: {  	[simem:s7], [sflag:s8] =	dma.local @!p0 [hbm:s6], $0xF7A  }
0x23: {  	s9 =	sor.u32 $0xD0000000, s2;
	s6 =	simm.s32 $0x108;
	_ =	swait.ge @!p0 [sflag:s8], $0x0  }
0x24: {  	s3 =	sadd.s32 $0x88, s3;
	s6 =	simm.s32 @!p1 $0x1082;
	[sflag:s4] =	ssyncset.s32 $0xFFFFF086  }
0x25: {  	[simem:s6], [sflag:s4] =	dma.local [hbm:s3], $0xF7A  }
0x26: {  	[smem:$0x3F93] =	sst s1;
	(tag) =	ssettag s2;
	_ =	strace s9  }
0x27: {  	s1 =	sld [smem:$0x3FA3]  }
0x28: {  	s2 =	sld [smem:$0x3FA4]  }
0x29: {  	s4 =	sld [smem:$0x3FA6]  }
0x2a: {  	p0 =	seq.s32 s5, $0x0;
	s5 =	sld [smem:$0x3FA7]  }
0x2b: {  	s6 =	sld [smem:$0x3FA8]  }
0x2c: {  	s7 =	sld [smem:$0x3FA9]  }
0x2d: {  	s3 =	simm.s32 $0x108;
	s8 =	sld [smem:$0x3FAA]  }
0x2e: {  	s3 =	simm.s32 @!p0 $0x1082;
	s9 =	sld [smem:$0x3FAB]  }
0x2f: {  	lr =	sadd.s32 s0, s3;
	s0 =	sld [smem:$0x3FA2]  }
0x30: {  	s3 =	sld [smem:$0x3FA5]  }
0x31: {  	[smem:$0x3FAE] =	sst s10  }
0x32: {  	s10 =	sld [smem:$0x3FAC];
	_ =	sdelay $0x3  }
0x33: {  	p0 =	seq.s32 s10, $0x1;
	s10 =	sld [smem:$0x3FAE];
	_ =	sdelay $0x3  }
0x34: {  	[smem:$0x3FAE] =	sst s10  }
0x35: {  	s10 =	sld [smem:$0x3FAD];
	_ =	sdelay $0x3  }
0x36: {  	p1 =	seq.s32 s10, $0x1;
	s10 =	sld [smem:$0x3FAE];
	_ =	sdelay $0x3  }
0x37: {  	[smem:$0x3FAE] =	sst s10  }
0x38: {  	s10 =	sld [smem:$0x3FAF]  }
0x39: {  	_ = 	snop;
	(pc) =	sbr.ind lr, $3  }
0x3a: {  	_ = 	snop  }
0x3b: {  	_ = 	snop  }
0x3c: {  	p2 =	seq.s32 s10, $0x1;
	s10 =	sld [smem:$0x3FAE]  }
0x3d: {  	_ =	shalt  }
0x3e: {  	_ =	shalt  }
0x3f: {  	_ =	shalt  }
0x40: {  	_ =	shalt  }
0x41: {  	_ =	shalt  }
0x42: {  	_ =	shalt  }
0x43: {  	_ =	shalt  }
0x44: {  	_ =	shalt  }
0x45: {  	_ =	shalt  }
0x46: {  	_ =	shalt  }
0x47: {  	_ =	shalt  }
0x48: {  	_ =	shalt  }
0x49: {  	_ =	shalt  }
0x4a: {  	_ =	shalt  }
0x4b: {  	_ =	shalt  }
0x4c: {  	_ =	shalt  }
0x4d: {  	_ =	shalt  }
0x4e: {  	_ =	shalt  }
0x4f: {  	_ =	shalt  }
0x50: {  	_ =	shalt  }
0x51: {  	_ =	shalt  }
0x52: {  	_ =	shalt  }
0x53: {  	_ =	shalt  }
0x54: {  	_ =	shalt  }
0x55: {  	_ =	shalt  }
0x56: {  	_ =	shalt  }
0x57: {  	_ =	shalt  }
0x58: {  	_ =	shalt  }
0x59: {  	_ =	shalt  }
0x5a: {  	_ =	shalt  }
0x5b: {  	_ =	shalt  }
0x5c: {  	_ =	shalt  }
0x5d: {  	_ =	shalt  }
0x5e: {  	_ =	shalt  }
0x5f: {  	_ =	shalt  }
0x60: {  	_ =	shalt  }
0x61: {  	_ =	shalt  }
0x62: {  	_ =	shalt  }
0x63: {  	_ =	shalt  }
0x64: {  	_ =	shalt  }
0x65: {  	_ =	shalt  }
0x66: {  	_ =	shalt  }
0x67: {  	_ =	shalt  }
0x68: {  	_ =	shalt  }
0x69: {  	_ =	shalt  }
0x6a: {  	_ =	shalt  }
0x6b: {  	_ =	shalt  }
0x6c: {  	_ =	shalt  }
0x6d: {  	_ =	shalt  }
0x6e: {  	_ =	shalt  }
0x6f: {  	_ =	shalt  }
0x70: {  	_ =	shalt  }
0x71: {  	_ =	shalt  }
0x72: {  	_ =	shalt  }
0x73: {  	_ =	shalt  }
0x74: {  	_ =	shalt  }
0x75: {  	_ =	shalt  }
0x76: {  	_ =	shalt  }
0x77: {  	_ =	shalt  }
0x78: {  	_ =	shalt  }
0x79: {  	_ =	shalt  }
0x7a: {  	_ =	shalt  }
0x7b: {  	_ =	shalt  }
0x7c: {  	_ =	shalt  }
0x7d: {  	_ =	shalt  }
0x7e: {  	_ =	shalt  }
0x7f: {  	_ =	shalt  }
0x80: {  	_ =	shalt  }
0x81: {  	_ =	shalt  }
0x82: {  	_ =	shalt  }
0x83: {  	_ =	shalt  }
0x84: {  	_ =	shalt  }
0x85: {  	_ =	shalt  }
0x86: {  	_ =	shalt  }
0x87: {  	_ =	shalt  }
.Lfunc_end0:
.L_simem_size_0:
called_computation.3_lowered:
.L_overlay_start_0:
0x88: {  	s2 =	sld [smem:$0x3FD9]  }
0x89: {  	s3 =	sld [smem:$0x3FFE];
	_ =	sdelay $0x1  }
0x8a: {  	s1 =	srdreg.scid  }
0x8b: {  	s0 =	sand.u32 $0x1, s1  }
0x8c: {  	s16 =	sshll.u32 s0, $0xA;
	s2 =	sadd.s32 s3, s2  }
0x8d: {  	s2 =	sadd.s32 s2, s16  }
0x8e: {  	[smem:$0x3FBA] =	sst s2  }
0x8f: {  	_ = 	snop  }
0x90: {  	(tm) =	ssettm $0x1  }
0x91: {  	s17 =	sld [smem:$0x3FFB];
	_ =	sdelay $0x3  }
0x92: {  	_ =	strace s17  }
0x93: {  	s2 =	sld [smem:$0x3FFC];
	_ =	sdelay $0x3  }
0x94: {  	_ =	strace s2  }
0x95: {  	s2 =	sld [smem:$0x3FFD];
	_ =	sdelay $0x3  }
0x96: {  	_ =	strace s2  }
0x97: {  	_ =	strace $0x8FFFFFFF  }
0x98: {  	s18 =	sld [smem:$0x3FDB];
	_ =	sdelay $0x1  }
0x99: {  	s19 =	simm.s32 $_scs_section_size  }
0x9a: {  	s4 =	simm.s32 $_size__tile_overlayer_lowered;
	s5 =	simm.s32 $_tile_overlayer_lowered  }
0x9b: {  	s22 =	simm.s32 $0x1BFF;
	s21 =	sshll.u32 s5, $0x1;
	s2 =	sadd.s32 s19, s18  }
0x9c: {  	s6 =	simm.s32 $0x0;
	s20 =	sshll.u32 s4, $0x1;
	s4 =	sadd.s32 s21, s2  }
0x9d: {  	[timem:s6], [sflag:s22] =	dma.local [hbm:s4], s20  }
0x9e: {  	_ =	swait.ge [sflag:s22], s20  }
0x9f: {  	s3 =	ssub.s32 $0x0, s20;
	[sflag:s22] =	ssyncset.done $0x0  }
0xa0: {  	[sflag:s22] =	ssyncadd.s32 s3;
	_ =	sdelay $0x1  }
0xa1: {  	s23 =	simm.s32 $0x1B8B  }
0xa2: {  	_ =	swait.ge [sflag:s23], $0x1  }
0xa3: {  	[sflag:s23] =	ssyncset.done $0x0  }
0xa4: {  	s25 =	simm.s32 $0x1B8E;
	s24 =	sld [smem:$0x3FFE];
	[sflag:s23] =	ssyncadd.s32 $0xFFFFFFFF  }
0xa5: {  	s26 =	simm.s32 $execute0_lowered;
	[smem:$0x3FD2] =	sst s25  }
0xa6: {  	s4 =	sshll.u32 s26, $0x1;
	_ =	strace $0x8000004F;
	[dreg:$0x1] =	wrdreg $0xFFFFFFFF  }
0xa7: {  	s28 =	simm.s32 $_size_execute0_lowered;
	s2 =	sadd.s32 s2, s4;
	[dreg:$0x0] =	wrdreg $0x0  }
0xa8: {  	s4 =	sshll.u32 s28, $0x1;
	[dreg:$0x2] =	wrdreg s2  }
0xa9: {  	[dreg:$0x3] =	wrdreg s4  }
0xaa: {  	[dreg:$0x4] =	wrdreg $0xC0  }
0xab: {  	_ =	task [dreg:s6], $0x5FFFF  }
0xac: {  	[dreg:$0x1] =	wrdreg $0xFFFFFFFF  }
0xad: {  	[dreg:$0x0] =	wrdreg $0x60  }
0xae: {  	[dreg:$0x2] =	wrdreg s24  }
0xaf: {  	[dreg:$0x3] =	wrdreg $0xA8000  }
0xb0: {  	[dreg:$0x4] =	wrdreg $0x9  }
0xb1: {  	_ =	task.clear_ibuf [dreg:s6], $0x5FFFF;
	_ =	strace $0x9000004F  }
0xb2: {  	s29 =	simm.s32 $0x9;
	_ =	strace $0x80000051  }
0xb3: {  	_ =	swait.ge [sflag:s29], $0x1  }
0xb4: {  	[sflag:s29] =	ssyncadd.s32 $0xFFFFFFFF  }
0xb5: {  	_ =	strace $0x90000051  }
0xb6: {  	_ =	sfence  }
0xb7: {  	s30 =	sld [smem:$0x0];
	_ =	sdelay $0x2  }
0xb8: {  	s31 =	sshll.u32 s1, $0xD;
	s1 =	sshrl.u32 s1, $0x2  }
0xb9: {  	s3 =	sand.u32 $0x4000, s31;
	s1 =	sadd.s32 s1, s30  }
0xba: {  	s0 =	sor.u32 s3, s0;
	s1 =	sshll.u32 s1, $0x11  }
0xbb: {  	s0 =	sor.u32 s1, s0  }
0xbc: {  	s0 =	sadd.s32 $0x8F2B, s0  }
0xbd: {  	[sflag:s0] =	ssyncadd.remote.s32 $0x1  }
0xbe: {  	_ =	sfence.sel $0xFFFF  }
0xbf: {  	[dreg:$0x0] =	wrdreg $0xFFFFFFFF;
	(pc) =	sbr.abs _section_cstart, $3  }
0xc0: {  	[dreg:$0x1] =	wrdreg $0xFFFFFFFF  }
0xc1: {  	_ =	task.clear_ibuf [dreg:s6], $0x2FFFF;
	_ =	strace $0x9FFFFFFF  }
0xc2: {  	(tm) =	ssettm $0x7FFFFFFF  }
0xc3: {  	_ =	shalt  }
tec
execute0_lowered:
.L_overlay_start_1:
0x0: {  	(tag) =	ssettag $0x1  }
0x1: {  	s6 =	rddreg [dreg:$0x0]  }
0x2: {  	s1 =	rddreg [dreg:$0x1]  }
0x3: {  	s2 =	srdreg.scid;
	s0 =	rddreg [dreg:$0x2]  }
0x4: {  	s3 =	simm.s32 $0x0;
	s15 =	simm.s32 $0x1400;
	s16 =	simm.s32 $0x80  }
0x5: {  	s17 =	simm.s32 $0x2800;
	s18 =	simm.s32 $0x1;
	s19 =	simm.s32 $0x6800  }
0x6: {  	s20 =	simm.s32 $0x2;
	s21 =	simm.s32 $0x1380;
	s22 =	simm.s32 $0x2700  }
0x7: {  	s5 =	sand.u32 $0x1, s2;
	s2 =	stileid.u32;
	[smem:$0x7FF] =	sst s3  }
0x8: {  	s4 =	sadd.s32 $0x1C000, s6;
	s9 =	sadd.s32 $0xF800, s6;
	s7 =	smul.u32 $0x140000, s5  }
0x9: {  	s10 =	sadd.s32 $0x5800, s6;
	s8 =	smul.u32 $0x14000, s2;
	_ =	strace $0x80000050  }
0xa: {  	s23 =	sshll.u32 s5, $0x4;
	s11 =	ssub.s32 $0x2, s5;
	s25 =	smul.u32 $0x50000, s2  }
0xb: {  	s5 =	sadd.s32 $0x19800, s6;
	s28 =	sshll.u32 s2, $0x6;
	s24 =	sor.u32 s2, s23  }
0xc: {  	s12 =	sshrl.u32 s11, $0x1;
	s23 =	simm.s32 $0x2780;
	s7 =	sadd.s32 s8, s7  }
0xd: {  	s13 =	smul.u32 $0x2800, s24;
	s12 =	ssub.s32 s11, s12;
	s26 =	sshrl.u32 s25, $0x2  }
0xe: {  	s24 =	simm.s32 $0x0;
	s7 =	sshrl.u32 s7, $0x3;
	s30 =	sadd.s32 s26, s1  }
0xf: {  	s12 =	smax.u32 s12, $0x1;
	s14 =	sadd.s32 s7, s6;
	s29 =	sshrl.u32 s13, $0x3  }
0x10: {  	s6 =	sor.u32 $0x1C03, s28;
	s13 =	sshrl.u32 s30, $0x3;
	s31 =	sadd.s32 $0x280, s29  }
0x11: {  	s7 =	sadd.s32 s9, s29;
	s8 =	sadd.s32 s10, s29;
	s11 =	sadd.s32 $0x94000, s14  }
0x12: {  	s14 =	simm.s32 $0x3;
	s9 =	sadd.s32 s9, s31;
	s10 =	sadd.s32 s10, s31  }
.LBB2_1:
0x13: {  	[spmem:s13], [sflag:s6] =	dma.local [hbm:s5], $0x2800  }
0x14: {  	_ =	swait.ge [sflag:s14], $0x2800  }
0x15: {  	[sflag:s14] =	ssyncset.done $0x0  }
0x16: {  	[sflag:s14] =	ssyncadd.s32 $0xFFFFD800  }
0x17: {  	[bflag:$0x0] =	sbarrier.arrive $0xFFFF  }
0x18: {  	[tilespmem:s3], [sflag:$0x3] =	stream.linear.gather [hbm4b:s7+s3], $0x1400, $0x38;
	[tilespmem:$0x1E800] =	vst v63  }
0x19: {  	_ =	swait.ge [sflag:s14], $0x1400  }
0x1a: {  	[sflag:s14] =	ssyncset.done $0x0  }
0x1b: {  	[sflag:s14] =	ssyncadd.s32 $0xFFFFEC00  }
0x1c: {  	[tilespmem:s15], [sflag:$0x3] =	stream.linear.gather [hbm4b:s8+s3], $0x1400, $0x38;
	[tilespmem:$0x1E800] =	vst v63  }
0x1d: {  	_ =	swait.ge [sflag:s14], $0x1400  }
0x1e: {  	[sflag:s14] =	ssyncset.done $0x0  }
0x1f: {  	[sflag:s14] =	ssyncadd.s32 $0xFFFFEC00  }
0x20: {  	[tilespmem:s17], [sflag:$0x1] =	stream.indirect.gather [hbm4b:s4+s16], $0x80, s3, s16, $0xb8;
	[tilespmem:$0x1E800] =	vst v63  }
0x21: {  	_ =	swait.ge [sflag:s18], $0x4000  }
0x22: {  	[sflag:s18] =	ssyncset.done $0x0  }
0x23: {  	s25 =	simm.s32 $0x80;
	[sflag:s18] =	ssyncadd.s32 $0xFFFFC000  }
0x24: {  	[tilespmem:s19], [sflag:$0x2] =	stream.indirect.gather [hbm4b:s4+s16], $0x80, s25, s16, $0xb8;
	[tilespmem:$0x1E800] =	vst v63  }
0x25: {  	s29 =	simm.s32 $0x1400  }
0x26: {  	[spmem:s1] =	stream.indirect.scatter.add.f32 [tilespmem:s17], [sflag:$0x3], $0x80, s29, s16, $0xb8;
	[tilespmem:$0x1E800] =	vst v63  }
0x27: {  	_ =	swait.ge [sflag:s14], $0x4000  }
0x28: {  	[sflag:s14] =	ssyncset.done $0x0  }
0x29: {  	[sflag:s14] =	ssyncadd.s32 $0xFFFFC000  }
0x2a: {  	_ =	swait.ge [sflag:s20], $0x4000  }
0x2b: {  	[sflag:s20] =	ssyncset.done $0x0  }
0x2c: {  	s30 =	simm.s32 $0x100;
	[sflag:s20] =	ssyncadd.s32 $0xFFFFC000  }
0x2d: {  	[tilespmem:s17], [sflag:$0x1] =	stream.indirect.gather [hbm4b:s4+s16], $0x80, s30, s16, $0xb8;
	[tilespmem:$0x1E800] =	vst v63  }
0x2e: {  	s31 =	simm.s32 $0x1480  }
0x2f: {  	[spmem:s1] =	stream.indirect.scatter.add.f32 [tilespmem:s19], [sflag:$0x3], $0x80, s31, s16, $0xb8;
	[tilespmem:$0x1E800] =	vst v63  }
0x30: {  	_ =	swait.ge [sflag:s14], $0x4000  }
0x31: {  	s25 =	simm.s32 $0x400;
	[sflag:s14] =	ssyncset.done $0x0  }
.LBB2_2:
0x32: {  	p0 =	sne.s32 s25, $0x4800  }
0x33: {  	[sflag:s14] =	ssyncadd.s32 $0xFFFFC000;
	s26 =	smov.u32 s25;
	s25 =	sadd.s32 $0x400, s25  }
0x34: {  	_ = 	snop  }
0x35: {  	_ =	swait.ge [sflag:s18], $0x4000  }
0x36: {  	s26 =	sshra.s32 s26, $0x2;
	[sflag:s18] =	ssyncset.done $0x0  }
0x37: {  	s28 =	sadd.s32 $0x80, s26;
	[sflag:s18] =	ssyncadd.s32 $0xFFFFC000  }
0x38: {  	[tilespmem:s19], [sflag:$0x2] =	stream.indirect.gather [hbm4b:s4+s16], $0x80, s28, s16, $0xb8;
	[tilespmem:$0x1E800] =	vst v63  }
0x39: {  	s28 =	sadd.s32 $0x1400, s26  }
0x3a: {  	[spmem:s1] =	stream.indirect.scatter.add.f32 [tilespmem:s17], [sflag:$0x3], $0x80, s28, s16, $0xb8;
	[tilespmem:$0x1E800] =	vst v63  }
0x3b: {  	_ =	swait.ge [sflag:s14], $0x4000  }
0x3c: {  	[sflag:s14] =	ssyncset.done $0x0  }
0x3d: {  	[sflag:s14] =	ssyncadd.s32 $0xFFFFC000  }
0x3e: {  	_ =	swait.ge [sflag:s20], $0x4000  }
0x3f: {  	[sflag:s20] =	ssyncset.done $0x0  }
0x40: {  	s28 =	sadd.s32 $0x100, s26;
	[sflag:s20] =	ssyncadd.s32 $0xFFFFC000  }
0x41: {  	[tilespmem:s17], [sflag:$0x1] =	stream.indirect.gather [hbm4b:s4+s16], $0x80, s28, s16, $0xb8;
	[tilespmem:$0x1E800] =	vst v63  }
.Ltmp0:
0x42: {  	_ = 	snop;
	(pc) =	sbr.rel @p0 .LBB2_2-.Ltmp0, $4  }
0x43: {  	s26 =	sadd.s32 $0x1480, s26  }
0x44: {  	[spmem:s1] =	stream.indirect.scatter.add.f32 [tilespmem:s19], [sflag:$0x3], $0x80, s26, s16, $0xb8;
	[tilespmem:$0x1E800] =	vst v63  }
0x45: {  	_ =	swait.ge [sflag:s14], $0x4000  }
0x46: {  	[sflag:s14] =	ssyncset.done $0x0  }
0x47: {  	[sflag:s14] =	ssyncadd.s32 $0xFFFFC000  }
0x48: {  	_ =	swait.ge [sflag:s18], $0x4000  }
0x49: {  	[sflag:s18] =	ssyncset.done $0x0  }
0x4a: {  	[sflag:s18] =	ssyncadd.s32 $0xFFFFC000  }
0x4b: {  	[tilespmem:s19], [sflag:$0x2] =	stream.indirect.gather [hbm4b:s4+s16], $0x80, s21, s16, $0xb8;
	[tilespmem:$0x1E800] =	vst v63  }
0x4c: {  	_ = 	snop  }
0x4d: {  	[spmem:s1] =	stream.indirect.scatter.add.f32 [tilespmem:s17], [sflag:$0x3], $0x80, s22, s16, $0xb8;
	[tilespmem:$0x1E800] =	vst v63  }
0x4e: {  	_ =	swait.ge [sflag:s14], $0x4000  }
0x4f: {  	[sflag:s14] =	ssyncset.done $0x0  }
0x50: {  	[sflag:s14] =	ssyncadd.s32 $0xFFFFC000  }
0x51: {  	_ =	swait.ge [sflag:s20], $0x4000  }
0x52: {  	[sflag:s20] =	ssyncset.done $0x0  }
0x53: {  	[sflag:s20] =	ssyncadd.s32 $0xFFFFC000  }
0x54: {  	[spmem:s1] =	stream.indirect.scatter.add.f32 [tilespmem:s19], [sflag:$0x3], $0x80, s23, s16, $0xb8;
	[tilespmem:$0x1E800] =	vst v63  }
0x55: {  	_ =	swait.ge [sflag:s14], $0x4000  }
0x56: {  	[sflag:s14] =	ssyncset.done $0x0  }
0x57: {  	s25 =	simm.s32 $0x0;
	[sflag:s14] =	ssyncadd.s32 $0xFFFFC000  }
0x58: {  	[tilespmem:s25], [sflag:$0x3] =	stream.linear.gather [hbm4b:s9+s25], $0x1400, $0x38;
	[tilespmem:$0x1E800] =	vst v63  }
0x59: {  	_ =	swait.ge [sflag:s14], $0x1400  }
0x5a: {  	[sflag:s14] =	ssyncset.done $0x0  }
0x5b: {  	[sflag:s14] =	ssyncadd.s32 $0xFFFFEC00  }
0x5c: {  	[tilespmem:s15], [sflag:$0x3] =	stream.linear.gather [hbm4b:s10+s25], $0x1400, $0x38;
	[tilespmem:$0x1E800] =	vst v63  }
0x5d: {  	_ =	swait.ge [sflag:s14], $0x1400  }
0x5e: {  	[sflag:s14] =	ssyncset.done $0x0  }
0x5f: {  	[sflag:s14] =	ssyncadd.s32 $0xFFFFEC00  }
0x60: {  	[tilespmem:s17], [sflag:$0x1] =	stream.indirect.gather [hbm4b:s4+s16], $0x80, s25, s16, $0xb8;
	[tilespmem:$0x1E800] =	vst v63  }
0x61: {  	_ =	swait.ge [sflag:s18], $0x4000  }
0x62: {  	[sflag:s18] =	ssyncset.done $0x0  }
0x63: {  	s28 =	simm.s32 $0x80;
	[sflag:s18] =	ssyncadd.s32 $0xFFFFC000  }
0x64: {  	[tilespmem:s19], [sflag:$0x2] =	stream.indirect.gather [hbm4b:s4+s16], $0x80, s28, s16, $0xb8;
	[tilespmem:$0x1E800] =	vst v63  }
0x65: {  	s29 =	simm.s32 $0x1400  }
0x66: {  	[spmem:s1] =	stream.indirect.scatter.add.f32 [tilespmem:s17], [sflag:$0x3], $0x80, s29, s16, $0xb8;
	[tilespmem:$0x1E800] =	vst v63  }
0x67: {  	_ =	swait.ge [sflag:s14], $0x4000  }
0x68: {  	[sflag:s14] =	ssyncset.done $0x0  }
0x69: {  	[sflag:s14] =	ssyncadd.s32 $0xFFFFC000  }
0x6a: {  	_ =	swait.ge [sflag:s20], $0x4000  }
0x6b: {  	[sflag:s20] =	ssyncset.done $0x0  }
0x6c: {  	s30 =	simm.s32 $0x100;
	[sflag:s20] =	ssyncadd.s32 $0xFFFFC000  }
0x6d: {  	[tilespmem:s17], [sflag:$0x1] =	stream.indirect.gather [hbm4b:s4+s16], $0x80, s30, s16, $0xb8;
	[tilespmem:$0x1E800] =	vst v63  }
0x6e: {  	s31 =	simm.s32 $0x1480  }
0x6f: {  	[spmem:s1] =	stream.indirect.scatter.add.f32 [tilespmem:s19], [sflag:$0x3], $0x80, s31, s16, $0xb8;
	[tilespmem:$0x1E800] =	vst v63  }
0x70: {  	_ =	swait.ge [sflag:s14], $0x4000  }
0x71: {  	s25 =	simm.s32 $0x400;
	[sflag:s14] =	ssyncset.done $0x0  }
.LBB2_4:
0x72: {  	p0 =	sne.s32 s25, $0x4800  }
0x73: {  	[sflag:s14] =	ssyncadd.s32 $0xFFFFC000;
	s26 =	smov.u32 s25;
	s25 =	sadd.s32 $0x400, s25  }
0x74: {  	_ = 	snop  }
0x75: {  	_ =	swait.ge [sflag:s18], $0x4000  }
0x76: {  	s26 =	sshra.s32 s26, $0x2;
	[sflag:s18] =	ssyncset.done $0x0  }
0x77: {  	s28 =	sadd.s32 $0x80, s26;
	[sflag:s18] =	ssyncadd.s32 $0xFFFFC000  }
0x78: {  	[tilespmem:s19], [sflag:$0x2] =	stream.indirect.gather [hbm4b:s4+s16], $0x80, s28, s16, $0xb8;
	[tilespmem:$0x1E800] =	vst v63  }
0x79: {  	s28 =	sadd.s32 $0x1400, s26  }
0x7a: {  	[spmem:s1] =	stream.indirect.scatter.add.f32 [tilespmem:s17], [sflag:$0x3], $0x80, s28, s16, $0xb8;
	[tilespmem:$0x1E800] =	vst v63  }
0x7b: {  	_ =	swait.ge [sflag:s14], $0x4000  }
0x7c: {  	[sflag:s14] =	ssyncset.done $0x0  }
0x7d: {  	[sflag:s14] =	ssyncadd.s32 $0xFFFFC000  }
0x7e: {  	_ =	swait.ge [sflag:s20], $0x4000  }
0x7f: {  	[sflag:s20] =	ssyncset.done $0x0  }
0x80: {  	s28 =	sadd.s32 $0x100, s26;
	[sflag:s20] =	ssyncadd.s32 $0xFFFFC000  }
0x81: {  	[tilespmem:s17], [sflag:$0x1] =	stream.indirect.gather [hbm4b:s4+s16], $0x80, s28, s16, $0xb8;
	[tilespmem:$0x1E800] =	vst v63  }
.Ltmp1:
0x82: {  	_ = 	snop;
	(pc) =	sbr.rel @p0 .LBB2_4-.Ltmp1, $4  }
0x83: {  	s26 =	sadd.s32 $0x1480, s26  }
0x84: {  	[spmem:s1] =	stream.indirect.scatter.add.f32 [tilespmem:s19], [sflag:$0x3], $0x80, s26, s16, $0xb8;
	[tilespmem:$0x1E800] =	vst v63  }
0x85: {  	_ =	swait.ge [sflag:s14], $0x4000  }
0x86: {  	[sflag:s14] =	ssyncset.done $0x0  }
0x87: {  	[sflag:s14] =	ssyncadd.s32 $0xFFFFC000  }
0x88: {  	_ =	swait.ge [sflag:s18], $0x4000  }
0x89: {  	[sflag:s18] =	ssyncset.done $0x0  }
0x8a: {  	[sflag:s18] =	ssyncadd.s32 $0xFFFFC000  }
0x8b: {  	[tilespmem:s19], [sflag:$0x2] =	stream.indirect.gather [hbm4b:s4+s16], $0x80, s21, s16, $0xb8;
	[tilespmem:$0x1E800] =	vst v63  }
0x8c: {  	_ = 	snop  }
0x8d: {  	[spmem:s1] =	stream.indirect.scatter.add.f32 [tilespmem:s17], [sflag:$0x3], $0x80, s22, s16, $0xb8;
	[tilespmem:$0x1E800] =	vst v63  }
0x8e: {  	_ =	swait.ge [sflag:s14], $0x4000  }
0x8f: {  	[sflag:s14] =	ssyncset.done $0x0  }
0x90: {  	[sflag:s14] =	ssyncadd.s32 $0xFFFFC000  }
0x91: {  	_ =	swait.ge [sflag:s20], $0x4000  }
0x92: {  	[sflag:s20] =	ssyncset.done $0x0  }
0x93: {  	[sflag:s20] =	ssyncadd.s32 $0xFFFFC000  }
0x94: {  	[spmem:s1] =	stream.indirect.scatter.add.f32 [tilespmem:s19], [sflag:$0x3], $0x80, s23, s16, $0xb8;
	[tilespmem:$0x1E800] =	vst v63  }
0x95: {  	_ =	swait.ge [sflag:s14], $0x4000  }
0x96: {  	s24 =	sadd.s32 $0x1, s24;
	[sflag:s14] =	ssyncset.done $0x0  }
0x97: {  	p0 =	sne.s32 s24, s12;
	[sflag:s14] =	ssyncadd.s32 $0xFFFFC000  }
.Ltmp2:
0x98: {  	[bflag:$0x0] =	sbarrier.arrive $0xFFFF;
	(pc) =	sbr.rel @p0 .LBB2_1-.Ltmp2, $4  }
0x99: {  	[hbm:s11], [sflag:s6] =	dma.local [spmem:s13], $0x2800  }
0x9a: {  	_ =	swait.ge [sflag:s14], $0x2800  }
0x9b: {  	[sflag:s14] =	ssyncset.done $0x0  }
0x9c: {  	[sflag:s14] =	ssyncadd.s32 $0xFFFFD800  }
0x9d: {  	_ =	sfence.sel $0x180000  }
0x9e: {  	[bflag:$0x0] =	sbarrier.arrive $0xFFFF  }
0x9f: {  	p0 =	sne.s32 s2, $0x0;
	_ =	strace $0x90000050  }
0xa0: {  	s0 =	sadd.s32 @!p0 $0x100000, s0;
	[bflag:$0x2] =	sbarrier.arrive $0xFFFF  }
0xa1: {  	[sflag:s0] =	ssyncadd.tile.s32 @!p0 $0x1;
	_ =	shalt  }
.Lfunc_end2:
_tile_overlayer_lowered:
.L_overlay_start_2:
0xa2: {  	(tag) =	ssettag $0x2  }
0xa3: {  	s0 =	rddreg [dreg:$0x0];
	s2 =	stileid.u32  }
0xa4: {  	s1 =	rddreg [dreg:$0x1];
	p0 =	sne.s32 s2, $0x0  }
0xa5: {  	s3 =	rddreg [dreg:$0x2];
	[bflag:$0x3] =	sbarrier.arrive $0xFFFF;
	s2 =	simm.s32 @!p0 $0x1C03  }
0xa6: {  	[timem:s3], [sflag:s2] =	dma.local @!p0 [hbm:s0], s1  }
0xa7: {  	s0 =	simm.s32 @!p0 $0x3  }
0xa8: {  	_ =	swait.ge @!p0 [sflag:s0], s1  }
0xa9: {  	s1 =	ssub.s32 @!p0 $0x0, s1;
	[sflag:s0] =	ssyncset.done @!p0 $0x0  }
0xaa: {  	[sflag:s0] =	ssyncadd.s32 @!p0 s1  }
0xab: {  	[bflag:$0x3] =	sbarrier.arrive $0xFFFF  }
0xac: {  	_ =	shalt  }

// kernel: kernel.25.cloned.1.call-start
scs
__scs_entry_jumppad:
0x0: {  	(pc) =	sbr.rel $0x88, $3  }
0x1: {  	(tag) =	ssettag $0x0;
	lr =	simm.s32 $0x1  }
0x2: {  	[smem:$0x3F93] =	sst lr;
	_ =	strace $0xD0000000  }
0x3: {  	_ = 	snop  }
0x4: {  	_ = 	snop  }
0x5: {  	_ = 	snop  }
0x6: {  	_ = 	snop  }
0x7: {  	_ = 	snop  }
__scs_overlays_trampoline_lowered:
0x8: {  	[smem:$0x3FA2] =	sst s0  }
0x9: {  	[smem:$0x3FA3] =	sst s1  }
0xa: {  	[smem:$0x3FA4] =	sst s2  }
0xb: {  	[smem:$0x3FA5] =	sst s3  }
0xc: {  	[smem:$0x3FA6] =	sst s4  }
0xd: {  	[smem:$0x3FA7] =	sst s5  }
0xe: {  	[smem:$0x3FA8] =	sst s6  }
0xf: {  	[smem:$0x3FA9] =	sst s7  }
0x10: {  	[smem:$0x3FAA] =	sst s8  }
0x11: {  	[smem:$0x3FAB] =	sst s9;
	s0 =	simm.s32 @!p0 $0x0  }
0x12: {  	s1 =	sld [smem:$0x3F91];
	s0 =	simm.s32 @p0 $0x1  }
0x13: {  	[smem:$0x3FAC] =	sst s0;
	s0 =	simm.s32 @!p1 $0x0  }
0x14: {  	s2 =	sld [smem:$0x3F90];
	s0 =	simm.s32 @p1 $0x1  }
0x15: {  	[smem:$0x3FAD] =	sst s0;
	s0 =	simm.s32 @!p2 $0x0  }
0x16: {  	s3 =	sld [smem:$0x3FDB];
	s0 =	simm.s32 @p2 $0x1  }
0x17: {  	s4 =	simm.s32 $0x1BF5;
	[smem:$0x3FAF] =	sst s0  }
0x18: {  	s0 =	sld [smem:$0x3F92];
	_ =	swait.ge [sflag:s4], $0x0  }
0x19: {  	s7 =	sld [smem:$0x3F93]  }
0x1a: {  	s8 =	sadd.s32 $0xFFFFE003, lr  }
0x1b: {  	s9 =	sadd.s32 $0xFFFFFEF7, lr;
	s5 =	simm.s32 $0xFFFFFFFF;
	p2 =	slt.u32 s8, $0xFFFFF086  }
0x1c: {  	p1 =	slt.u32 s9, $0xF7A;
	s5 =	simm.s32 @!p2 $0x0  }
0x1d: {  	s5 =	simm.s32 @p1 $0x1;
	p0 =	seq.s32 s7, s2  }
0x1e: {  	s7 =	smul.u32 @!p0 $0xF7A, s2;
	p2 =	seq.s32 @!p0 s5, $0x0  }
0x1f: {  	s9 =	smul.u32 $0xF7A, s1;
	s8 =	simm.s32 @!p0 $0x1BF5;
	p2 =	por !p2, p0  }
0x20: {  	[sflag:s8] =	ssyncset.s32 @!p0 $0xFFFFF086;
	s6 =	sadd.s32 @!p0 s3, s7;
	s7 =	simm.s32 @!p0 $0x108  }
0x21: {  	s3 =	sadd.s32 s3, s9;
	s6 =	sadd.s32 @!p0 $0x88, s6;
	s7 =	simm.s32 @p2 $0x1082  }
0x22: {  	[simem:s7], [sflag:s8] =	dma.local @!p0 [hbm:s6], $0xF7A  }
0x23: {  	s9 =	sor.u32 $0xD0000000, s2;
	s6 =	simm.s32 $0x108;
	_ =	swait.ge @!p0 [sflag:s8], $0x0  }
0x24: {  	s3 =	sadd.s32 $0x88, s3;
	s6 =	simm.s32 @!p1 $0x1082;
	[sflag:s4] =	ssyncset.s32 $0xFFFFF086  }
0x25: {  	[simem:s6], [sflag:s4] =	dma.local [hbm:s3], $0xF7A  }
0x26: {  	[smem:$0x3F93] =	sst s1;
	(tag) =	ssettag s2;
	_ =	strace s9  }
0x27: {  	s1 =	sld [smem:$0x3FA3]  }
0x28: {  	s2 =	sld [smem:$0x3FA4]  }
0x29: {  	s4 =	sld [smem:$0x3FA6]  }
0x2a: {  	p0 =	seq.s32 s5, $0x0;
	s5 =	sld [smem:$0x3FA7]  }
0x2b: {  	s6 =	sld [smem:$0x3FA8]  }
0x2c: {  	s7 =	sld [smem:$0x3FA9]  }
0x2d: {  	s3 =	simm.s32 $0x108;
	s8 =	sld [smem:$0x3FAA]  }
0x2e: {  	s3 =	simm.s32 @!p0 $0x1082;
	s9 =	sld [smem:$0x3FAB]  }
0x2f: {  	lr =	sadd.s32 s0, s3;
	s0 =	sld [smem:$0x3FA2]  }
0x30: {  	s3 =	sld [smem:$0x3FA5]  }
0x31: {  	[smem:$0x3FAE] =	sst s10  }
0x32: {  	s10 =	sld [smem:$0x3FAC];
	_ =	sdelay $0x3  }
0x33: {  	p0 =	seq.s32 s10, $0x1;
	s10 =	sld [smem:$0x3FAE];
	_ =	sdelay $0x3  }
0x34: {  	[smem:$0x3FAE] =	sst s10  }
0x35: {  	s10 =	sld [smem:$0x3FAD];
	_ =	sdelay $0x3  }
0x36: {  	p1 =	seq.s32 s10, $0x1;
	s10 =	sld [smem:$0x3FAE];
	_ =	sdelay $0x3  }
0x37: {  	[smem:$0x3FAE] =	sst s10  }
0x38: {  	s10 =	sld [smem:$0x3FAF]  }
0x39: {  	_ = 	snop;
	(pc) =	sbr.ind lr, $3  }
0x3a: {  	_ = 	snop  }
0x3b: {  	_ = 	snop  }
0x3c: {  	p2 =	seq.s32 s10, $0x1;
	s10 =	sld [smem:$0x3FAE]  }
0x3d: {  	_ =	shalt  }
0x3e: {  	_ =	shalt  }
0x3f: {  	_ =	shalt  }
0x40: {  	_ =	shalt  }
0x41: {  	_ =	shalt  }
0x42: {  	_ =	shalt  }
0x43: {  	_ =	shalt  }
0x44: {  	_ =	shalt  }
0x45: {  	_ =	shalt  }
0x46: {  	_ =	shalt  }
0x47: {  	_ =	shalt  }
0x48: {  	_ =	shalt  }
0x49: {  	_ =	shalt  }
0x4a: {  	_ =	shalt  }
0x4b: {  	_ =	shalt  }
0x4c: {  	_ =	shalt  }
0x4d: {  	_ =	shalt  }
0x4e: {  	_ =	shalt  }
0x4f: {  	_ =	shalt  }
0x50: {  	_ =	shalt  }
0x51: {  	_ =	shalt  }
0x52: {  	_ =	shalt  }
0x53: {  	_ =	shalt  }
0x54: {  	_ =	shalt  }
0x55: {  	_ =	shalt  }
0x56: {  	_ =	shalt  }
0x57: {  	_ =	shalt  }
0x58: {  	_ =	shalt  }
0x59: {  	_ =	shalt  }
0x5a: {  	_ =	shalt  }
0x5b: {  	_ =	shalt  }
0x5c: {  	_ =	shalt  }
0x5d: {  	_ =	shalt  }
0x5e: {  	_ =	shalt  }
0x5f: {  	_ =	shalt  }
0x60: {  	_ =	shalt  }
0x61: {  	_ =	shalt  }
0x62: {  	_ =	shalt  }
0x63: {  	_ =	shalt  }
0x64: {  	_ =	shalt  }
0x65: {  	_ =	shalt  }
0x66: {  	_ =	shalt  }
0x67: {  	_ =	shalt  }
0x68: {  	_ =	shalt  }
0x69: {  	_ =	shalt  }
0x6a: {  	_ =	shalt  }
0x6b: {  	_ =	shalt  }
0x6c: {  	_ =	shalt  }
0x6d: {  	_ =	shalt  }
0x6e: {  	_ =	shalt  }
0x6f: {  	_ =	shalt  }
0x70: {  	_ =	shalt  }
0x71: {  	_ =	shalt  }
0x72: {  	_ =	shalt  }
0x73: {  	_ =	shalt  }
0x74: {  	_ =	shalt  }
0x75: {  	_ =	shalt  }
0x76: {  	_ =	shalt  }
0x77: {  	_ =	shalt  }
0x78: {  	_ =	shalt  }
0x79: {  	_ =	shalt  }
0x7a: {  	_ =	shalt  }
0x7b: {  	_ =	shalt  }
0x7c: {  	_ =	shalt  }
0x7d: {  	_ =	shalt  }
0x7e: {  	_ =	shalt  }
0x7f: {  	_ =	shalt  }
0x80: {  	_ =	shalt  }
0x81: {  	_ =	shalt  }
0x82: {  	_ =	shalt  }
0x83: {  	_ =	shalt  }
0x84: {  	_ =	shalt  }
0x85: {  	_ =	shalt  }
0x86: {  	_ =	shalt  }
0x87: {  	_ =	shalt  }
.Lfunc_end0:
.L_simem_size_0:
called_computation.4_lowered:
.L_overlay_start_0:
0x88: {  	s2 =	sld [smem:$0x3FD9]  }
0x89: {  	s3 =	sld [smem:$0x3FFE];
	_ =	sdelay $0x1  }
0x8a: {  	s1 =	srdreg.scid  }
0x8b: {  	s0 =	sand.u32 $0x1, s1  }
0x8c: {  	s16 =	sshll.u32 s0, $0xA;
	s2 =	sadd.s32 s3, s2  }
0x8d: {  	s2 =	sadd.s32 s2, s16  }
0x8e: {  	[smem:$0x3FBA] =	sst s2  }
0x8f: {  	_ = 	snop  }
0x90: {  	(tm) =	ssettm $0x1  }
0x91: {  	s17 =	sld [smem:$0x3FFB];
	_ =	sdelay $0x3  }
0x92: {  	_ =	strace s17  }
0x93: {  	s2 =	sld [smem:$0x3FFC];
	_ =	sdelay $0x3  }
0x94: {  	_ =	strace s2  }
0x95: {  	s2 =	sld [smem:$0x3FFD];
	_ =	sdelay $0x3  }
0x96: {  	_ =	strace s2  }
0x97: {  	_ =	strace $0x8FFFFFFF  }
0x98: {  	s18 =	sld [smem:$0x3FDB];
	_ =	sdelay $0x1  }
0x99: {  	s19 =	simm.s32 $_scs_section_size  }
0x9a: {  	s4 =	simm.s32 $_size__tile_overlayer_lowered;
	s5 =	simm.s32 $_tile_overlayer_lowered  }
0x9b: {  	s22 =	simm.s32 $0x1BFF;
	s21 =	sshll.u32 s5, $0x1;
	s2 =	sadd.s32 s19, s18  }
0x9c: {  	s6 =	simm.s32 $0x0;
	s20 =	sshll.u32 s4, $0x1;
	s4 =	sadd.s32 s21, s2  }
0x9d: {  	[timem:s6], [sflag:s22] =	dma.local [hbm:s4], s20  }
0x9e: {  	_ =	swait.ge [sflag:s22], s20  }
0x9f: {  	s3 =	ssub.s32 $0x0, s20;
	[sflag:s22] =	ssyncset.done $0x0  }
0xa0: {  	[sflag:s22] =	ssyncadd.s32 s3;
	_ =	sdelay $0x1  }
0xa1: {  	s23 =	simm.s32 $0x1B8B  }
0xa2: {  	_ =	swait.ge [sflag:s23], $0x1  }
0xa3: {  	[sflag:s23] =	ssyncset.done $0x0  }
0xa4: {  	s25 =	simm.s32 $0x1B8E;
	s24 =	sld [smem:$0x3FFE];
	[sflag:s23] =	ssyncadd.s32 $0xFFFFFFFF  }
0xa5: {  	s26 =	simm.s32 $execute0_lowered;
	[smem:$0x3FD2] =	sst s25  }
0xa6: {  	s4 =	sshll.u32 s26, $0x1;
	_ =	strace $0x80000052;
	[dreg:$0x1] =	wrdreg $0xFFFFFFFF  }
0xa7: {  	s28 =	simm.s32 $_size_execute0_lowered;
	s2 =	sadd.s32 s2, s4;
	[dreg:$0x0] =	wrdreg $0x0  }
0xa8: {  	s4 =	sshll.u32 s28, $0x1;
	[dreg:$0x2] =	wrdreg s2  }
0xa9: {  	[dreg:$0x3] =	wrdreg s4  }
0xaa: {  	[dreg:$0x4] =	wrdreg $0xC0  }
0xab: {  	_ =	task [dreg:s6], $0x5FFFF  }
0xac: {  	[dreg:$0x1] =	wrdreg $0xFFFFFFFF  }
0xad: {  	[dreg:$0x0] =	wrdreg $0x60  }
0xae: {  	[dreg:$0x2] =	wrdreg s24  }
0xaf: {  	[dreg:$0x3] =	wrdreg $0xA8000  }
0xb0: {  	[dreg:$0x4] =	wrdreg $0x9  }
0xb1: {  	_ =	task.clear_ibuf [dreg:s6], $0x5FFFF;
	_ =	strace $0x90000052  }
0xb2: {  	s29 =	simm.s32 $0x9;
	_ =	strace $0x80000054  }
0xb3: {  	_ =	swait.ge [sflag:s29], $0x1  }
0xb4: {  	[sflag:s29] =	ssyncadd.s32 $0xFFFFFFFF  }
0xb5: {  	_ =	strace $0x90000054  }
0xb6: {  	_ =	sfence  }
0xb7: {  	s30 =	sld [smem:$0x0];
	_ =	sdelay $0x2  }
0xb8: {  	s31 =	sshll.u32 s1, $0xD;
	s1 =	sshrl.u32 s1, $0x2  }
0xb9: {  	s3 =	sand.u32 $0x4000, s31;
	s1 =	sadd.s32 s1, s30  }
0xba: {  	s0 =	sor.u32 s3, s0;
	s1 =	sshll.u32 s1, $0x11  }
0xbb: {  	s0 =	sor.u32 s1, s0  }
0xbc: {  	s0 =	sadd.s32 $0x8F2B, s0  }
0xbd: {  	[sflag:s0] =	ssyncadd.remote.s32 $0x1  }
0xbe: {  	_ =	sfence.sel $0xFFFF  }
0xbf: {  	[dreg:$0x0] =	wrdreg $0xFFFFFFFF;
	(pc) =	sbr.abs _section_cstart, $3  }
0xc0: {  	[dreg:$0x1] =	wrdreg $0xFFFFFFFF  }
0xc1: {  	_ =	task.clear_ibuf [dreg:s6], $0x2FFFF;
	_ =	strace $0x9FFFFFFF  }
0xc2: {  	(tm) =	ssettm $0x7FFFFFFF  }
0xc3: {  	_ =	shalt  }
tec
execute0_lowered:
.L_overlay_start_1:
0x0: {  	(tag) =	ssettag $0x1  }
0x1: {  	s6 =	rddreg [dreg:$0x0]  }
0x2: {  	s1 =	rddreg [dreg:$0x1]  }
0x3: {  	s2 =	srdreg.scid;
	s0 =	rddreg [dreg:$0x2]  }
0x4: {  	s3 =	simm.s32 $0x0;
	s15 =	simm.s32 $0x1400;
	s16 =	simm.s32 $0x80  }
0x5: {  	s17 =	simm.s32 $0x2800;
	s18 =	simm.s32 $0x1;
	s19 =	simm.s32 $0x6800  }
0x6: {  	s20 =	simm.s32 $0x2;
	s21 =	simm.s32 $0x1380;
	s22 =	simm.s32 $0x2700  }
0x7: {  	s5 =	sand.u32 $0x1, s2;
	s2 =	stileid.u32;
	[smem:$0x7FF] =	sst s3  }
0x8: {  	s4 =	sadd.s32 $0x1C000, s6;
	s9 =	sadd.s32 $0xF800, s6;
	s7 =	smul.u32 $0x140000, s5  }
0x9: {  	s10 =	sadd.s32 $0x5800, s6;
	s8 =	smul.u32 $0x14000, s2;
	_ =	strace $0x80000053  }
0xa: {  	s23 =	sshll.u32 s5, $0x4;
	s11 =	ssub.s32 $0x2, s5;
	s25 =	smul.u32 $0x50000, s2  }
0xb: {  	s5 =	sadd.s32 $0x19800, s6;
	s28 =	sshll.u32 s2, $0x6;
	s24 =	sor.u32 s2, s23  }
0xc: {  	s12 =	sshrl.u32 s11, $0x1;
	s23 =	simm.s32 $0x2780;
	s7 =	sadd.s32 s8, s7  }
0xd: {  	s13 =	smul.u32 $0x2800, s24;
	s12 =	ssub.s32 s11, s12;
	s26 =	sshrl.u32 s25, $0x2  }
0xe: {  	s24 =	simm.s32 $0x0;
	s7 =	sshrl.u32 s7, $0x3;
	s30 =	sadd.s32 s26, s1  }
0xf: {  	s12 =	smax.u32 s12, $0x1;
	s14 =	sadd.s32 s7, s6;
	s29 =	sshrl.u32 s13, $0x3  }
0x10: {  	s6 =	sor.u32 $0x1C03, s28;
	s13 =	sshrl.u32 s30, $0x3;
	s31 =	sadd.s32 $0x280, s29  }
0x11: {  	s7 =	sadd.s32 s9, s29;
	s8 =	sadd.s32 s10, s29;
	s11 =	sadd.s32 $0x6C000, s14  }
0x12: {  	s14 =	simm.s32 $0x3;
	s9 =	sadd.s32 s9, s31;
	s10 =	sadd.s32 s10, s31  }
.LBB2_1:
0x13: {  	[spmem:s13], [sflag:s6] =	dma.local [hbm:s5], $0x2800  }
0x14: {  	_ =	swait.ge [sflag:s14], $0x2800  }
0x15: {  	[sflag:s14] =	ssyncset.done $0x0  }
0x16: {  	[sflag:s14] =	ssyncadd.s32 $0xFFFFD800  }
0x17: {  	[bflag:$0x0] =	sbarrier.arrive $0xFFFF  }
0x18: {  	[tilespmem:s3], [sflag:$0x3] =	stream.linear.gather [hbm4b:s7+s3], $0x1400, $0x38;
	[tilespmem:$0x1E800] =	vst v63  }
0x19: {  	_ =	swait.ge [sflag:s14], $0x1400  }
0x1a: {  	[sflag:s14] =	ssyncset.done $0x0  }
0x1b: {  	[sflag:s14] =	ssyncadd.s32 $0xFFFFEC00  }
0x1c: {  	[tilespmem:s15], [sflag:$0x3] =	stream.linear.gather [hbm4b:s8+s3], $0x1400, $0x38;
	[tilespmem:$0x1E800] =	vst v63  }
0x1d: {  	_ =	swait.ge [sflag:s14], $0x1400  }
0x1e: {  	[sflag:s14] =	ssyncset.done $0x0  }
0x1f: {  	[sflag:s14] =	ssyncadd.s32 $0xFFFFEC00  }
0x20: {  	[tilespmem:s17], [sflag:$0x1] =	stream.indirect.gather [hbm4b:s4+s16], $0x80, s3, s16, $0xb8;
	[tilespmem:$0x1E800] =	vst v63  }
0x21: {  	_ =	swait.ge [sflag:s18], $0x4000  }
0x22: {  	[sflag:s18] =	ssyncset.done $0x0  }
0x23: {  	s25 =	simm.s32 $0x80;
	[sflag:s18] =	ssyncadd.s32 $0xFFFFC000  }
0x24: {  	[tilespmem:s19], [sflag:$0x2] =	stream.indirect.gather [hbm4b:s4+s16], $0x80, s25, s16, $0xb8;
	[tilespmem:$0x1E800] =	vst v63  }
0x25: {  	s29 =	simm.s32 $0x1400  }
0x26: {  	[spmem:s1] =	stream.indirect.scatter.add.f32 [tilespmem:s17], [sflag:$0x3], $0x80, s29, s16, $0xb8;
	[tilespmem:$0x1E800] =	vst v63  }
0x27: {  	_ =	swait.ge [sflag:s14], $0x4000  }
0x28: {  	[sflag:s14] =	ssyncset.done $0x0  }
0x29: {  	[sflag:s14] =	ssyncadd.s32 $0xFFFFC000  }
0x2a: {  	_ =	swait.ge [sflag:s20], $0x4000  }
0x2b: {  	[sflag:s20] =	ssyncset.done $0x0  }
0x2c: {  	s30 =	simm.s32 $0x100;
	[sflag:s20] =	ssyncadd.s32 $0xFFFFC000  }
0x2d: {  	[tilespmem:s17], [sflag:$0x1] =	stream.indirect.gather [hbm4b:s4+s16], $0x80, s30, s16, $0xb8;
	[tilespmem:$0x1E800] =	vst v63  }
0x2e: {  	s31 =	simm.s32 $0x1480  }
0x2f: {  	[spmem:s1] =	stream.indirect.scatter.add.f32 [tilespmem:s19], [sflag:$0x3], $0x80, s31, s16, $0xb8;
	[tilespmem:$0x1E800] =	vst v63  }
0x30: {  	_ =	swait.ge [sflag:s14], $0x4000  }
0x31: {  	s25 =	simm.s32 $0x400;
	[sflag:s14] =	ssyncset.done $0x0  }
.LBB2_2:
0x32: {  	p0 =	sne.s32 s25, $0x4800  }
0x33: {  	[sflag:s14] =	ssyncadd.s32 $0xFFFFC000;
	s26 =	smov.u32 s25;
	s25 =	sadd.s32 $0x400, s25  }
0x34: {  	_ = 	snop  }
0x35: {  	_ =	swait.ge [sflag:s18], $0x4000  }
0x36: {  	s26 =	sshra.s32 s26, $0x2;
	[sflag:s18] =	ssyncset.done $0x0  }
0x37: {  	s28 =	sadd.s32 $0x80, s26;
	[sflag:s18] =	ssyncadd.s32 $0xFFFFC000  }
0x38: {  	[tilespmem:s19], [sflag:$0x2] =	stream.indirect.gather [hbm4b:s4+s16], $0x80, s28, s16, $0xb8;
	[tilespmem:$0x1E800] =	vst v63  }
0x39: {  	s28 =	sadd.s32 $0x1400, s26  }
0x3a: {  	[spmem:s1] =	stream.indirect.scatter.add.f32 [tilespmem:s17], [sflag:$0x3], $0x80, s28, s16, $0xb8;
	[tilespmem:$0x1E800] =	vst v63  }
0x3b: {  	_ =	swait.ge [sflag:s14], $0x4000  }
0x3c: {  	[sflag:s14] =	ssyncset.done $0x0  }
0x3d: {  	[sflag:s14] =	ssyncadd.s32 $0xFFFFC000  }
0x3e: {  	_ =	swait.ge [sflag:s20], $0x4000  }
0x3f: {  	[sflag:s20] =	ssyncset.done $0x0  }
0x40: {  	s28 =	sadd.s32 $0x100, s26;
	[sflag:s20] =	ssyncadd.s32 $0xFFFFC000  }
0x41: {  	[tilespmem:s17], [sflag:$0x1] =	stream.indirect.gather [hbm4b:s4+s16], $0x80, s28, s16, $0xb8;
	[tilespmem:$0x1E800] =	vst v63  }
.Ltmp0:
0x42: {  	_ = 	snop;
	(pc) =	sbr.rel @p0 .LBB2_2-.Ltmp0, $4  }
0x43: {  	s26 =	sadd.s32 $0x1480, s26  }
0x44: {  	[spmem:s1] =	stream.indirect.scatter.add.f32 [tilespmem:s19], [sflag:$0x3], $0x80, s26, s16, $0xb8;
	[tilespmem:$0x1E800] =	vst v63  }
0x45: {  	_ =	swait.ge [sflag:s14], $0x4000  }
0x46: {  	[sflag:s14] =	ssyncset.done $0x0  }
0x47: {  	[sflag:s14] =	ssyncadd.s32 $0xFFFFC000  }
0x48: {  	_ =	swait.ge [sflag:s18], $0x4000  }
0x49: {  	[sflag:s18] =	ssyncset.done $0x0  }
0x4a: {  	[sflag:s18] =	ssyncadd.s32 $0xFFFFC000  }
0x4b: {  	[tilespmem:s19], [sflag:$0x2] =	stream.indirect.gather [hbm4b:s4+s16], $0x80, s21, s16, $0xb8;
	[tilespmem:$0x1E800] =	vst v63  }
0x4c: {  	_ = 	snop  }
0x4d: {  	[spmem:s1] =	stream.indirect.scatter.add.f32 [tilespmem:s17], [sflag:$0x3], $0x80, s22, s16, $0xb8;
	[tilespmem:$0x1E800] =	vst v63  }
0x4e: {  	_ =	swait.ge [sflag:s14], $0x4000  }
0x4f: {  	[sflag:s14] =	ssyncset.done $0x0  }
0x50: {  	[sflag:s14] =	ssyncadd.s32 $0xFFFFC000  }
0x51: {  	_ =	swait.ge [sflag:s20], $0x4000  }
0x52: {  	[sflag:s20] =	ssyncset.done $0x0  }
0x53: {  	[sflag:s20] =	ssyncadd.s32 $0xFFFFC000  }
0x54: {  	[spmem:s1] =	stream.indirect.scatter.add.f32 [tilespmem:s19], [sflag:$0x3], $0x80, s23, s16, $0xb8;
	[tilespmem:$0x1E800] =	vst v63  }
0x55: {  	_ =	swait.ge [sflag:s14], $0x4000  }
0x56: {  	[sflag:s14] =	ssyncset.done $0x0  }
0x57: {  	s25 =	simm.s32 $0x0;
	[sflag:s14] =	ssyncadd.s32 $0xFFFFC000  }
0x58: {  	[tilespmem:s25], [sflag:$0x3] =	stream.linear.gather [hbm4b:s9+s25], $0x1400, $0x38;
	[tilespmem:$0x1E800] =	vst v63  }
0x59: {  	_ =	swait.ge [sflag:s14], $0x1400  }
0x5a: {  	[sflag:s14] =	ssyncset.done $0x0  }
0x5b: {  	[sflag:s14] =	ssyncadd.s32 $0xFFFFEC00  }
0x5c: {  	[tilespmem:s15], [sflag:$0x3] =	stream.linear.gather [hbm4b:s10+s25], $0x1400, $0x38;
	[tilespmem:$0x1E800] =	vst v63  }
0x5d: {  	_ =	swait.ge [sflag:s14], $0x1400  }
0x5e: {  	[sflag:s14] =	ssyncset.done $0x0  }
0x5f: {  	[sflag:s14] =	ssyncadd.s32 $0xFFFFEC00  }
0x60: {  	[tilespmem:s17], [sflag:$0x1] =	stream.indirect.gather [hbm4b:s4+s16], $0x80, s25, s16, $0xb8;
	[tilespmem:$0x1E800] =	vst v63  }
0x61: {  	_ =	swait.ge [sflag:s18], $0x4000  }
0x62: {  	[sflag:s18] =	ssyncset.done $0x0  }
0x63: {  	s28 =	simm.s32 $0x80;
	[sflag:s18] =	ssyncadd.s32 $0xFFFFC000  }
0x64: {  	[tilespmem:s19], [sflag:$0x2] =	stream.indirect.gather [hbm4b:s4+s16], $0x80, s28, s16, $0xb8;
	[tilespmem:$0x1E800] =	vst v63  }
0x65: {  	s29 =	simm.s32 $0x1400  }
0x66: {  	[spmem:s1] =	stream.indirect.scatter.add.f32 [tilespmem:s17], [sflag:$0x3], $0x80, s29, s16, $0xb8;
	[tilespmem:$0x1E800] =	vst v63  }
0x67: {  	_ =	swait.ge [sflag:s14], $0x4000  }
0x68: {  	[sflag:s14] =	ssyncset.done $0x0  }
0x69: {  	[sflag:s14] =	ssyncadd.s32 $0xFFFFC000  }
0x6a: {  	_ =	swait.ge [sflag:s20], $0x4000  }
0x6b: {  	[sflag:s20] =	ssyncset.done $0x0  }
0x6c: {  	s30 =	simm.s32 $0x100;
	[sflag:s20] =	ssyncadd.s32 $0xFFFFC000  }
0x6d: {  	[tilespmem:s17], [sflag:$0x1] =	stream.indirect.gather [hbm4b:s4+s16], $0x80, s30, s16, $0xb8;
	[tilespmem:$0x1E800] =	vst v63  }
0x6e: {  	s31 =	simm.s32 $0x1480  }
0x6f: {  	[spmem:s1] =	stream.indirect.scatter.add.f32 [tilespmem:s19], [sflag:$0x3], $0x80, s31, s16, $0xb8;
	[tilespmem:$0x1E800] =	vst v63  }
0x70: {  	_ =	swait.ge [sflag:s14], $0x4000  }
0x71: {  	s25 =	simm.s32 $0x400;
	[sflag:s14] =	ssyncset.done $0x0  }
.LBB2_4:
0x72: {  	p0 =	sne.s32 s25, $0x4800  }
0x73: {  	[sflag:s14] =	ssyncadd.s32 $0xFFFFC000;
	s26 =	smov.u32 s25;
	s25 =	sadd.s32 $0x400, s25  }
0x74: {  	_ = 	snop  }
0x75: {  	_ =	swait.ge [sflag:s18], $0x4000  }
0x76: {  	s26 =	sshra.s32 s26, $0x2;
	[sflag:s18] =	ssyncset.done $0x0  }
0x77: {  	s28 =	sadd.s32 $0x80, s26;
	[sflag:s18] =	ssyncadd.s32 $0xFFFFC000  }
0x78: {  	[tilespmem:s19], [sflag:$0x2] =	stream.indirect.gather [hbm4b:s4+s16], $0x80, s28, s16, $0xb8;
	[tilespmem:$0x1E800] =	vst v63  }
0x79: {  	s28 =	sadd.s32 $0x1400, s26  }
0x7a: {  	[spmem:s1] =	stream.indirect.scatter.add.f32 [tilespmem:s17], [sflag:$0x3], $0x80, s28, s16, $0xb8;
	[tilespmem:$0x1E800] =	vst v63  }
0x7b: {  	_ =	swait.ge [sflag:s14], $0x4000  }
0x7c: {  	[sflag:s14] =	ssyncset.done $0x0  }
0x7d: {  	[sflag:s14] =	ssyncadd.s32 $0xFFFFC000  }
0x7e: {  	_ =	swait.ge [sflag:s20], $0x4000  }
0x7f: {  	[sflag:s20] =	ssyncset.done $0x0  }
0x80: {  	s28 =	sadd.s32 $0x100, s26;
	[sflag:s20] =	ssyncadd.s32 $0xFFFFC000  }
0x81: {  	[tilespmem:s17], [sflag:$0x1] =	stream.indirect.gather [hbm4b:s4+s16], $0x80, s28, s16, $0xb8;
	[tilespmem:$0x1E800] =	vst v63  }
.Ltmp1:
0x82: {  	_ = 	snop;
	(pc) =	sbr.rel @p0 .LBB2_4-.Ltmp1, $4  }
0x83: {  	s26 =	sadd.s32 $0x1480, s26  }
0x84: {  	[spmem:s1] =	stream.indirect.scatter.add.f32 [tilespmem:s19], [sflag:$0x3], $0x80, s26, s16, $0xb8;
	[tilespmem:$0x1E800] =	vst v63  }
0x85: {  	_ =	swait.ge [sflag:s14], $0x4000  }
0x86: {  	[sflag:s14] =	ssyncset.done $0x0  }
0x87: {  	[sflag:s14] =	ssyncadd.s32 $0xFFFFC000  }
0x88: {  	_ =	swait.ge [sflag:s18], $0x4000  }
0x89: {  	[sflag:s18] =	ssyncset.done $0x0  }
0x8a: {  	[sflag:s18] =	ssyncadd.s32 $0xFFFFC000  }
0x8b: {  	[tilespmem:s19], [sflag:$0x2] =	stream.indirect.gather [hbm4b:s4+s16], $0x80, s21, s16, $0xb8;
	[tilespmem:$0x1E800] =	vst v63  }
0x8c: {  	_ = 	snop  }
0x8d: {  	[spmem:s1] =	stream.indirect.scatter.add.f32 [tilespmem:s17], [sflag:$0x3], $0x80, s22, s16, $0xb8;
	[tilespmem:$0x1E800] =	vst v63  }
0x8e: {  	_ =	swait.ge [sflag:s14], $0x4000  }
0x8f: {  	[sflag:s14] =	ssyncset.done $0x0  }
0x90: {  	[sflag:s14] =	ssyncadd.s32 $0xFFFFC000  }
0x91: {  	_ =	swait.ge [sflag:s20], $0x4000  }
0x92: {  	[sflag:s20] =	ssyncset.done $0x0  }
0x93: {  	[sflag:s20] =	ssyncadd.s32 $0xFFFFC000  }
0x94: {  	[spmem:s1] =	stream.indirect.scatter.add.f32 [tilespmem:s19], [sflag:$0x3], $0x80, s23, s16, $0xb8;
	[tilespmem:$0x1E800] =	vst v63  }
0x95: {  	_ =	swait.ge [sflag:s14], $0x4000  }
0x96: {  	s24 =	sadd.s32 $0x1, s24;
	[sflag:s14] =	ssyncset.done $0x0  }
0x97: {  	p0 =	sne.s32 s24, s12;
	[sflag:s14] =	ssyncadd.s32 $0xFFFFC000  }
.Ltmp2:
0x98: {  	[bflag:$0x0] =	sbarrier.arrive $0xFFFF;
	(pc) =	sbr.rel @p0 .LBB2_1-.Ltmp2, $4  }
0x99: {  	[hbm:s11], [sflag:s6] =	dma.local [spmem:s13], $0x2800  }
0x9a: {  	_ =	swait.ge [sflag:s14], $0x2800  }
0x9b: {  	[sflag:s14] =	ssyncset.done $0x0  }
0x9c: {  	[sflag:s14] =	ssyncadd.s32 $0xFFFFD800  }
0x9d: {  	_ =	sfence.sel $0x180000  }
0x9e: {  	[bflag:$0x0] =	sbarrier.arrive $0xFFFF  }
0x9f: {  	p0 =	sne.s32 s2, $0x0;
	_ =	strace $0x90000053  }
0xa0: {  	s0 =	sadd.s32 @!p0 $0x100000, s0;
	[bflag:$0x2] =	sbarrier.arrive $0xFFFF  }
0xa1: {  	[sflag:s0] =	ssyncadd.tile.s32 @!p0 $0x1;
	_ =	shalt  }
.Lfunc_end2:
_tile_overlayer_lowered:
.L_overlay_start_2:
0xa2: {  	(tag) =	ssettag $0x2  }
0xa3: {  	s0 =	rddreg [dreg:$0x0];
	s2 =	stileid.u32  }
0xa4: {  	s1 =	rddreg [dreg:$0x1];
	p0 =	sne.s32 s2, $0x0  }
0xa5: {  	s3 =	rddreg [dreg:$0x2];
	[bflag:$0x3] =	sbarrier.arrive $0xFFFF;
	s2 =	simm.s32 @!p0 $0x1C03  }
0xa6: {  	[timem:s3], [sflag:s2] =	dma.local @!p0 [hbm:s0], s1  }
0xa7: {  	s0 =	simm.s32 @!p0 $0x3  }
0xa8: {  	_ =	swait.ge @!p0 [sflag:s0], s1  }
0xa9: {  	s1 =	ssub.s32 @!p0 $0x0, s1;
	[sflag:s0] =	ssyncset.done @!p0 $0x0  }
0xaa: {  	[sflag:s0] =	ssyncadd.s32 @!p0 s1  }
0xab: {  	[bflag:$0x3] =	sbarrier.arrive $0xFFFF  }
0xac: {  	_ =	shalt  }

</sc_bundles>
